<compile_context>
chip_gen: v7x
topology: tpu7x:2x2x1
jax: 0.10.2.dev20260603
libtpu: 0.0.44.dev20260713+nightly
codegen_flags: <defaults>
</compile_context>

<pallas_src>
import functools

import jax
import jax.numpy as jnp
from jax import lax
from jax.experimental import pallas as pl
from jax.experimental.pallas import tpu as pltpu
from jax.experimental.pallas import tpu_sc as plsc

N = 100000
E = 6400000
NC, NS, L = 2, 16, 16
NW = NC * NS
EW = E // NW
K = 1600
K3 = 3 * K
NB = EW // K
G = K // L
ROWS_T = 6256
ROWS_LAST = N - (NS - 1) * ROWS_T

_MESH = plsc.VectorSubcoreMesh(
    core_axis_name="c", subcore_axis_name="s", num_cores=NC, num_subcores=NS)

_f32 = jnp.float32
_i32 = jnp.int32

_EDGE_COL = jax.ShapeDtypeStruct((E,), _f32)

_IN_SET = [pltpu.VMEM((K,), _i32)] * 2 + [pltpu.VMEM((K, 8), _f32)] * 2 + \
    [pltpu.VMEM((K,), _f32)] * 3


def _rsqrt(d2):
    i = plsc.bitcast(d2, _i32)
    i = jnp.int32(0x5F3759DF) - lax.shift_right_logical(i, 1)
    r = plsc.bitcast(i, _f32)
    hd = 0.5 * d2
    for _ in range(3):
        r = r * (1.5 - hd * r * r)
    return r


@functools.partial(
    pl.kernel,
    out_type=(
        (jax.ShapeDtypeStruct((NC, N * 3), _f32),)
        + (_EDGE_COL,) * 15
    ),
    mesh=_MESH,
    compiler_params=pltpu.CompilerParams(
        needs_layout_passes=False, use_tc_tiling_on_sc=False),
    scratch_types=(
        _IN_SET + _IN_SET
        + [pltpu.VMEM((K,), _f32)] * 15
        + [
            pltpu.VMEM((2 * K3,), _f32),
            pltpu.VMEM((2 * K3,), _i32),
            pltpu.VMEM_SHARED((N * 3,), _f32),
            pltpu.SemaphoreType.DMA,
            pltpu.SemaphoreType.DMA,
        ]
    ),
)
def _beam_sc(tbl, idxA, idxB, pe, pa, pi, zwords,
             o_part, o_f0, o_f1, o_f2, o_f5,
             o_ua, o_wa, o_ta, o_ub, o_wb, o_tb,
             o_fxA, o_fzA, o_l0, o_c, o_s,
             iA0, iB0, rA0, rB0, pe0, pa0, pi0,
             iA1, iB1, rA1, rB1, pe1, pa1, pi1,
             f0_v, f1_v, f2_v, f5_v,
             ua_v, wa_v, ta_v, ub_v, wb_v, tb_v,
             fxA_v, fzA_v, l0_v, c_v, s_v,
             fgab_v, iab3_v,
             acc, semI, semO):
    cid = lax.axis_index("c")
    sid = lax.axis_index("s")
    wid = cid * NS + sid
    w0 = sid * (ROWS_T * 3)
    sets = ((iA0, iB0, rA0, rB0, pe0, pa0, pi0),
            (iA1, iB1, rA1, rB1, pe1, pa1, pi1))

    @pl.when(sid < NS - 1)
    def _():
        pltpu.sync_copy(zwords.at[pl.ds(0, ROWS_T * 3)],
                        acc.at[pl.ds(w0, ROWS_T * 3)])

    @pl.when(sid == NS - 1)
    def _():
        pltpu.sync_copy(zwords.at[pl.ds(0, ROWS_LAST * 3)],
                        acc.at[pl.ds((NS - 1) * ROWS_T * 3, ROWS_LAST * 3)])

    plsc.subcore_barrier()

    iota = lax.iota(_i32, L)
    cols = [jnp.full((L,), j, _i32) for j in range(5)]

    def issue_inputs(blk, st):
        iA_v, iB_v, rA_v, rB_v, pe_v, pa_v, pi_v = st
        b = wid * EW + blk * K
        pltpu.sync_copy(idxA.at[pl.ds(b, K)], iA_v)
        pltpu.sync_copy(idxB.at[pl.ds(b, K)], iB_v)
        pltpu.async_copy(tbl.at[iA_v], rA_v, semI)
        pltpu.async_copy(tbl.at[iB_v], rB_v, semI)
        pltpu.async_copy(pe.at[pl.ds(b, K)], pe_v, semI)
        pltpu.async_copy(pa.at[pl.ds(b, K)], pa_v, semI)
        pltpu.async_copy(pi.at[pl.ds(b, K)], pi_v, semI)

    def drain_inputs(st):
        _, _, rA_v, rB_v, pe_v, pa_v, pi_v = st
        pltpu.make_async_copy(tbl.at[pl.ds(0, K)], rA_v, semI).wait()
        pltpu.make_async_copy(tbl.at[pl.ds(0, K)], rB_v, semI).wait()
        pltpu.make_async_copy(pe.at[pl.ds(0, K)], pe_v, semI).wait()
        pltpu.make_async_copy(pa.at[pl.ds(0, K)], pa_v, semI).wait()
        pltpu.make_async_copy(pi.at[pl.ds(0, K)], pi_v, semI).wait()

    def compute_block(blk, st):
        iA_v, iB_v, rA_v, rB_v, pe_v, pa_v, pi_v = st

        @pl.loop(0, G)
        def _grp(g):
            off = g * L
            rid = off + iota
            rid3 = rid * 3
            uxA = plsc.load_gather(rA_v, [rid, cols[0]])
            uzA = plsc.load_gather(rA_v, [rid, cols[1]])
            thA = plsc.load_gather(rA_v, [rid, cols[2]])
            xA = plsc.load_gather(rA_v, [rid, cols[3]])
            zA = plsc.load_gather(rA_v, [rid, cols[4]])
            uxB = plsc.load_gather(rB_v, [rid, cols[0]])
            uzB = plsc.load_gather(rB_v, [rid, cols[1]])
            thB = plsc.load_gather(rB_v, [rid, cols[2]])
            xB = plsc.load_gather(rB_v, [rid, cols[3]])
            zB = plsc.load_gather(rB_v, [rid, cols[4]])
            pE = pe_v[pl.ds(off, L)]
            pA = pa_v[pl.ds(off, L)]
            pI = pi_v[pl.ds(off, L)]
            na = iA_v[pl.ds(off, L)]
            nb = iB_v[pl.ds(off, L)]

            dx = xB - xA
            dz = zB - zA
            d2 = dx * dx + dz * dz
            r = _rsqrt(d2)
            cc = dx * r
            ss = dz * r
            l0 = d2 * r
            r2 = r * r
            EA = pE * pA
            EI = pE * pI
            EAr = EA * r
            EIr = EI * r
            EIr2 = EI * r2
            EIr3 = EIr * r2

            ua = cc * uxA + ss * uzA
            wa = cc * uzA - ss * uxA
            ub = cc * uxB + ss * uzB
            wb = cc * uzB - ss * uxB
            du = ua - ub
            dw = wa - wb
            tsum = thA + thB

            f0 = EAr * du
            f1 = 12.0 * (EIr3 * dw) + 6.0 * (EIr2 * tsum)
            cdw = 6.0 * (EIr2 * dw)
            f2 = cdw + EIr * (4.0 * thA + 2.0 * thB)
            f5 = cdw + EIr * (2.0 * thA + 4.0 * thB)
            FxA = cc * f0 - ss * f1
            FzA = ss * f0 + cc * f1

            a3 = na * 3
            b3 = nb * 3
            s_ = pl.ds(off, L)
            f0_v[s_] = f0
            f1_v[s_] = f1
            f2_v[s_] = f2
            f5_v[s_] = f5
            ua_v[s_] = ua
            wa_v[s_] = wa
            ta_v[s_] = thA
            ub_v[s_] = ub
            wb_v[s_] = wb
            tb_v[s_] = thB
            fxA_v[s_] = FxA
            fzA_v[s_] = FzA
            l0_v[s_] = l0
            c_v[s_] = cc
            s_v[s_] = ss
            plsc.store_scatter(fgab_v, [rid3], FxA)
            plsc.store_scatter(fgab_v, [rid3 + 1], FzA)
            plsc.store_scatter(fgab_v, [rid3 + 2], f2)
            plsc.store_scatter(fgab_v, [K3 + rid3], -FxA)
            plsc.store_scatter(fgab_v, [K3 + rid3 + 1], -FzA)
            plsc.store_scatter(fgab_v, [K3 + rid3 + 2], f5)
            plsc.store_scatter(iab3_v, [rid3], a3)
            plsc.store_scatter(iab3_v, [rid3 + 1], a3 + 1)
            plsc.store_scatter(iab3_v, [rid3 + 2], a3 + 2)
            plsc.store_scatter(iab3_v, [K3 + rid3], b3)
            plsc.store_scatter(iab3_v, [K3 + rid3 + 1], b3 + 1)
            plsc.store_scatter(iab3_v, [K3 + rid3 + 2], b3 + 2)

        base = wid * EW + blk * K
        sl = pl.ds(base, K)
        outs = [
            pltpu.async_copy(f0_v, o_f0.at[sl], semO),
            pltpu.async_copy(f1_v, o_f1.at[sl], semO),
            pltpu.async_copy(f2_v, o_f2.at[sl], semO),
            pltpu.async_copy(f5_v, o_f5.at[sl], semO),
            pltpu.async_copy(ua_v, o_ua.at[sl], semO),
            pltpu.async_copy(wa_v, o_wa.at[sl], semO),
            pltpu.async_copy(ta_v, o_ta.at[sl], semO),
            pltpu.async_copy(ub_v, o_ub.at[sl], semO),
            pltpu.async_copy(wb_v, o_wb.at[sl], semO),
            pltpu.async_copy(tb_v, o_tb.at[sl], semO),
            pltpu.async_copy(fxA_v, o_fxA.at[sl], semO),
            pltpu.async_copy(fzA_v, o_fzA.at[sl], semO),
            pltpu.async_copy(l0_v, o_l0.at[sl], semO),
            pltpu.async_copy(c_v, o_c.at[sl], semO),
            pltpu.async_copy(s_v, o_s.at[sl], semO),
        ]
        pltpu.sync_copy(fgab_v, acc.at[iab3_v], add=True)
        for d in outs:
            d.wait()

    issue_inputs(jnp.int32(0), sets[0])

    @pl.loop(0, NB // 2)
    def _pair(j):
        b0 = 2 * j
        drain_inputs(sets[0])
        issue_inputs(b0 + 1, sets[1])
        compute_block(b0, sets[0])
        drain_inputs(sets[1])
        issue_inputs(b0 + 2, sets[0])
        compute_block(b0 + 1, sets[1])

    drain_inputs(sets[0])
    compute_block(jnp.int32(NB - 1), sets[0])

    plsc.subcore_barrier()

    @pl.when(sid < NS - 1)
    def _():
        pltpu.sync_copy(acc.at[pl.ds(w0, ROWS_T * 3)],
                        o_part.at[cid, pl.ds(w0, ROWS_T * 3)])

    @pl.when(sid == NS - 1)
    def _():
        pltpu.sync_copy(
            acc.at[pl.ds((NS - 1) * ROWS_T * 3, ROWS_LAST * 3)],
            o_part.at[cid, pl.ds((NS - 1) * ROWS_T * 3, ROWS_LAST * 3)])


def kernel(pred_disp, coords, prop_E, prop_A, prop_I22, connectivity):
    tbl = jnp.concatenate(
        [pred_disp, coords[:, 0:1], coords[:, 2:3],
         jnp.zeros((N, 3), _f32)], axis=1)
    idxA = connectivity[:, 0].astype(_i32)
    idxB = connectivity[:, 1].astype(_i32)
    zwords = jnp.zeros((ROWS_T * 3,), _f32)
    (part, f0, f1, f2, f5, ua, wa, ta, ub, wb, tb,
     fxA, fzA, l0, c, s) = _beam_sc(
        tbl, idxA, idxB, prop_E, prop_A, prop_I22, zwords)
    nodal = (part[0] + part[1]).reshape(N, 3)
    fga = jnp.stack([fxA, fzA, f2], axis=1)
    fgb = jnp.stack([-fxA, -fzA, f5], axis=1)
    fl = jnp.stack([f0, f1, f2, -f0, -f1, f5], axis=1)
    dl = jnp.stack([ua, wa, ta, ub, wb, tb], axis=1)
    ne = -f0
    ve = -f1
    mm = (f5 - f2) * 0.5
    return (nodal, fga, fgb, fl, dl, ne, mm, ve, f2, f5, l0, c, s)

# --- scband reference (transcript-rebuilt; emitter-appended) ---
"""Pipeline reference for scband-corotational-beam2-d-12146167513831 (READ-ONLY COPY).

The authoritative reference and input builder live on the scoring server;
editing this copy changes nothing except your own understanding.
"""

import jax, jax.numpy as jnp
import numpy as np

N_NODES = 100000
N_EDGES = 6400000


def setup_inputs(seed: int = 0) -> dict:
    key = jax.random.key(seed)
    k1, k2, k3, k4, k5, k6, k7 = jax.random.split(key, 7)
    pred_disp = jax.random.normal(k1, (N_NODES, 3), dtype=jnp.float32)
    coords = jax.random.normal(k2, (N_NODES, 3), dtype=jnp.float32)
    # connectivity: avoid self-loops (nA == nB would give l0 = 0 -> division by zero)
    nA = jax.random.randint(k3, (N_EDGES,), 0, N_NODES)
    off = jax.random.randint(k4, (N_EDGES,), 1, N_NODES)
    nB = (nA + off) % N_NODES
    connectivity = jnp.stack([nA, nB], axis=1)
    prop_E = jax.random.uniform(k5, (N_EDGES,), dtype=jnp.float32)
    prop_A = jax.random.uniform(k6, (N_EDGES,), dtype=jnp.float32)
    prop_I22 = jax.random.uniform(k7, (N_EDGES,), dtype=jnp.float32)
    return {
        'pred_disp': pred_disp,
        'coords': coords,
        'prop_E': prop_E,
        'prop_A': prop_A,
        'prop_I22': prop_I22,
        'connectivity': connectivity,
    }


def reference(pred_disp, coords, prop_E, prop_A, prop_I22, connectivity):
    nA = connectivity[:, 0]
    nB = connectivity[:, 1]
    N_count = pred_disp.shape[0]

    dx0 = coords[nB, 0] - coords[nA, 0]
    dz0 = coords[nB, 2] - coords[nA, 2]
    l0 = jnp.sqrt(dx0 ** 2 + dz0 ** 2)
    c = dx0 / l0
    s = dz0 / l0

    EA = prop_E * prop_A
    EI = prop_E * prop_I22

    ux_A = pred_disp[nA, 0]
    uz_A = pred_disp[nA, 1]
    th_A = pred_disp[nA, 2]
    ux_B = pred_disp[nB, 0]
    uz_B = pred_disp[nB, 1]
    th_B = pred_disp[nB, 2]

    ua = c * ux_A + s * uz_A
    wa = -s * ux_A + c * uz_A
    ta = th_A
    ub = c * ux_B + s * uz_B
    wb = -s * ux_B + c * uz_B
    tb = th_B

    L = l0
    L2 = L * L
    L3 = L2 * L

    f0 = EA / L * (ua - ub)
    f1 = 12.0 * EI / L3 * (wa - wb) + 6.0 * EI / L2 * (ta + tb)
    f2 = 6.0 * EI / L2 * (wa - wb) + EI / L * (4.0 * ta + 2.0 * tb)
    f3 = EA / L * (ub - ua)
    f4 = 12.0 * EI / L3 * (wb - wa) - 6.0 * EI / L2 * (ta + tb)
    f5 = 6.0 * EI / L2 * (wa - wb) + EI / L * (2.0 * ta + 4.0 * tb)

    Fx_A = c * f0 - s * f1
    Fz_A = s * f0 + c * f1
    My_A = f2
    Fx_B = c * f3 - s * f4
    Fz_B = s * f3 + c * f4
    My_B = f5

    F_global_A = jnp.stack([Fx_A, Fz_A, My_A], axis=1)
    F_global_B = jnp.stack([Fx_B, Fz_B, My_B], axis=1)

    nodal_forces = jnp.zeros((N_count, 3), dtype=pred_disp.dtype)
    nodal_forces = nodal_forces.at[nA].add(F_global_A)
    nodal_forces = nodal_forces.at[nB].add(F_global_B)

    N_e = f3
    M1_e = f2
    M2_e = f5
    M_mid = (f5 - f2) / 2.0
    V_e = f4
    f_local = jnp.stack([f0, f1, f2, f3, f4, f5], axis=1)
    d_local = jnp.stack([ua, wa, ta, ub, wb, tb], axis=1)

    return (nodal_forces, F_global_A, F_global_B, f_local, d_local,
            N_e, M_mid, V_e, M1_e, M2_e, l0, c, s)

if __name__ == "__main__":
    import jax
    _d = setup_inputs()
    print(jax.jit(kernel)(*tuple(_d.values())))

</pallas_src>

<mosaic_0001>
#map = affine_map<(d0, d1) -> (0, 0)>
#map1 = affine_map<(d0, d1) -> (0)>
module attributes {stable_mosaic.version = 14 : i64} {
  func.func @_beam_sc(%arg0: i32, %arg1: i32, %arg2: memref<100000x8xf32, #tpu.memory_space<hbm>>, %arg3: memref<6400000xi32, #tpu.memory_space<hbm>>, %arg4: memref<6400000xi32, #tpu.memory_space<hbm>>, %arg5: memref<6400000xf32, #tpu.memory_space<hbm>>, %arg6: memref<6400000xf32, #tpu.memory_space<hbm>>, %arg7: memref<6400000xf32, #tpu.memory_space<hbm>>, %arg8: memref<18768xf32, #tpu.memory_space<hbm>>, %arg9: memref<2x300000xf32, #tpu.memory_space<hbm>>, %arg10: memref<6400000xf32, #tpu.memory_space<hbm>>, %arg11: memref<6400000xf32, #tpu.memory_space<hbm>>, %arg12: memref<6400000xf32, #tpu.memory_space<hbm>>, %arg13: memref<6400000xf32, #tpu.memory_space<hbm>>, %arg14: memref<6400000xf32, #tpu.memory_space<hbm>>, %arg15: memref<6400000xf32, #tpu.memory_space<hbm>>, %arg16: memref<6400000xf32, #tpu.memory_space<hbm>>, %arg17: memref<6400000xf32, #tpu.memory_space<hbm>>, %arg18: memref<6400000xf32, #tpu.memory_space<hbm>>, %arg19: memref<6400000xf32, #tpu.memory_space<hbm>>, %arg20: memref<6400000xf32, #tpu.memory_space<hbm>>, %arg21: memref<6400000xf32, #tpu.memory_space<hbm>>, %arg22: memref<6400000xf32, #tpu.memory_space<hbm>>, %arg23: memref<6400000xf32, #tpu.memory_space<hbm>>, %arg24: memref<6400000xf32, #tpu.memory_space<hbm>>, %arg25: memref<1600xi32, #tpu.memory_space<vmem>>, %arg26: memref<1600xi32, #tpu.memory_space<vmem>>, %arg27: memref<1600x8xf32, #tpu.memory_space<vmem>>, %arg28: memref<1600x8xf32, #tpu.memory_space<vmem>>, %arg29: memref<1600xf32, #tpu.memory_space<vmem>>, %arg30: memref<1600xf32, #tpu.memory_space<vmem>>, %arg31: memref<1600xf32, #tpu.memory_space<vmem>>, %arg32: memref<1600xi32, #tpu.memory_space<vmem>>, %arg33: memref<1600xi32, #tpu.memory_space<vmem>>, %arg34: memref<1600x8xf32, #tpu.memory_space<vmem>>, %arg35: memref<1600x8xf32, #tpu.memory_space<vmem>>, %arg36: memref<1600xf32, #tpu.memory_space<vmem>>, %arg37: memref<1600xf32, #tpu.memory_space<vmem>>, %arg38: memref<1600xf32, #tpu.memory_space<vmem>>, %arg39: memref<1600xf32, #tpu.memory_space<vmem>>, %arg40: memref<1600xf32, #tpu.memory_space<vmem>>, %arg41: memref<1600xf32, #tpu.memory_space<vmem>>, %arg42: memref<1600xf32, #tpu.memory_space<vmem>>, %arg43: memref<1600xf32, #tpu.memory_space<vmem>>, %arg44: memref<1600xf32, #tpu.memory_space<vmem>>, %arg45: memref<1600xf32, #tpu.memory_space<vmem>>, %arg46: memref<1600xf32, #tpu.memory_space<vmem>>, %arg47: memref<1600xf32, #tpu.memory_space<vmem>>, %arg48: memref<1600xf32, #tpu.memory_space<vmem>>, %arg49: memref<1600xf32, #tpu.memory_space<vmem>>, %arg50: memref<1600xf32, #tpu.memory_space<vmem>>, %arg51: memref<1600xf32, #tpu.memory_space<vmem>>, %arg52: memref<1600xf32, #tpu.memory_space<vmem>>, %arg53: memref<1600xf32, #tpu.memory_space<vmem>>, %arg54: memref<9600xf32, #tpu.memory_space<vmem>>, %arg55: memref<9600xi32, #tpu.memory_space<vmem>>, %arg56: memref<300000xf32, #tpu.memory_space<vmem_shared>>, %arg57: memref<!tpu.dma_semaphore, #tpu.memory_space<semaphore_mem>>, %arg58: memref<!tpu.dma_semaphore, #tpu.memory_space<semaphore_mem>>) attributes {dimension_semantics = [#tpu.dimension_semantics<core_parallel>, #tpu.dimension_semantics<subcore_parallel>], iteration_bounds = array<i64: 2, 16>, scalar_prefetch = 0 : i64, scratch_operands = 34 : i64, tpu.core_type = #tpu.core_type<sc_vector_subcore>, window_params = [{transform_indices = #map}, {transform_indices = #map1}, {transform_indices = #map1}, {transform_indices = #map1}, {transform_indices = #map1}, {transform_indices = #map1}, {transform_indices = #map1}, {transform_indices = #map}, {transform_indices = #map1}, {transform_indices = #map1}, {transform_indices = #map1}, {transform_indices = #map1}, {transform_indices = #map1}, {transform_indices = #map1}, {transform_indices = #map1}, {transform_indices = #map1}, {transform_indices = #map1}, {transform_indices = #map1}, {transform_indices = #map1}, {transform_indices = #map1}, {transform_indices = #map1}, {transform_indices = #map1}, {transform_indices = #map1}]} {
    %mul3A = arith.constant 16 : i32
    %mul3A_0 = arith.muli %arg0, %mul3A : i32
    %add3A = arith.addi %mul3A_0, %arg1 : i32
    %mul3A_1 = arith.constant 18768 : i32
    %mul3A_2 = arith.muli %arg1, %mul3A_1 : i32
    %lt3A = arith.constant 15 : i32
    %lt3A_3 = arith.cmpi slt, %arg1, %lt3A : i32
    %convert_element_type3A = arith.extui %lt3A_3 : i1 to i32
    %cond3A = arith.constant 0 : i32
    %cond3A_4 = arith.cmpi ne, %convert_element_type3A, %cond3A : i32
    scf.if %cond3A_4 {
      "tpu.region"() ({
        %run_scoped3A = tpu.sem_alloc : memref<!tpu.dma_semaphore, #tpu.memory_space<semaphore_mem>>
        %dma_start3A_144 = tpu.memref_slice %arg56[%mul3A_2] : memref<300000xf32, #tpu.memory_space<vmem_shared>> -> memref<18768xf32, #tpu.memory_space<vmem_shared>>
        %dma_start3A_145 = arith.constant 0 : i32
        %dma_start3A_146 = tpu.memref_slice %arg8[%dma_start3A_145] : memref<18768xf32, #tpu.memory_space<hbm>> -> memref<18768xf32, #tpu.memory_space<hbm>>
        tpu.enqueue_dma source(%dma_start3A_146 : memref<18768xf32, #tpu.memory_space<hbm>>) target(%dma_start3A_144 : memref<18768xf32, #tpu.memory_space<vmem_shared>>) target_semaphore(%run_scoped3A : memref<!tpu.dma_semaphore, #tpu.memory_space<semaphore_mem>>)
        %dma_wait3A_147 = tpu.memref_slice %arg56[%mul3A_2] : memref<300000xf32, #tpu.memory_space<vmem_shared>> -> memref<18768xf32, #tpu.memory_space<vmem_shared>>
        %dma_wait3A_148 = arith.constant 0 : i32
        %dma_wait3A_149 = tpu.memref_slice %arg8[%dma_wait3A_148] : memref<18768xf32, #tpu.memory_space<hbm>> -> memref<18768xf32, #tpu.memory_space<hbm>>
        tpu.wait_dma2 semaphore(%run_scoped3A : memref<!tpu.dma_semaphore, #tpu.memory_space<semaphore_mem>>) src(%dma_wait3A_149 : memref<18768xf32, #tpu.memory_space<hbm>>) dst(%dma_wait3A_147 : memref<18768xf32, #tpu.memory_space<vmem_shared>>)
        tpu.yield
      }) : () -> ()
    } else {
    }
    %eq3A = arith.constant 15 : i32
    %eq3A_5 = arith.cmpi eq, %arg1, %eq3A : i32
    %convert_element_type3A_6 = arith.extui %eq3A_5 : i1 to i32
    %cond3A_7 = arith.constant 0 : i32
    %cond3A_8 = arith.cmpi ne, %convert_element_type3A_6, %cond3A_7 : i32
    scf.if %cond3A_8 {
      "tpu.region"() ({
        %run_scoped3A = tpu.sem_alloc : memref<!tpu.dma_semaphore, #tpu.memory_space<semaphore_mem>>
        %dma_start3A_144 = arith.constant 281520 : i32
        %dma_start3A_145 = tpu.memref_slice %arg56[%dma_start3A_144] : memref<300000xf32, #tpu.memory_space<vmem_shared>> -> memref<18480xf32, #tpu.memory_space<vmem_shared>>
        %dma_start3A_146 = arith.constant 0 : i32
        %dma_start3A_147 = tpu.memref_slice %arg8[%dma_start3A_146] : memref<18768xf32, #tpu.memory_space<hbm>> -> memref<18480xf32, #tpu.memory_space<hbm>>
        tpu.enqueue_dma source(%dma_start3A_147 : memref<18480xf32, #tpu.memory_space<hbm>>) target(%dma_start3A_145 : memref<18480xf32, #tpu.memory_space<vmem_shared>>) target_semaphore(%run_scoped3A : memref<!tpu.dma_semaphore, #tpu.memory_space<semaphore_mem>>)
        %dma_wait3A_148 = arith.constant 281520 : i32
        %dma_wait3A_149 = tpu.memref_slice %arg56[%dma_wait3A_148] : memref<300000xf32, #tpu.memory_space<vmem_shared>> -> memref<18480xf32, #tpu.memory_space<vmem_shared>>
        %dma_wait3A_150 = arith.constant 0 : i32
        %dma_wait3A_151 = tpu.memref_slice %arg8[%dma_wait3A_150] : memref<18768xf32, #tpu.memory_space<hbm>> -> memref<18480xf32, #tpu.memory_space<hbm>>
        tpu.wait_dma2 semaphore(%run_scoped3A : memref<!tpu.dma_semaphore, #tpu.memory_space<semaphore_mem>>) src(%dma_wait3A_151 : memref<18480xf32, #tpu.memory_space<hbm>>) dst(%dma_wait3A_149 : memref<18480xf32, #tpu.memory_space<vmem_shared>>)
        tpu.yield
      }) : () -> ()
    } else {
    }
    %barrier3A = arith.constant 0 : index
    tpu.barrier barrier_id(%barrier3A)
    %iota3A = tpu.iota {dimensions = array<i32: 0>} : vector<16xi32>
    %broadcast_in_dim3A = arith.constant 0 : i32
    %broadcast_in_dim3A_9 = vector.broadcast %broadcast_in_dim3A : i32 to vector<16xi32>
    %broadcast_in_dim3A_10 = arith.constant 1 : i32
    %broadcast_in_dim3A_11 = vector.broadcast %broadcast_in_dim3A_10 : i32 to vector<16xi32>
    %broadcast_in_dim3A_12 = arith.constant 2 : i32
    %broadcast_in_dim3A_13 = vector.broadcast %broadcast_in_dim3A_12 : i32 to vector<16xi32>
    %broadcast_in_dim3A_14 = arith.constant 3 : i32
    %broadcast_in_dim3A_15 = vector.broadcast %broadcast_in_dim3A_14 : i32 to vector<16xi32>
    %broadcast_in_dim3A_16 = arith.constant 4 : i32
    %broadcast_in_dim3A_17 = vector.broadcast %broadcast_in_dim3A_16 : i32 to vector<16xi32>
    %mul3A_18 = arith.constant 200000 : i32
    %mul3A_19 = arith.muli %add3A, %mul3A_18 : i32
    %mul3A_20 = arith.constant 0 : i32
    %mul3A_21 = arith.constant 1600 : i32
    %mul3A_22 = arith.muli %mul3A_20, %mul3A_21 : i32
    %add3A_23 = arith.addi %mul3A_19, %mul3A_22 : i32
    "tpu.region"() ({
      %run_scoped3A = tpu.sem_alloc : memref<!tpu.dma_semaphore, #tpu.memory_space<semaphore_mem>>
      %dma_start3A_144 = tpu.memref_slice %arg3[%add3A_23] : memref<6400000xi32, #tpu.memory_space<hbm>> -> memref<1600xi32, #tpu.memory_space<hbm>>
      %dma_start3A_145 = tpu.memref_slice %arg3[%add3A_23] : memref<6400000xi32, #tpu.memory_space<hbm>> -> memref<1600xi32, #tpu.memory_space<hbm>>
      tpu.enqueue_dma source(%dma_start3A_145 : memref<1600xi32, #tpu.memory_space<hbm>>) target(%arg25 : memref<1600xi32, #tpu.memory_space<vmem>>) target_semaphore(%run_scoped3A : memref<!tpu.dma_semaphore, #tpu.memory_space<semaphore_mem>>)
      %dma_wait3A_146 = tpu.memref_slice %arg3[%add3A_23] : memref<6400000xi32, #tpu.memory_space<hbm>> -> memref<1600xi32, #tpu.memory_space<hbm>>
      %dma_wait3A_147 = tpu.memref_slice %arg3[%add3A_23] : memref<6400000xi32, #tpu.memory_space<hbm>> -> memref<1600xi32, #tpu.memory_space<hbm>>
      tpu.wait_dma2 semaphore(%run_scoped3A : memref<!tpu.dma_semaphore, #tpu.memory_space<semaphore_mem>>) src(%dma_wait3A_147 : memref<1600xi32, #tpu.memory_space<hbm>>) dst(%arg25 : memref<1600xi32, #tpu.memory_space<vmem>>)
      tpu.yield
    }) : () -> ()
    "tpu.region"() ({
      %run_scoped3A = tpu.sem_alloc : memref<!tpu.dma_semaphore, #tpu.memory_space<semaphore_mem>>
      %dma_start3A_144 = tpu.memref_slice %arg4[%add3A_23] : memref<6400000xi32, #tpu.memory_space<hbm>> -> memref<1600xi32, #tpu.memory_space<hbm>>
      %dma_start3A_145 = tpu.memref_slice %arg4[%add3A_23] : memref<6400000xi32, #tpu.memory_space<hbm>> -> memref<1600xi32, #tpu.memory_space<hbm>>
      tpu.enqueue_dma source(%dma_start3A_145 : memref<1600xi32, #tpu.memory_space<hbm>>) target(%arg26 : memref<1600xi32, #tpu.memory_space<vmem>>) target_semaphore(%run_scoped3A : memref<!tpu.dma_semaphore, #tpu.memory_space<semaphore_mem>>)
      %dma_wait3A_146 = tpu.memref_slice %arg4[%add3A_23] : memref<6400000xi32, #tpu.memory_space<hbm>> -> memref<1600xi32, #tpu.memory_space<hbm>>
      %dma_wait3A_147 = tpu.memref_slice %arg4[%add3A_23] : memref<6400000xi32, #tpu.memory_space<hbm>> -> memref<1600xi32, #tpu.memory_space<hbm>>
      tpu.wait_dma2 semaphore(%run_scoped3A : memref<!tpu.dma_semaphore, #tpu.memory_space<semaphore_mem>>) src(%dma_wait3A_147 : memref<1600xi32, #tpu.memory_space<hbm>>) dst(%arg26 : memref<1600xi32, #tpu.memory_space<vmem>>)
      tpu.yield
    }) : () -> ()
    %dma_start3A = arith.constant 0 : i32
    %dma_start3A_24 = arith.constant 0 : i32
    %dma_start3A_25 = tpu.memref_slice %arg2[%dma_start3A, %dma_start3A_24] : memref<100000x8xf32, #tpu.memory_space<hbm>> -> memref<100000x8xf32, #tpu.memory_space<hbm>>
    tpu.enqueue_indirect_dma source(%dma_start3A_25 : memref<100000x8xf32, #tpu.memory_space<hbm>>) target(%arg27 : memref<1600x8xf32, #tpu.memory_space<vmem>>) offsets(%arg25 : memref<1600xi32, #tpu.memory_space<vmem>>) semaphore(%arg57 : memref<!tpu.dma_semaphore, #tpu.memory_space<semaphore_mem>>)
    %dma_start3A_26 = arith.constant 0 : i32
    %dma_start3A_27 = arith.constant 0 : i32
    %dma_start3A_28 = tpu.memref_slice %arg2[%dma_start3A_26, %dma_start3A_27] : memref<100000x8xf32, #tpu.memory_space<hbm>> -> memref<100000x8xf32, #tpu.memory_space<hbm>>
    tpu.enqueue_indirect_dma source(%dma_start3A_28 : memref<100000x8xf32, #tpu.memory_space<hbm>>) target(%arg28 : memref<1600x8xf32, #tpu.memory_space<vmem>>) offsets(%arg26 : memref<1600xi32, #tpu.memory_space<vmem>>) semaphore(%arg57 : memref<!tpu.dma_semaphore, #tpu.memory_space<semaphore_mem>>)
    %dma_start3A_29 = tpu.memref_slice %arg5[%add3A_23] : memref<6400000xf32, #tpu.memory_space<hbm>> -> memref<1600xf32, #tpu.memory_space<hbm>>
    %dma_start3A_30 = tpu.memref_slice %arg5[%add3A_23] : memref<6400000xf32, #tpu.memory_space<hbm>> -> memref<1600xf32, #tpu.memory_space<hbm>>
    tpu.enqueue_dma source(%dma_start3A_30 : memref<1600xf32, #tpu.memory_space<hbm>>) target(%arg29 : memref<1600xf32, #tpu.memory_space<vmem>>) target_semaphore(%arg57 : memref<!tpu.dma_semaphore, #tpu.memory_space<semaphore_mem>>)
    %dma_start3A_31 = tpu.memref_slice %arg6[%add3A_23] : memref<6400000xf32, #tpu.memory_space<hbm>> -> memref<1600xf32, #tpu.memory_space<hbm>>
    %dma_start3A_32 = tpu.memref_slice %arg6[%add3A_23] : memref<6400000xf32, #tpu.memory_space<hbm>> -> memref<1600xf32, #tpu.memory_space<hbm>>
    tpu.enqueue_dma source(%dma_start3A_32 : memref<1600xf32, #tpu.memory_space<hbm>>) target(%arg30 : memref<1600xf32, #tpu.memory_space<vmem>>) target_semaphore(%arg57 : memref<!tpu.dma_semaphore, #tpu.memory_space<semaphore_mem>>)
    %dma_start3A_33 = tpu.memref_slice %arg7[%add3A_23] : memref<6400000xf32, #tpu.memory_space<hbm>> -> memref<1600xf32, #tpu.memory_space<hbm>>
    %dma_start3A_34 = tpu.memref_slice %arg7[%add3A_23] : memref<6400000xf32, #tpu.memory_space<hbm>> -> memref<1600xf32, #tpu.memory_space<hbm>>
    tpu.enqueue_dma source(%dma_start3A_34 : memref<1600xf32, #tpu.memory_space<hbm>>) target(%arg31 : memref<1600xf32, #tpu.memory_space<vmem>>) target_semaphore(%arg57 : memref<!tpu.dma_semaphore, #tpu.memory_space<semaphore_mem>>)
    %scan3A = arith.constant 0 : i32
    %scan3A_35 = arith.constant 62 : i32
    %scan3A_36 = arith.addi %scan3A, %scan3A_35 : i32
    %scan3A_37 = arith.constant 1 : i32
    scf.for %scan3A_144 = %scan3A to %scan3A_36 step %scan3A_37  : i32 {
      %mul3A_145 = arith.constant 1 : i32
      %mul3A_146 = arith.muli %scan3A_144, %mul3A_145 : i32
      %add3A_147 = arith.constant 0 : i32
      %add3A_148 = arith.addi %add3A_147, %mul3A_146 : i32
      %mul3A_149 = arith.constant 2 : i32
      %mul3A_150 = arith.muli %mul3A_149, %add3A_148 : i32
      %dma_wait3A_151 = arith.constant 0 : i32
      %dma_wait3A_152 = arith.constant 0 : i32
      %dma_wait3A_153 = tpu.memref_slice %arg2[%dma_wait3A_151, %dma_wait3A_152] : memref<100000x8xf32, #tpu.memory_space<hbm>> -> memref<1600x8xf32, #tpu.memory_space<hbm>>
      %dma_wait3A_154 = arith.constant 0 : i32
      %dma_wait3A_155 = arith.constant 0 : i32
      %dma_wait3A_156 = tpu.memref_slice %arg2[%dma_wait3A_154, %dma_wait3A_155] : memref<100000x8xf32, #tpu.memory_space<hbm>> -> memref<1600x8xf32, #tpu.memory_space<hbm>>
      tpu.wait_dma2 semaphore(%arg57 : memref<!tpu.dma_semaphore, #tpu.memory_space<semaphore_mem>>) src(%dma_wait3A_156 : memref<1600x8xf32, #tpu.memory_space<hbm>>) dst(%arg27 : memref<1600x8xf32, #tpu.memory_space<vmem>>)
      %dma_wait3A_157 = arith.constant 0 : i32
      %dma_wait3A_158 = arith.constant 0 : i32
      %dma_wait3A_159 = tpu.memref_slice %arg2[%dma_wait3A_157, %dma_wait3A_158] : memref<100000x8xf32, #tpu.memory_space<hbm>> -> memref<1600x8xf32, #tpu.memory_space<hbm>>
      %dma_wait3A_160 = arith.constant 0 : i32
      %dma_wait3A_161 = arith.constant 0 : i32
      %dma_wait3A_162 = tpu.memref_slice %arg2[%dma_wait3A_160, %dma_wait3A_161] : memref<100000x8xf32, #tpu.memory_space<hbm>> -> memref<1600x8xf32, #tpu.memory_space<hbm>>
      tpu.wait_dma2 semaphore(%arg57 : memref<!tpu.dma_semaphore, #tpu.memory_space<semaphore_mem>>) src(%dma_wait3A_162 : memref<1600x8xf32, #tpu.memory_space<hbm>>) dst(%arg28 : memref<1600x8xf32, #tpu.memory_space<vmem>>)
      %dma_wait3A_163 = arith.constant 0 : i32
      %dma_wait3A_164 = tpu.memref_slice %arg5[%dma_wait3A_163] : memref<6400000xf32, #tpu.memory_space<hbm>> -> memref<1600xf32, #tpu.memory_space<hbm>>
      %dma_wait3A_165 = arith.constant 0 : i32
      %dma_wait3A_166 = tpu.memref_slice %arg5[%dma_wait3A_165] : memref<6400000xf32, #tpu.memory_space<hbm>> -> memref<1600xf32, #tpu.memory_space<hbm>>
      tpu.wait_dma2 semaphore(%arg57 : memref<!tpu.dma_semaphore, #tpu.memory_space<semaphore_mem>>) src(%dma_wait3A_166 : memref<1600xf32, #tpu.memory_space<hbm>>) dst(%arg29 : memref<1600xf32, #tpu.memory_space<vmem>>)
      %dma_wait3A_167 = arith.constant 0 : i32
      %dma_wait3A_168 = tpu.memref_slice %arg6[%dma_wait3A_167] : memref<6400000xf32, #tpu.memory_space<hbm>> -> memref<1600xf32, #tpu.memory_space<hbm>>
      %dma_wait3A_169 = arith.constant 0 : i32
      %dma_wait3A_170 = tpu.memref_slice %arg6[%dma_wait3A_169] : memref<6400000xf32, #tpu.memory_space<hbm>> -> memref<1600xf32, #tpu.memory_space<hbm>>
      tpu.wait_dma2 semaphore(%arg57 : memref<!tpu.dma_semaphore, #tpu.memory_space<semaphore_mem>>) src(%dma_wait3A_170 : memref<1600xf32, #tpu.memory_space<hbm>>) dst(%arg30 : memref<1600xf32, #tpu.memory_space<vmem>>)
      %dma_wait3A_171 = arith.constant 0 : i32
      %dma_wait3A_172 = tpu.memref_slice %arg7[%dma_wait3A_171] : memref<6400000xf32, #tpu.memory_space<hbm>> -> memref<1600xf32, #tpu.memory_space<hbm>>
      %dma_wait3A_173 = arith.constant 0 : i32
      %dma_wait3A_174 = tpu.memref_slice %arg7[%dma_wait3A_173] : memref<6400000xf32, #tpu.memory_space<hbm>> -> memref<1600xf32, #tpu.memory_space<hbm>>
      tpu.wait_dma2 semaphore(%arg57 : memref<!tpu.dma_semaphore, #tpu.memory_space<semaphore_mem>>) src(%dma_wait3A_174 : memref<1600xf32, #tpu.memory_space<hbm>>) dst(%arg31 : memref<1600xf32, #tpu.memory_space<vmem>>)
      %add3A_175 = arith.constant 1 : i32
      %add3A_176 = arith.addi %mul3A_150, %add3A_175 : i32
      %mul3A_177 = arith.constant 200000 : i32
      %mul3A_178 = arith.muli %add3A, %mul3A_177 : i32
      %mul3A_179 = arith.constant 1600 : i32
      %mul3A_180 = arith.muli %add3A_176, %mul3A_179 : i32
      %add3A_181 = arith.addi %mul3A_178, %mul3A_180 : i32
      "tpu.region"() ({
        %run_scoped3A = tpu.sem_alloc : memref<!tpu.dma_semaphore, #tpu.memory_space<semaphore_mem>>
        %dma_start3A_379 = tpu.memref_slice %arg3[%add3A_181] : memref<6400000xi32, #tpu.memory_space<hbm>> -> memref<1600xi32, #tpu.memory_space<hbm>>
        %dma_start3A_380 = tpu.memref_slice %arg3[%add3A_181] : memref<6400000xi32, #tpu.memory_space<hbm>> -> memref<1600xi32, #tpu.memory_space<hbm>>
        tpu.enqueue_dma source(%dma_start3A_380 : memref<1600xi32, #tpu.memory_space<hbm>>) target(%arg32 : memref<1600xi32, #tpu.memory_space<vmem>>) target_semaphore(%run_scoped3A : memref<!tpu.dma_semaphore, #tpu.memory_space<semaphore_mem>>)
        %dma_wait3A_381 = tpu.memref_slice %arg3[%add3A_181] : memref<6400000xi32, #tpu.memory_space<hbm>> -> memref<1600xi32, #tpu.memory_space<hbm>>
        %dma_wait3A_382 = tpu.memref_slice %arg3[%add3A_181] : memref<6400000xi32, #tpu.memory_space<hbm>> -> memref<1600xi32, #tpu.memory_space<hbm>>
        tpu.wait_dma2 semaphore(%run_scoped3A : memref<!tpu.dma_semaphore, #tpu.memory_space<semaphore_mem>>) src(%dma_wait3A_382 : memref<1600xi32, #tpu.memory_space<hbm>>) dst(%arg32 : memref<1600xi32, #tpu.memory_space<vmem>>)
        tpu.yield
      }) : () -> ()
      "tpu.region"() ({
        %run_scoped3A = tpu.sem_alloc : memref<!tpu.dma_semaphore, #tpu.memory_space<semaphore_mem>>
        %dma_start3A_379 = tpu.memref_slice %arg4[%add3A_181] : memref<6400000xi32, #tpu.memory_space<hbm>> -> memref<1600xi32, #tpu.memory_space<hbm>>
        %dma_start3A_380 = tpu.memref_slice %arg4[%add3A_181] : memref<6400000xi32, #tpu.memory_space<hbm>> -> memref<1600xi32, #tpu.memory_space<hbm>>
        tpu.enqueue_dma source(%dma_start3A_380 : memref<1600xi32, #tpu.memory_space<hbm>>) target(%arg33 : memref<1600xi32, #tpu.memory_space<vmem>>) target_semaphore(%run_scoped3A : memref<!tpu.dma_semaphore, #tpu.memory_space<semaphore_mem>>)
        %dma_wait3A_381 = tpu.memref_slice %arg4[%add3A_181] : memref<6400000xi32, #tpu.memory_space<hbm>> -> memref<1600xi32, #tpu.memory_space<hbm>>
        %dma_wait3A_382 = tpu.memref_slice %arg4[%add3A_181] : memref<6400000xi32, #tpu.memory_space<hbm>> -> memref<1600xi32, #tpu.memory_space<hbm>>
        tpu.wait_dma2 semaphore(%run_scoped3A : memref<!tpu.dma_semaphore, #tpu.memory_space<semaphore_mem>>) src(%dma_wait3A_382 : memref<1600xi32, #tpu.memory_space<hbm>>) dst(%arg33 : memref<1600xi32, #tpu.memory_space<vmem>>)
        tpu.yield
      }) : () -> ()
      %dma_start3A_182 = arith.constant 0 : i32
      %dma_start3A_183 = arith.constant 0 : i32
      %dma_start3A_184 = tpu.memref_slice %arg2[%dma_start3A_182, %dma_start3A_183] : memref<100000x8xf32, #tpu.memory_space<hbm>> -> memref<100000x8xf32, #tpu.memory_space<hbm>>
      tpu.enqueue_indirect_dma source(%dma_start3A_184 : memref<100000x8xf32, #tpu.memory_space<hbm>>) target(%arg34 : memref<1600x8xf32, #tpu.memory_space<vmem>>) offsets(%arg32 : memref<1600xi32, #tpu.memory_space<vmem>>) semaphore(%arg57 : memref<!tpu.dma_semaphore, #tpu.memory_space<semaphore_mem>>)
      %dma_start3A_185 = arith.constant 0 : i32
      %dma_start3A_186 = arith.constant 0 : i32
      %dma_start3A_187 = tpu.memref_slice %arg2[%dma_start3A_185, %dma_start3A_186] : memref<100000x8xf32, #tpu.memory_space<hbm>> -> memref<100000x8xf32, #tpu.memory_space<hbm>>
      tpu.enqueue_indirect_dma source(%dma_start3A_187 : memref<100000x8xf32, #tpu.memory_space<hbm>>) target(%arg35 : memref<1600x8xf32, #tpu.memory_space<vmem>>) offsets(%arg33 : memref<1600xi32, #tpu.memory_space<vmem>>) semaphore(%arg57 : memref<!tpu.dma_semaphore, #tpu.memory_space<semaphore_mem>>)
      %dma_start3A_188 = tpu.memref_slice %arg5[%add3A_181] : memref<6400000xf32, #tpu.memory_space<hbm>> -> memref<1600xf32, #tpu.memory_space<hbm>>
      %dma_start3A_189 = tpu.memref_slice %arg5[%add3A_181] : memref<6400000xf32, #tpu.memory_space<hbm>> -> memref<1600xf32, #tpu.memory_space<hbm>>
      tpu.enqueue_dma source(%dma_start3A_189 : memref<1600xf32, #tpu.memory_space<hbm>>) target(%arg36 : memref<1600xf32, #tpu.memory_space<vmem>>) target_semaphore(%arg57 : memref<!tpu.dma_semaphore, #tpu.memory_space<semaphore_mem>>)
      %dma_start3A_190 = tpu.memref_slice %arg6[%add3A_181] : memref<6400000xf32, #tpu.memory_space<hbm>> -> memref<1600xf32, #tpu.memory_space<hbm>>
      %dma_start3A_191 = tpu.memref_slice %arg6[%add3A_181] : memref<6400000xf32, #tpu.memory_space<hbm>> -> memref<1600xf32, #tpu.memory_space<hbm>>
      tpu.enqueue_dma source(%dma_start3A_191 : memref<1600xf32, #tpu.memory_space<hbm>>) target(%arg37 : memref<1600xf32, #tpu.memory_space<vmem>>) target_semaphore(%arg57 : memref<!tpu.dma_semaphore, #tpu.memory_space<semaphore_mem>>)
      %dma_start3A_192 = tpu.memref_slice %arg7[%add3A_181] : memref<6400000xf32, #tpu.memory_space<hbm>> -> memref<1600xf32, #tpu.memory_space<hbm>>
      %dma_start3A_193 = tpu.memref_slice %arg7[%add3A_181] : memref<6400000xf32, #tpu.memory_space<hbm>> -> memref<1600xf32, #tpu.memory_space<hbm>>
      tpu.enqueue_dma source(%dma_start3A_193 : memref<1600xf32, #tpu.memory_space<hbm>>) target(%arg38 : memref<1600xf32, #tpu.memory_space<vmem>>) target_semaphore(%arg57 : memref<!tpu.dma_semaphore, #tpu.memory_space<semaphore_mem>>)
      %scan3A_194 = arith.constant 0 : i32
      %scan3A_195 = arith.constant 100 : i32
      %scan3A_196 = arith.addi %scan3A_194, %scan3A_195 : i32
      %scan3A_197 = arith.constant 1 : i32
      scf.for %scan3A_379 = %scan3A_194 to %scan3A_196 step %scan3A_197  : i32 {
        %mul3A_380 = arith.constant 1 : i32
        %mul3A_381 = arith.muli %scan3A_379, %mul3A_380 : i32
        %add3A_382 = arith.constant 0 : i32
        %add3A_383 = arith.addi %add3A_382, %mul3A_381 : i32
        %mul3A_384 = arith.constant 16 : i32
        %mul3A_385 = arith.muli %add3A_383, %mul3A_384 : i32
        %add3A_386 = vector.broadcast %mul3A_385 : i32 to vector<16xi32>
        %add3A_387 = arith.addi %add3A_386, %iota3A : vector<16xi32>
        %mul3A_388 = arith.constant 3 : i32
        %mul3A_389 = vector.broadcast %mul3A_388 : i32 to vector<16xi32>
        %mul3A_390 = arith.muli %add3A_387, %mul3A_389 : vector<16xi32>
        %gather3A = tpu.vector_load_idx %arg27[%add3A_387, %broadcast_in_dim3A_9] : memref<1600x8xf32, #tpu.memory_space<vmem>>[vector<16xi32>, vector<16xi32>], vector<16xf32>,
        %gather3A_391 = tpu.vector_load_idx %arg27[%add3A_387, %broadcast_in_dim3A_11] : memref<1600x8xf32, #tpu.memory_space<vmem>>[vector<16xi32>, vector<16xi32>], vector<16xf32>,
        %gather3A_392 = tpu.vector_load_idx %arg27[%add3A_387, %broadcast_in_dim3A_13] : memref<1600x8xf32, #tpu.memory_space<vmem>>[vector<16xi32>, vector<16xi32>], vector<16xf32>,
        %gather3A_393 = tpu.vector_load_idx %arg27[%add3A_387, %broadcast_in_dim3A_15] : memref<1600x8xf32, #tpu.memory_space<vmem>>[vector<16xi32>, vector<16xi32>], vector<16xf32>,
        %gather3A_394 = tpu.vector_load_idx %arg27[%add3A_387, %broadcast_in_dim3A_17] : memref<1600x8xf32, #tpu.memory_space<vmem>>[vector<16xi32>, vector<16xi32>], vector<16xf32>,
        %gather3A_395 = tpu.vector_load_idx %arg28[%add3A_387, %broadcast_in_dim3A_9] : memref<1600x8xf32, #tpu.memory_space<vmem>>[vector<16xi32>, vector<16xi32>], vector<16xf32>,
        %gather3A_396 = tpu.vector_load_idx %arg28[%add3A_387, %broadcast_in_dim3A_11] : memref<1600x8xf32, #tpu.memory_space<vmem>>[vector<16xi32>, vector<16xi32>], vector<16xf32>,
        %gather3A_397 = tpu.vector_load_idx %arg28[%add3A_387, %broadcast_in_dim3A_13] : memref<1600x8xf32, #tpu.memory_space<vmem>>[vector<16xi32>, vector<16xi32>], vector<16xf32>,
        %gather3A_398 = tpu.vector_load_idx %arg28[%add3A_387, %broadcast_in_dim3A_15] : memref<1600x8xf32, #tpu.memory_space<vmem>>[vector<16xi32>, vector<16xi32>], vector<16xf32>,
        %gather3A_399 = tpu.vector_load_idx %arg28[%add3A_387, %broadcast_in_dim3A_17] : memref<1600x8xf32, #tpu.memory_space<vmem>>[vector<16xi32>, vector<16xi32>], vector<16xf32>,
        %get3A = arith.index_cast %mul3A_385 : i32 to index
        %get3A_400 = tpu.vector_load %arg29[%get3A] {strides = array<i32>} : memref<1600xf32, #tpu.memory_space<vmem>>, vector<16xf32>,
        %get3A_401 = arith.index_cast %mul3A_385 : i32 to index
        %get3A_402 = tpu.vector_load %arg30[%get3A_401] {strides = array<i32>} : memref<1600xf32, #tpu.memory_space<vmem>>, vector<16xf32>,
        %get3A_403 = arith.index_cast %mul3A_385 : i32 to index
        %get3A_404 = tpu.vector_load %arg31[%get3A_403] {strides = array<i32>} : memref<1600xf32, #tpu.memory_space<vmem>>, vector<16xf32>,
        %get3A_405 = arith.index_cast %mul3A_385 : i32 to index
        %get3A_406 = tpu.vector_load %arg25[%get3A_405] {strides = array<i32>} : memref<1600xi32, #tpu.memory_space<vmem>>, vector<16xi32>,
        %get3A_407 = arith.index_cast %mul3A_385 : i32 to index
        %get3A_408 = tpu.vector_load %arg26[%get3A_407] {strides = array<i32>} : memref<1600xi32, #tpu.memory_space<vmem>>, vector<16xi32>,
        %sub3A = arith.subf %gather3A_398, %gather3A_393 : vector<16xf32>
        %sub3A_409 = arith.subf %gather3A_399, %gather3A_394 : vector<16xf32>
        %mul3A_410 = arith.mulf %sub3A, %sub3A : vector<16xf32>
        %mul3A_411 = arith.mulf %sub3A_409, %sub3A_409 : vector<16xf32>
        %add3A_412 = arith.addf %mul3A_410, %mul3A_411 : vector<16xf32>
        %bitcast3A = vector.bitcast %add3A_412 : vector<16xf32> to vector<16xi32>
        %shift_right_logical3A = arith.constant 1 : i32
        %shift_right_logical3A_413 = vector.broadcast %shift_right_logical3A : i32 to vector<16xi32>
        %shift_right_logical3A_414 = arith.shrui %bitcast3A, %shift_right_logical3A_413 : vector<16xi32>
        %sub3A_415 = arith.constant 1597463007 : i32
        %sub3A_416 = vector.broadcast %sub3A_415 : i32 to vector<16xi32>
        %sub3A_417 = arith.subi %sub3A_416, %shift_right_logical3A_414 : vector<16xi32>
        %bitcast3A_418 = vector.bitcast %sub3A_417 : vector<16xi32> to vector<16xf32>
        %mul3A_419 = arith.constant 5.000000e-01 : f32
        %mul3A_420 = vector.broadcast %mul3A_419 : f32 to vector<16xf32>
        %mul3A_421 = arith.mulf %mul3A_420, %add3A_412 : vector<16xf32>
        %mul3A_422 = arith.mulf %mul3A_421, %bitcast3A_418 : vector<16xf32>
        %mul3A_423 = arith.mulf %mul3A_422, %bitcast3A_418 : vector<16xf32>
        %sub3A_424 = arith.constant 1.500000e+00 : f32
        %sub3A_425 = vector.broadcast %sub3A_424 : f32 to vector<16xf32>
        %sub3A_426 = arith.subf %sub3A_425, %mul3A_423 : vector<16xf32>
        %mul3A_427 = arith.mulf %bitcast3A_418, %sub3A_426 : vector<16xf32>
        %mul3A_428 = arith.mulf %mul3A_421, %mul3A_427 : vector<16xf32>
        %mul3A_429 = arith.mulf %mul3A_428, %mul3A_427 : vector<16xf32>
        %sub3A_430 = arith.constant 1.500000e+00 : f32
        %sub3A_431 = vector.broadcast %sub3A_430 : f32 to vector<16xf32>
        %sub3A_432 = arith.subf %sub3A_431, %mul3A_429 : vector<16xf32>
        %mul3A_433 = arith.mulf %mul3A_427, %sub3A_432 : vector<16xf32>
        %mul3A_434 = arith.mulf %mul3A_421, %mul3A_433 : vector<16xf32>
        %mul3A_435 = arith.mulf %mul3A_434, %mul3A_433 : vector<16xf32>
        %sub3A_436 = arith.constant 1.500000e+00 : f32
        %sub3A_437 = vector.broadcast %sub3A_436 : f32 to vector<16xf32>
        %sub3A_438 = arith.subf %sub3A_437, %mul3A_435 : vector<16xf32>
        %mul3A_439 = arith.mulf %mul3A_433, %sub3A_438 : vector<16xf32>
        %mul3A_440 = arith.mulf %sub3A, %mul3A_439 : vector<16xf32>
        %mul3A_441 = arith.mulf %sub3A_409, %mul3A_439 : vector<16xf32>
        %mul3A_442 = arith.mulf %add3A_412, %mul3A_439 : vector<16xf32>
        %mul3A_443 = arith.mulf %mul3A_439, %mul3A_439 : vector<16xf32>
        %mul3A_444 = arith.mulf %get3A_400, %get3A_402 : vector<16xf32>
        %mul3A_445 = arith.mulf %get3A_400, %get3A_404 : vector<16xf32>
        %mul3A_446 = arith.mulf %mul3A_444, %mul3A_439 : vector<16xf32>
        %mul3A_447 = arith.mulf %mul3A_445, %mul3A_439 : vector<16xf32>
        %mul3A_448 = arith.mulf %mul3A_445, %mul3A_443 : vector<16xf32>
        %mul3A_449 = arith.mulf %mul3A_447, %mul3A_443 : vector<16xf32>
        %mul3A_450 = arith.mulf %mul3A_440, %gather3A : vector<16xf32>
        %mul3A_451 = arith.mulf %mul3A_441, %gather3A_391 : vector<16xf32>
        %add3A_452 = arith.addf %mul3A_450, %mul3A_451 : vector<16xf32>
        %mul3A_453 = arith.mulf %mul3A_440, %gather3A_391 : vector<16xf32>
        %mul3A_454 = arith.mulf %mul3A_441, %gather3A : vector<16xf32>
        %sub3A_455 = arith.subf %mul3A_453, %mul3A_454 : vector<16xf32>
        %mul3A_456 = arith.mulf %mul3A_440, %gather3A_395 : vector<16xf32>
        %mul3A_457 = arith.mulf %mul3A_441, %gather3A_396 : vector<16xf32>
        %add3A_458 = arith.addf %mul3A_456, %mul3A_457 : vector<16xf32>
        %mul3A_459 = arith.mulf %mul3A_440, %gather3A_396 : vector<16xf32>
        %mul3A_460 = arith.mulf %mul3A_441, %gather3A_395 : vector<16xf32>
        %sub3A_461 = arith.subf %mul3A_459, %mul3A_460 : vector<16xf32>
        %sub3A_462 = arith.subf %add3A_452, %add3A_458 : vector<16xf32>
        %sub3A_463 = arith.subf %sub3A_455, %sub3A_461 : vector<16xf32>
        %add3A_464 = arith.addf %gather3A_392, %gather3A_397 : vector<16xf32>
        %mul3A_465 = arith.mulf %mul3A_446, %sub3A_462 : vector<16xf32>
        %mul3A_466 = arith.mulf %mul3A_449, %sub3A_463 : vector<16xf32>
        %mul3A_467 = arith.constant 1.200000e+01 : f32
        %mul3A_468 = vector.broadcast %mul3A_467 : f32 to vector<16xf32>
        %mul3A_469 = arith.mulf %mul3A_468, %mul3A_466 : vector<16xf32>
        %mul3A_470 = arith.mulf %mul3A_448, %add3A_464 : vector<16xf32>
        %mul3A_471 = arith.constant 6.000000e+00 : f32
        %mul3A_472 = vector.broadcast %mul3A_471 : f32 to vector<16xf32>
        %mul3A_473 = arith.mulf %mul3A_472, %mul3A_470 : vector<16xf32>
        %add3A_474 = arith.addf %mul3A_469, %mul3A_473 : vector<16xf32>
        %mul3A_475 = arith.mulf %mul3A_448, %sub3A_463 : vector<16xf32>
        %mul3A_476 = arith.constant 6.000000e+00 : f32
        %mul3A_477 = vector.broadcast %mul3A_476 : f32 to vector<16xf32>
        %mul3A_478 = arith.mulf %mul3A_477, %mul3A_475 : vector<16xf32>
        %mul3A_479 = arith.constant 4.000000e+00 : f32
        %mul3A_480 = vector.broadcast %mul3A_479 : f32 to vector<16xf32>
        %mul3A_481 = arith.mulf %mul3A_480, %gather3A_392 : vector<16xf32>
        %mul3A_482 = arith.constant 2.000000e+00 : f32
        %mul3A_483 = vector.broadcast %mul3A_482 : f32 to vector<16xf32>
        %mul3A_484 = arith.mulf %mul3A_483, %gather3A_397 : vector<16xf32>
        %add3A_485 = arith.addf %mul3A_481, %mul3A_484 : vector<16xf32>
        %mul3A_486 = arith.mulf %mul3A_447, %add3A_485 : vector<16xf32>
        %add3A_487 = arith.addf %mul3A_478, %mul3A_486 : vector<16xf32>
        %mul3A_488 = arith.constant 2.000000e+00 : f32
        %mul3A_489 = vector.broadcast %mul3A_488 : f32 to vector<16xf32>
        %mul3A_490 = arith.mulf %mul3A_489, %gather3A_392 : vector<16xf32>
        %mul3A_491 = arith.constant 4.000000e+00 : f32
        %mul3A_492 = vector.broadcast %mul3A_491 : f32 to vector<16xf32>
        %mul3A_493 = arith.mulf %mul3A_492, %gather3A_397 : vector<16xf32>
        %add3A_494 = arith.addf %mul3A_490, %mul3A_493 : vector<16xf32>
        %mul3A_495 = arith.mulf %mul3A_447, %add3A_494 : vector<16xf32>
        %add3A_496 = arith.addf %mul3A_478, %mul3A_495 : vector<16xf32>
        %mul3A_497 = arith.mulf %mul3A_440, %mul3A_465 : vector<16xf32>
        %mul3A_498 = arith.mulf %mul3A_441, %add3A_474 : vector<16xf32>
        %sub3A_499 = arith.subf %mul3A_497, %mul3A_498 : vector<16xf32>
        %mul3A_500 = arith.mulf %mul3A_441, %mul3A_465 : vector<16xf32>
        %mul3A_501 = arith.mulf %mul3A_440, %add3A_474 : vector<16xf32>
        %add3A_502 = arith.addf %mul3A_500, %mul3A_501 : vector<16xf32>
        %mul3A_503 = arith.constant 3 : i32
        %mul3A_504 = vector.broadcast %mul3A_503 : i32 to vector<16xi32>
        %mul3A_505 = arith.muli %get3A_406, %mul3A_504 : vector<16xi32>
        %mul3A_506 = arith.constant 3 : i32
        %mul3A_507 = vector.broadcast %mul3A_506 : i32 to vector<16xi32>
        %mul3A_508 = arith.muli %get3A_408, %mul3A_507 : vector<16xi32>
        %swap3A = arith.index_cast %mul3A_385 : i32 to index
        %swap3A_509 = tpu.vector_load %arg39[%swap3A] {strides = array<i32>} : memref<1600xf32, #tpu.memory_space<vmem>>, vector<16xf32>,
        tpu.vector_store %arg39[%swap3A], %mul3A_465 {strides = array<i32>} : memref<1600xf32, #tpu.memory_space<vmem>>, vector<16xf32>,
        %swap3A_510 = arith.index_cast %mul3A_385 : i32 to index
        %swap3A_511 = tpu.vector_load %arg40[%swap3A_510] {strides = array<i32>} : memref<1600xf32, #tpu.memory_space<vmem>>, vector<16xf32>,
        tpu.vector_store %arg40[%swap3A_510], %add3A_474 {strides = array<i32>} : memref<1600xf32, #tpu.memory_space<vmem>>, vector<16xf32>,
        %swap3A_512 = arith.index_cast %mul3A_385 : i32 to index
        %swap3A_513 = tpu.vector_load %arg41[%swap3A_512] {strides = array<i32>} : memref<1600xf32, #tpu.memory_space<vmem>>, vector<16xf32>,
        tpu.vector_store %arg41[%swap3A_512], %add3A_487 {strides = array<i32>} : memref<1600xf32, #tpu.memory_space<vmem>>, vector<16xf32>,
        %swap3A_514 = arith.index_cast %mul3A_385 : i32 to index
        %swap3A_515 = tpu.vector_load %arg42[%swap3A_514] {strides = array<i32>} : memref<1600xf32, #tpu.memory_space<vmem>>, vector<16xf32>,
        tpu.vector_store %arg42[%swap3A_514], %add3A_496 {strides = array<i32>} : memref<1600xf32, #tpu.memory_space<vmem>>, vector<16xf32>,
        %swap3A_516 = arith.index_cast %mul3A_385 : i32 to index
        %swap3A_517 = tpu.vector_load %arg43[%swap3A_516] {strides = array<i32>} : memref<1600xf32, #tpu.memory_space<vmem>>, vector<16xf32>,
        tpu.vector_store %arg43[%swap3A_516], %add3A_452 {strides = array<i32>} : memref<1600xf32, #tpu.memory_space<vmem>>, vector<16xf32>,
        %swap3A_518 = arith.index_cast %mul3A_385 : i32 to index
        %swap3A_519 = tpu.vector_load %arg44[%swap3A_518] {strides = array<i32>} : memref<1600xf32, #tpu.memory_space<vmem>>, vector<16xf32>,
        tpu.vector_store %arg44[%swap3A_518], %sub3A_455 {strides = array<i32>} : memref<1600xf32, #tpu.memory_space<vmem>>, vector<16xf32>,
        %swap3A_520 = arith.index_cast %mul3A_385 : i32 to index
        %swap3A_521 = tpu.vector_load %arg45[%swap3A_520] {strides = array<i32>} : memref<1600xf32, #tpu.memory_space<vmem>>, vector<16xf32>,
        tpu.vector_store %arg45[%swap3A_520], %gather3A_392 {strides = array<i32>} : memref<1600xf32, #tpu.memory_space<vmem>>, vector<16xf32>,
        %swap3A_522 = arith.index_cast %mul3A_385 : i32 to index
        %swap3A_523 = tpu.vector_load %arg46[%swap3A_522] {strides = array<i32>} : memref<1600xf32, #tpu.memory_space<vmem>>, vector<16xf32>,
        tpu.vector_store %arg46[%swap3A_522], %add3A_458 {strides = array<i32>} : memref<1600xf32, #tpu.memory_space<vmem>>, vector<16xf32>,
        %swap3A_524 = arith.index_cast %mul3A_385 : i32 to index
        %swap3A_525 = tpu.vector_load %arg47[%swap3A_524] {strides = array<i32>} : memref<1600xf32, #tpu.memory_space<vmem>>, vector<16xf32>,
        tpu.vector_store %arg47[%swap3A_524], %sub3A_461 {strides = array<i32>} : memref<1600xf32, #tpu.memory_space<vmem>>, vector<16xf32>,
        %swap3A_526 = arith.index_cast %mul3A_385 : i32 to index
        %swap3A_527 = tpu.vector_load %arg48[%swap3A_526] {strides = array<i32>} : memref<1600xf32, #tpu.memory_space<vmem>>, vector<16xf32>,
        tpu.vector_store %arg48[%swap3A_526], %gather3A_397 {strides = array<i32>} : memref<1600xf32, #tpu.memory_space<vmem>>, vector<16xf32>,
        %swap3A_528 = arith.index_cast %mul3A_385 : i32 to index
        %swap3A_529 = tpu.vector_load %arg49[%swap3A_528] {strides = array<i32>} : memref<1600xf32, #tpu.memory_space<vmem>>, vector<16xf32>,
        tpu.vector_store %arg49[%swap3A_528], %sub3A_499 {strides = array<i32>} : memref<1600xf32, #tpu.memory_space<vmem>>, vector<16xf32>,
        %swap3A_530 = arith.index_cast %mul3A_385 : i32 to index
        %swap3A_531 = tpu.vector_load %arg50[%swap3A_530] {strides = array<i32>} : memref<1600xf32, #tpu.memory_space<vmem>>, vector<16xf32>,
        tpu.vector_store %arg50[%swap3A_530], %add3A_502 {strides = array<i32>} : memref<1600xf32, #tpu.memory_space<vmem>>, vector<16xf32>,
        %swap3A_532 = arith.index_cast %mul3A_385 : i32 to index
        %swap3A_533 = tpu.vector_load %arg51[%swap3A_532] {strides = array<i32>} : memref<1600xf32, #tpu.memory_space<vmem>>, vector<16xf32>,
        tpu.vector_store %arg51[%swap3A_532], %mul3A_442 {strides = array<i32>} : memref<1600xf32, #tpu.memory_space<vmem>>, vector<16xf32>,
        %swap3A_534 = arith.index_cast %mul3A_385 : i32 to index
        %swap3A_535 = tpu.vector_load %arg52[%swap3A_534] {strides = array<i32>} : memref<1600xf32, #tpu.memory_space<vmem>>, vector<16xf32>,
        tpu.vector_store %arg52[%swap3A_534], %mul3A_440 {strides = array<i32>} : memref<1600xf32, #tpu.memory_space<vmem>>, vector<16xf32>,
        %swap3A_536 = arith.index_cast %mul3A_385 : i32 to index
        %swap3A_537 = tpu.vector_load %arg53[%swap3A_536] {strides = array<i32>} : memref<1600xf32, #tpu.memory_space<vmem>>, vector<16xf32>,
        tpu.vector_store %arg53[%swap3A_536], %mul3A_441 {strides = array<i32>} : memref<1600xf32, #tpu.memory_space<vmem>>, vector<16xf32>,
        tpu.vector_store_idx %arg54[%mul3A_390], %sub3A_499 : memref<9600xf32, #tpu.memory_space<vmem>>[vector<16xi32>], vector<16xf32>,
        %add3A_538 = arith.constant 1 : i32
        %add3A_539 = vector.broadcast %add3A_538 : i32 to vector<16xi32>
        %add3A_540 = arith.addi %mul3A_390, %add3A_539 : vector<16xi32>
        tpu.vector_store_idx %arg54[%add3A_540], %add3A_502 : memref<9600xf32, #tpu.memory_space<vmem>>[vector<16xi32>], vector<16xf32>,
        %add3A_541 = arith.constant 2 : i32
        %add3A_542 = vector.broadcast %add3A_541 : i32 to vector<16xi32>
        %add3A_543 = arith.addi %mul3A_390, %add3A_542 : vector<16xi32>
        tpu.vector_store_idx %arg54[%add3A_543], %add3A_487 : memref<9600xf32, #tpu.memory_space<vmem>>[vector<16xi32>], vector<16xf32>,
        %add3A_544 = arith.constant 4800 : i32
        %add3A_545 = vector.broadcast %add3A_544 : i32 to vector<16xi32>
        %add3A_546 = arith.addi %add3A_545, %mul3A_390 : vector<16xi32>
        %neg3A = arith.constant 0.000000e+00 : f32
        %neg3A_547 = vector.broadcast %neg3A : f32 to vector<16xf32>
        %neg3A_548 = arith.subf %neg3A_547, %sub3A_499 : vector<16xf32>
        tpu.vector_store_idx %arg54[%add3A_546], %neg3A_548 : memref<9600xf32, #tpu.memory_space<vmem>>[vector<16xi32>], vector<16xf32>,
        %add3A_549 = arith.constant 4800 : i32
        %add3A_550 = vector.broadcast %add3A_549 : i32 to vector<16xi32>
        %add3A_551 = arith.addi %add3A_550, %mul3A_390 : vector<16xi32>
        %add3A_552 = arith.constant 1 : i32
        %add3A_553 = vector.broadcast %add3A_552 : i32 to vector<16xi32>
        %add3A_554 = arith.addi %add3A_551, %add3A_553 : vector<16xi32>
        %neg3A_555 = arith.constant 0.000000e+00 : f32
        %neg3A_556 = vector.broadcast %neg3A_555 : f32 to vector<16xf32>
        %neg3A_557 = arith.subf %neg3A_556, %add3A_502 : vector<16xf32>
        tpu.vector_store_idx %arg54[%add3A_554], %neg3A_557 : memref<9600xf32, #tpu.memory_space<vmem>>[vector<16xi32>], vector<16xf32>,
        %add3A_558 = arith.constant 4800 : i32
        %add3A_559 = vector.broadcast %add3A_558 : i32 to vector<16xi32>
        %add3A_560 = arith.addi %add3A_559, %mul3A_390 : vector<16xi32>
        %add3A_561 = arith.constant 2 : i32
        %add3A_562 = vector.broadcast %add3A_561 : i32 to vector<16xi32>
        %add3A_563 = arith.addi %add3A_560, %add3A_562 : vector<16xi32>
        tpu.vector_store_idx %arg54[%add3A_563], %add3A_496 : memref<9600xf32, #tpu.memory_space<vmem>>[vector<16xi32>], vector<16xf32>,
        tpu.vector_store_idx %arg55[%mul3A_390], %mul3A_505 : memref<9600xi32, #tpu.memory_space<vmem>>[vector<16xi32>], vector<16xi32>,
        %add3A_564 = arith.constant 1 : i32
        %add3A_565 = vector.broadcast %add3A_564 : i32 to vector<16xi32>
        %add3A_566 = arith.addi %mul3A_390, %add3A_565 : vector<16xi32>
        %add3A_567 = arith.constant 1 : i32
        %add3A_568 = vector.broadcast %add3A_567 : i32 to vector<16xi32>
        %add3A_569 = arith.addi %mul3A_505, %add3A_568 : vector<16xi32>
        tpu.vector_store_idx %arg55[%add3A_566], %add3A_569 : memref<9600xi32, #tpu.memory_space<vmem>>[vector<16xi32>], vector<16xi32>,
        %add3A_570 = arith.constant 2 : i32
        %add3A_571 = vector.broadcast %add3A_570 : i32 to vector<16xi32>
        %add3A_572 = arith.addi %mul3A_390, %add3A_571 : vector<16xi32>
        %add3A_573 = arith.constant 2 : i32
        %add3A_574 = vector.broadcast %add3A_573 : i32 to vector<16xi32>
        %add3A_575 = arith.addi %mul3A_505, %add3A_574 : vector<16xi32>
        tpu.vector_store_idx %arg55[%add3A_572], %add3A_575 : memref<9600xi32, #tpu.memory_space<vmem>>[vector<16xi32>], vector<16xi32>,
        %add3A_576 = arith.constant 4800 : i32
        %add3A_577 = vector.broadcast %add3A_576 : i32 to vector<16xi32>
        %add3A_578 = arith.addi %add3A_577, %mul3A_390 : vector<16xi32>
        tpu.vector_store_idx %arg55[%add3A_578], %mul3A_508 : memref<9600xi32, #tpu.memory_space<vmem>>[vector<16xi32>], vector<16xi32>,
        %add3A_579 = arith.constant 4800 : i32
        %add3A_580 = vector.broadcast %add3A_579 : i32 to vector<16xi32>
        %add3A_581 = arith.addi %add3A_580, %mul3A_390 : vector<16xi32>
        %add3A_582 = arith.constant 1 : i32
        %add3A_583 = vector.broadcast %add3A_582 : i32 to vector<16xi32>
        %add3A_584 = arith.addi %add3A_581, %add3A_583 : vector<16xi32>
        %add3A_585 = arith.constant 1 : i32
        %add3A_586 = vector.broadcast %add3A_585 : i32 to vector<16xi32>
        %add3A_587 = arith.addi %mul3A_508, %add3A_586 : vector<16xi32>
        tpu.vector_store_idx %arg55[%add3A_584], %add3A_587 : memref<9600xi32, #tpu.memory_space<vmem>>[vector<16xi32>], vector<16xi32>,
        %add3A_588 = arith.constant 4800 : i32
        %add3A_589 = vector.broadcast %add3A_588 : i32 to vector<16xi32>
        %add3A_590 = arith.addi %add3A_589, %mul3A_390 : vector<16xi32>
        %add3A_591 = arith.constant 2 : i32
        %add3A_592 = vector.broadcast %add3A_591 : i32 to vector<16xi32>
        %add3A_593 = arith.addi %add3A_590, %add3A_592 : vector<16xi32>
        %add3A_594 = arith.constant 2 : i32
        %add3A_595 = vector.broadcast %add3A_594 : i32 to vector<16xi32>
        %add3A_596 = arith.addi %mul3A_508, %add3A_595 : vector<16xi32>
        tpu.vector_store_idx %arg55[%add3A_593], %add3A_596 : memref<9600xi32, #tpu.memory_space<vmem>>[vector<16xi32>], vector<16xi32>,
      }
      %scan3A_198 = arith.constant 100 : i32
      %mul3A_199 = arith.constant 200000 : i32
      %mul3A_200 = arith.muli %add3A, %mul3A_199 : i32
      %mul3A_201 = arith.constant 1600 : i32
      %mul3A_202 = arith.muli %mul3A_150, %mul3A_201 : i32
      %add3A_203 = arith.addi %mul3A_200, %mul3A_202 : i32
      %dma_start3A_204 = tpu.memref_slice %arg10[%add3A_203] : memref<6400000xf32, #tpu.memory_space<hbm>> -> memref<1600xf32, #tpu.memory_space<hbm>>
      %dma_start3A_205 = tpu.memref_slice %arg10[%add3A_203] : memref<6400000xf32, #tpu.memory_space<hbm>> -> memref<1600xf32, #tpu.memory_space<hbm>>
      tpu.enqueue_dma source(%arg39 : memref<1600xf32, #tpu.memory_space<vmem>>) target(%dma_start3A_205 : memref<1600xf32, #tpu.memory_space<hbm>>) target_semaphore(%arg58 : memref<!tpu.dma_semaphore, #tpu.memory_space<semaphore_mem>>)
      %dma_start3A_206 = tpu.memref_slice %arg11[%add3A_203] : memref<6400000xf32, #tpu.memory_space<hbm>> -> memref<1600xf32, #tpu.memory_space<hbm>>
      %dma_start3A_207 = tpu.memref_slice %arg11[%add3A_203] : memref<6400000xf32, #tpu.memory_space<hbm>> -> memref<1600xf32, #tpu.memory_space<hbm>>
      tpu.enqueue_dma source(%arg40 : memref<1600xf32, #tpu.memory_space<vmem>>) target(%dma_start3A_207 : memref<1600xf32, #tpu.memory_space<hbm>>) target_semaphore(%arg58 : memref<!tpu.dma_semaphore, #tpu.memory_space<semaphore_mem>>)
      %dma_start3A_208 = tpu.memref_slice %arg12[%add3A_203] : memref<6400000xf32, #tpu.memory_space<hbm>> -> memref<1600xf32, #tpu.memory_space<hbm>>
      %dma_start3A_209 = tpu.memref_slice %arg12[%add3A_203] : memref<6400000xf32, #tpu.memory_space<hbm>> -> memref<1600xf32, #tpu.memory_space<hbm>>
      tpu.enqueue_dma source(%arg41 : memref<1600xf32, #tpu.memory_space<vmem>>) target(%dma_start3A_209 : memref<1600xf32, #tpu.memory_space<hbm>>) target_semaphore(%arg58 : memref<!tpu.dma_semaphore, #tpu.memory_space<semaphore_mem>>)
      %dma_start3A_210 = tpu.memref_slice %arg13[%add3A_203] : memref<6400000xf32, #tpu.memory_space<hbm>> -> memref<1600xf32, #tpu.memory_space<hbm>>
      %dma_start3A_211 = tpu.memref_slice %arg13[%add3A_203] : memref<6400000xf32, #tpu.memory_space<hbm>> -> memref<1600xf32, #tpu.memory_space<hbm>>
      tpu.enqueue_dma source(%arg42 : memref<1600xf32, #tpu.memory_space<vmem>>) target(%dma_start3A_211 : memref<1600xf32, #tpu.memory_space<hbm>>) target_semaphore(%arg58 : memref<!tpu.dma_semaphore, #tpu.memory_space<semaphore_mem>>)
      %dma_start3A_212 = tpu.memref_slice %arg14[%add3A_203] : memref<6400000xf32, #tpu.memory_space<hbm>> -> memref<1600xf32, #tpu.memory_space<hbm>>
      %dma_start3A_213 = tpu.memref_slice %arg14[%add3A_203] : memref<6400000xf32, #tpu.memory_space<hbm>> -> memref<1600xf32, #tpu.memory_space<hbm>>
      tpu.enqueue_dma source(%arg43 : memref<1600xf32, #tpu.memory_space<vmem>>) target(%dma_start3A_213 : memref<1600xf32, #tpu.memory_space<hbm>>) target_semaphore(%arg58 : memref<!tpu.dma_semaphore, #tpu.memory_space<semaphore_mem>>)
      %dma_start3A_214 = tpu.memref_slice %arg15[%add3A_203] : memref<6400000xf32, #tpu.memory_space<hbm>> -> memref<1600xf32, #tpu.memory_space<hbm>>
      %dma_start3A_215 = tpu.memref_slice %arg15[%add3A_203] : memref<6400000xf32, #tpu.memory_space<hbm>> -> memref<1600xf32, #tpu.memory_space<hbm>>
      tpu.enqueue_dma source(%arg44 : memref<1600xf32, #tpu.memory_space<vmem>>) target(%dma_start3A_215 : memref<1600xf32, #tpu.memory_space<hbm>>) target_semaphore(%arg58 : memref<!tpu.dma_semaphore, #tpu.memory_space<semaphore_mem>>)
      %dma_start3A_216 = tpu.memref_slice %arg16[%add3A_203] : memref<6400000xf32, #tpu.memory_space<hbm>> -> memref<1600xf32, #tpu.memory_space<hbm>>
      %dma_start3A_217 = tpu.memref_slice %arg16[%add3A_203] : memref<6400000xf32, #tpu.memory_space<hbm>> -> memref<1600xf32, #tpu.memory_space<hbm>>
      tpu.enqueue_dma source(%arg45 : memref<1600xf32, #tpu.memory_space<vmem>>) target(%dma_start3A_217 : memref<1600xf32, #tpu.memory_space<hbm>>) target_semaphore(%arg58 : memref<!tpu.dma_semaphore, #tpu.memory_space<semaphore_mem>>)
      %dma_start3A_218 = tpu.memref_slice %arg17[%add3A_203] : memref<6400000xf32, #tpu.memory_space<hbm>> -> memref<1600xf32, #tpu.memory_space<hbm>>
      %dma_start3A_219 = tpu.memref_slice %arg17[%add3A_203] : memref<6400000xf32, #tpu.memory_space<hbm>> -> memref<1600xf32, #tpu.memory_space<hbm>>
      tpu.enqueue_dma source(%arg46 : memref<1600xf32, #tpu.memory_space<vmem>>) target(%dma_start3A_219 : memref<1600xf32, #tpu.memory_space<hbm>>) target_semaphore(%arg58 : memref<!tpu.dma_semaphore, #tpu.memory_space<semaphore_mem>>)
      %dma_start3A_220 = tpu.memref_slice %arg18[%add3A_203] : memref<6400000xf32, #tpu.memory_space<hbm>> -> memref<1600xf32, #tpu.memory_space<hbm>>
      %dma_start3A_221 = tpu.memref_slice %arg18[%add3A_203] : memref<6400000xf32, #tpu.memory_space<hbm>> -> memref<1600xf32, #tpu.memory_space<hbm>>
      tpu.enqueue_dma source(%arg47 : memref<1600xf32, #tpu.memory_space<vmem>>) target(%dma_start3A_221 : memref<1600xf32, #tpu.memory_space<hbm>>) target_semaphore(%arg58 : memref<!tpu.dma_semaphore, #tpu.memory_space<semaphore_mem>>)
      %dma_start3A_222 = tpu.memref_slice %arg19[%add3A_203] : memref<6400000xf32, #tpu.memory_space<hbm>> -> memref<1600xf32, #tpu.memory_space<hbm>>
      %dma_start3A_223 = tpu.memref_slice %arg19[%add3A_203] : memref<6400000xf32, #tpu.memory_space<hbm>> -> memref<1600xf32, #tpu.memory_space<hbm>>
      tpu.enqueue_dma source(%arg48 : memref<1600xf32, #tpu.memory_space<vmem>>) target(%dma_start3A_223 : memref<1600xf32, #tpu.memory_space<hbm>>) target_semaphore(%arg58 : memref<!tpu.dma_semaphore, #tpu.memory_space<semaphore_mem>>)
      %dma_start3A_224 = tpu.memref_slice %arg20[%add3A_203] : memref<6400000xf32, #tpu.memory_space<hbm>> -> memref<1600xf32, #tpu.memory_space<hbm>>
      %dma_start3A_225 = tpu.memref_slice %arg20[%add3A_203] : memref<6400000xf32, #tpu.memory_space<hbm>> -> memref<1600xf32, #tpu.memory_space<hbm>>
      tpu.enqueue_dma source(%arg49 : memref<1600xf32, #tpu.memory_space<vmem>>) target(%dma_start3A_225 : memref<1600xf32, #tpu.memory_space<hbm>>) target_semaphore(%arg58 : memref<!tpu.dma_semaphore, #tpu.memory_space<semaphore_mem>>)
      %dma_start3A_226 = tpu.memref_slice %arg21[%add3A_203] : memref<6400000xf32, #tpu.memory_space<hbm>> -> memref<1600xf32, #tpu.memory_space<hbm>>
      %dma_start3A_227 = tpu.memref_slice %arg21[%add3A_203] : memref<6400000xf32, #tpu.memory_space<hbm>> -> memref<1600xf32, #tpu.memory_space<hbm>>
      tpu.enqueue_dma source(%arg50 : memref<1600xf32, #tpu.memory_space<vmem>>) target(%dma_start3A_227 : memref<1600xf32, #tpu.memory_space<hbm>>) target_semaphore(%arg58 : memref<!tpu.dma_semaphore, #tpu.memory_space<semaphore_mem>>)
      %dma_start3A_228 = tpu.memref_slice %arg22[%add3A_203] : memref<6400000xf32, #tpu.memory_space<hbm>> -> memref<1600xf32, #tpu.memory_space<hbm>>
      %dma_start3A_229 = tpu.memref_slice %arg22[%add3A_203] : memref<6400000xf32, #tpu.memory_space<hbm>> -> memref<1600xf32, #tpu.memory_space<hbm>>
      tpu.enqueue_dma source(%arg51 : memref<1600xf32, #tpu.memory_space<vmem>>) target(%dma_start3A_229 : memref<1600xf32, #tpu.memory_space<hbm>>) target_semaphore(%arg58 : memref<!tpu.dma_semaphore, #tpu.memory_space<semaphore_mem>>)
      %dma_start3A_230 = tpu.memref_slice %arg23[%add3A_203] : memref<6400000xf32, #tpu.memory_space<hbm>> -> memref<1600xf32, #tpu.memory_space<hbm>>
      %dma_start3A_231 = tpu.memref_slice %arg23[%add3A_203] : memref<6400000xf32, #tpu.memory_space<hbm>> -> memref<1600xf32, #tpu.memory_space<hbm>>
      tpu.enqueue_dma source(%arg52 : memref<1600xf32, #tpu.memory_space<vmem>>) target(%dma_start3A_231 : memref<1600xf32, #tpu.memory_space<hbm>>) target_semaphore(%arg58 : memref<!tpu.dma_semaphore, #tpu.memory_space<semaphore_mem>>)
      %dma_start3A_232 = tpu.memref_slice %arg24[%add3A_203] : memref<6400000xf32, #tpu.memory_space<hbm>> -> memref<1600xf32, #tpu.memory_space<hbm>>
      %dma_start3A_233 = tpu.memref_slice %arg24[%add3A_203] : memref<6400000xf32, #tpu.memory_space<hbm>> -> memref<1600xf32, #tpu.memory_space<hbm>>
      tpu.enqueue_dma source(%arg53 : memref<1600xf32, #tpu.memory_space<vmem>>) target(%dma_start3A_233 : memref<1600xf32, #tpu.memory_space<hbm>>) target_semaphore(%arg58 : memref<!tpu.dma_semaphore, #tpu.memory_space<semaphore_mem>>)
      "tpu.region"() ({
        %run_scoped3A = tpu.sem_alloc : memref<!tpu.dma_semaphore, #tpu.memory_space<semaphore_mem>>
        %dma_start3A_379 = arith.constant 0 : i32
        %dma_start3A_380 = tpu.memref_slice %arg56[%dma_start3A_379] : memref<300000xf32, #tpu.memory_space<vmem_shared>> -> memref<300000xf32, #tpu.memory_space<vmem_shared>>
        tpu.enqueue_indirect_dma source(%arg54 : memref<9600xf32, #tpu.memory_space<vmem>>) target(%dma_start3A_380 : memref<300000xf32, #tpu.memory_space<vmem_shared>>) offsets(%arg55 : memref<9600xi32, #tpu.memory_space<vmem>>) semaphore(%run_scoped3A : memref<!tpu.dma_semaphore, #tpu.memory_space<semaphore_mem>>) {add = true}
        %dma_wait3A_381 = arith.constant 0 : i32
        %dma_wait3A_382 = tpu.memref_slice %arg56[%dma_wait3A_381] : memref<300000xf32, #tpu.memory_space<vmem_shared>> -> memref<300000xf32, #tpu.memory_space<vmem_shared>>
        tpu.wait_indirect_dma semaphore(%run_scoped3A : memref<!tpu.dma_semaphore, #tpu.memory_space<semaphore_mem>>) src(%arg54 : memref<9600xf32, #tpu.memory_space<vmem>>) dst(%dma_wait3A_382 : memref<300000xf32, #tpu.memory_space<vmem_shared>>)
        tpu.yield
      }) : () -> ()
      %dma_wait3A_234 = tpu.memref_slice %arg10[%add3A_203] : memref<6400000xf32, #tpu.memory_space<hbm>> -> memref<1600xf32, #tpu.memory_space<hbm>>
      %dma_wait3A_235 = tpu.memref_slice %arg10[%add3A_203] : memref<6400000xf32, #tpu.memory_space<hbm>> -> memref<1600xf32, #tpu.memory_space<hbm>>
      tpu.wait_dma2 semaphore(%arg58 : memref<!tpu.dma_semaphore, #tpu.memory_space<semaphore_mem>>) src(%arg39 : memref<1600xf32, #tpu.memory_space<vmem>>) dst(%dma_wait3A_235 : memref<1600xf32, #tpu.memory_space<hbm>>)
      %dma_wait3A_236 = tpu.memref_slice %arg11[%add3A_203] : memref<6400000xf32, #tpu.memory_space<hbm>> -> memref<1600xf32, #tpu.memory_space<hbm>>
      %dma_wait3A_237 = tpu.memref_slice %arg11[%add3A_203] : memref<6400000xf32, #tpu.memory_space<hbm>> -> memref<1600xf32, #tpu.memory_space<hbm>>
      tpu.wait_dma2 semaphore(%arg58 : memref<!tpu.dma_semaphore, #tpu.memory_space<semaphore_mem>>) src(%arg40 : memref<1600xf32, #tpu.memory_space<vmem>>) dst(%dma_wait3A_237 : memref<1600xf32, #tpu.memory_space<hbm>>)
      %dma_wait3A_238 = tpu.memref_slice %arg12[%add3A_203] : memref<6400000xf32, #tpu.memory_space<hbm>> -> memref<1600xf32, #tpu.memory_space<hbm>>
      %dma_wait3A_239 = tpu.memref_slice %arg12[%add3A_203] : memref<6400000xf32, #tpu.memory_space<hbm>> -> memref<1600xf32, #tpu.memory_space<hbm>>
      tpu.wait_dma2 semaphore(%arg58 : memref<!tpu.dma_semaphore, #tpu.memory_space<semaphore_mem>>) src(%arg41 : memref<1600xf32, #tpu.memory_space<vmem>>) dst(%dma_wait3A_239 : memref<1600xf32, #tpu.memory_space<hbm>>)
      %dma_wait3A_240 = tpu.memref_slice %arg13[%add3A_203] : memref<6400000xf32, #tpu.memory_space<hbm>> -> memref<1600xf32, #tpu.memory_space<hbm>>
      %dma_wait3A_241 = tpu.memref_slice %arg13[%add3A_203] : memref<6400000xf32, #tpu.memory_space<hbm>> -> memref<1600xf32, #tpu.memory_space<hbm>>
      tpu.wait_dma2 semaphore(%arg58 : memref<!tpu.dma_semaphore, #tpu.memory_space<semaphore_mem>>) src(%arg42 : memref<1600xf32, #tpu.memory_space<vmem>>) dst(%dma_wait3A_241 : memref<1600xf32, #tpu.memory_space<hbm>>)
      %dma_wait3A_242 = tpu.memref_slice %arg14[%add3A_203] : memref<6400000xf32, #tpu.memory_space<hbm>> -> memref<1600xf32, #tpu.memory_space<hbm>>
      %dma_wait3A_243 = tpu.memref_slice %arg14[%add3A_203] : memref<6400000xf32, #tpu.memory_space<hbm>> -> memref<1600xf32, #tpu.memory_space<hbm>>
      tpu.wait_dma2 semaphore(%arg58 : memref<!tpu.dma_semaphore, #tpu.memory_space<semaphore_mem>>) src(%arg43 : memref<1600xf32, #tpu.memory_space<vmem>>) dst(%dma_wait3A_243 : memref<1600xf32, #tpu.memory_space<hbm>>)
      %dma_wait3A_244 = tpu.memref_slice %arg15[%add3A_203] : memref<6400000xf32, #tpu.memory_space<hbm>> -> memref<1600xf32, #tpu.memory_space<hbm>>
      %dma_wait3A_245 = tpu.memref_slice %arg15[%add3A_203] : memref<6400000xf32, #tpu.memory_space<hbm>> -> memref<1600xf32, #tpu.memory_space<hbm>>
      tpu.wait_dma2 semaphore(%arg58 : memref<!tpu.dma_semaphore, #tpu.memory_space<semaphore_mem>>) src(%arg44 : memref<1600xf32, #tpu.memory_space<vmem>>) dst(%dma_wait3A_245 : memref<1600xf32, #tpu.memory_space<hbm>>)
      %dma_wait3A_246 = tpu.memref_slice %arg16[%add3A_203] : memref<6400000xf32, #tpu.memory_space<hbm>> -> memref<1600xf32, #tpu.memory_space<hbm>>
      %dma_wait3A_247 = tpu.memref_slice %arg16[%add3A_203] : memref<6400000xf32, #tpu.memory_space<hbm>> -> memref<1600xf32, #tpu.memory_space<hbm>>
      tpu.wait_dma2 semaphore(%arg58 : memref<!tpu.dma_semaphore, #tpu.memory_space<semaphore_mem>>) src(%arg45 : memref<1600xf32, #tpu.memory_space<vmem>>) dst(%dma_wait3A_247 : memref<1600xf32, #tpu.memory_space<hbm>>)
      %dma_wait3A_248 = tpu.memref_slice %arg17[%add3A_203] : memref<6400000xf32, #tpu.memory_space<hbm>> -> memref<1600xf32, #tpu.memory_space<hbm>>
      %dma_wait3A_249 = tpu.memref_slice %arg17[%add3A_203] : memref<6400000xf32, #tpu.memory_space<hbm>> -> memref<1600xf32, #tpu.memory_space<hbm>>
      tpu.wait_dma2 semaphore(%arg58 : memref<!tpu.dma_semaphore, #tpu.memory_space<semaphore_mem>>) src(%arg46 : memref<1600xf32, #tpu.memory_space<vmem>>) dst(%dma_wait3A_249 : memref<1600xf32, #tpu.memory_space<hbm>>)
      %dma_wait3A_250 = tpu.memref_slice %arg18[%add3A_203] : memref<6400000xf32, #tpu.memory_space<hbm>> -> memref<1600xf32, #tpu.memory_space<hbm>>
      %dma_wait3A_251 = tpu.memref_slice %arg18[%add3A_203] : memref<6400000xf32, #tpu.memory_space<hbm>> -> memref<1600xf32, #tpu.memory_space<hbm>>
      tpu.wait_dma2 semaphore(%arg58 : memref<!tpu.dma_semaphore, #tpu.memory_space<semaphore_mem>>) src(%arg47 : memref<1600xf32, #tpu.memory_space<vmem>>) dst(%dma_wait3A_251 : memref<1600xf32, #tpu.memory_space<hbm>>)
      %dma_wait3A_252 = tpu.memref_slice %arg19[%add3A_203] : memref<6400000xf32, #tpu.memory_space<hbm>> -> memref<1600xf32, #tpu.memory_space<hbm>>
      %dma_wait3A_253 = tpu.memref_slice %arg19[%add3A_203] : memref<6400000xf32, #tpu.memory_space<hbm>> -> memref<1600xf32, #tpu.memory_space<hbm>>
      tpu.wait_dma2 semaphore(%arg58 : memref<!tpu.dma_semaphore, #tpu.memory_space<semaphore_mem>>) src(%arg48 : memref<1600xf32, #tpu.memory_space<vmem>>) dst(%dma_wait3A_253 : memref<1600xf32, #tpu.memory_space<hbm>>)
      %dma_wait3A_254 = tpu.memref_slice %arg20[%add3A_203] : memref<6400000xf32, #tpu.memory_space<hbm>> -> memref<1600xf32, #tpu.memory_space<hbm>>
      %dma_wait3A_255 = tpu.memref_slice %arg20[%add3A_203] : memref<6400000xf32, #tpu.memory_space<hbm>> -> memref<1600xf32, #tpu.memory_space<hbm>>
      tpu.wait_dma2 semaphore(%arg58 : memref<!tpu.dma_semaphore, #tpu.memory_space<semaphore_mem>>) src(%arg49 : memref<1600xf32, #tpu.memory_space<vmem>>) dst(%dma_wait3A_255 : memref<1600xf32, #tpu.memory_space<hbm>>)
      %dma_wait3A_256 = tpu.memref_slice %arg21[%add3A_203] : memref<6400000xf32, #tpu.memory_space<hbm>> -> memref<1600xf32, #tpu.memory_space<hbm>>
      %dma_wait3A_257 = tpu.memref_slice %arg21[%add3A_203] : memref<6400000xf32, #tpu.memory_space<hbm>> -> memref<1600xf32, #tpu.memory_space<hbm>>
      tpu.wait_dma2 semaphore(%arg58 : memref<!tpu.dma_semaphore, #tpu.memory_space<semaphore_mem>>) src(%arg50 : memref<1600xf32, #tpu.memory_space<vmem>>) dst(%dma_wait3A_257 : memref<1600xf32, #tpu.memory_space<hbm>>)
      %dma_wait3A_258 = tpu.memref_slice %arg22[%add3A_203] : memref<6400000xf32, #tpu.memory_space<hbm>> -> memref<1600xf32, #tpu.memory_space<hbm>>
      %dma_wait3A_259 = tpu.memref_slice %arg22[%add3A_203] : memref<6400000xf32, #tpu.memory_space<hbm>> -> memref<1600xf32, #tpu.memory_space<hbm>>
      tpu.wait_dma2 semaphore(%arg58 : memref<!tpu.dma_semaphore, #tpu.memory_space<semaphore_mem>>) src(%arg51 : memref<1600xf32, #tpu.memory_space<vmem>>) dst(%dma_wait3A_259 : memref<1600xf32, #tpu.memory_space<hbm>>)
      %dma_wait3A_260 = tpu.memref_slice %arg23[%add3A_203] : memref<6400000xf32, #tpu.memory_space<hbm>> -> memref<1600xf32, #tpu.memory_space<hbm>>
      %dma_wait3A_261 = tpu.memref_slice %arg23[%add3A_203] : memref<6400000xf32, #tpu.memory_space<hbm>> -> memref<1600xf32, #tpu.memory_space<hbm>>
      tpu.wait_dma2 semaphore(%arg58 : memref<!tpu.dma_semaphore, #tpu.memory_space<semaphore_mem>>) src(%arg52 : memref<1600xf32, #tpu.memory_space<vmem>>) dst(%dma_wait3A_261 : memref<1600xf32, #tpu.memory_space<hbm>>)
      %dma_wait3A_262 = tpu.memref_slice %arg24[%add3A_203] : memref<6400000xf32, #tpu.memory_space<hbm>> -> memref<1600xf32, #tpu.memory_space<hbm>>
      %dma_wait3A_263 = tpu.memref_slice %arg24[%add3A_203] : memref<6400000xf32, #tpu.memory_space<hbm>> -> memref<1600xf32, #tpu.memory_space<hbm>>
      tpu.wait_dma2 semaphore(%arg58 : memref<!tpu.dma_semaphore, #tpu.memory_space<semaphore_mem>>) src(%arg53 : memref<1600xf32, #tpu.memory_space<vmem>>) dst(%dma_wait3A_263 : memref<1600xf32, #tpu.memory_space<hbm>>)
      %dma_wait3A_264 = arith.constant 0 : i32
      %dma_wait3A_265 = arith.constant 0 : i32
      %dma_wait3A_266 = tpu.memref_slice %arg2[%dma_wait3A_264, %dma_wait3A_265] : memref<100000x8xf32, #tpu.memory_space<hbm>> -> memref<1600x8xf32, #tpu.memory_space<hbm>>
      %dma_wait3A_267 = arith.constant 0 : i32
      %dma_wait3A_268 = arith.constant 0 : i32
      %dma_wait3A_269 = tpu.memref_slice %arg2[%dma_wait3A_267, %dma_wait3A_268] : memref<100000x8xf32, #tpu.memory_space<hbm>> -> memref<1600x8xf32, #tpu.memory_space<hbm>>
      tpu.wait_dma2 semaphore(%arg57 : memref<!tpu.dma_semaphore, #tpu.memory_space<semaphore_mem>>) src(%dma_wait3A_269 : memref<1600x8xf32, #tpu.memory_space<hbm>>) dst(%arg34 : memref<1600x8xf32, #tpu.memory_space<vmem>>)
      %dma_wait3A_270 = arith.constant 0 : i32
      %dma_wait3A_271 = arith.constant 0 : i32
      %dma_wait3A_272 = tpu.memref_slice %arg2[%dma_wait3A_270, %dma_wait3A_271] : memref<100000x8xf32, #tpu.memory_space<hbm>> -> memref<1600x8xf32, #tpu.memory_space<hbm>>
      %dma_wait3A_273 = arith.constant 0 : i32
      %dma_wait3A_274 = arith.constant 0 : i32
      %dma_wait3A_275 = tpu.memref_slice %arg2[%dma_wait3A_273, %dma_wait3A_274] : memref<100000x8xf32, #tpu.memory_space<hbm>> -> memref<1600x8xf32, #tpu.memory_space<hbm>>
      tpu.wait_dma2 semaphore(%arg57 : memref<!tpu.dma_semaphore, #tpu.memory_space<semaphore_mem>>) src(%dma_wait3A_275 : memref<1600x8xf32, #tpu.memory_space<hbm>>) dst(%arg35 : memref<1600x8xf32, #tpu.memory_space<vmem>>)
      %dma_wait3A_276 = arith.constant 0 : i32
      %dma_wait3A_277 = tpu.memref_slice %arg5[%dma_wait3A_276] : memref<6400000xf32, #tpu.memory_space<hbm>> -> memref<1600xf32, #tpu.memory_space<hbm>>
      %dma_wait3A_278 = arith.constant 0 : i32
      %dma_wait3A_279 = tpu.memref_slice %arg5[%dma_wait3A_278] : memref<6400000xf32, #tpu.memory_space<hbm>> -> memref<1600xf32, #tpu.memory_space<hbm>>
      tpu.wait_dma2 semaphore(%arg57 : memref<!tpu.dma_semaphore, #tpu.memory_space<semaphore_mem>>) src(%dma_wait3A_279 : memref<1600xf32, #tpu.memory_space<hbm>>) dst(%arg36 : memref<1600xf32, #tpu.memory_space<vmem>>)
      %dma_wait3A_280 = arith.constant 0 : i32
      %dma_wait3A_281 = tpu.memref_slice %arg6[%dma_wait3A_280] : memref<6400000xf32, #tpu.memory_space<hbm>> -> memref<1600xf32, #tpu.memory_space<hbm>>
      %dma_wait3A_282 = arith.constant 0 : i32
      %dma_wait3A_283 = tpu.memref_slice %arg6[%dma_wait3A_282] : memref<6400000xf32, #tpu.memory_space<hbm>> -> memref<1600xf32, #tpu.memory_space<hbm>>
      tpu.wait_dma2 semaphore(%arg57 : memref<!tpu.dma_semaphore, #tpu.memory_space<semaphore_mem>>) src(%dma_wait3A_283 : memref<1600xf32, #tpu.memory_space<hbm>>) dst(%arg37 : memref<1600xf32, #tpu.memory_space<vmem>>)
      %dma_wait3A_284 = arith.constant 0 : i32
      %dma_wait3A_285 = tpu.memref_slice %arg7[%dma_wait3A_284] : memref<6400000xf32, #tpu.memory_space<hbm>> -> memref<1600xf32, #tpu.memory_space<hbm>>
      %dma_wait3A_286 = arith.constant 0 : i32
      %dma_wait3A_287 = tpu.memref_slice %arg7[%dma_wait3A_286] : memref<6400000xf32, #tpu.memory_space<hbm>> -> memref<1600xf32, #tpu.memory_space<hbm>>
      tpu.wait_dma2 semaphore(%arg57 : memref<!tpu.dma_semaphore, #tpu.memory_space<semaphore_mem>>) src(%dma_wait3A_287 : memref<1600xf32, #tpu.memory_space<hbm>>) dst(%arg38 : memref<1600xf32, #tpu.memory_space<vmem>>)
      %add3A_288 = arith.constant 2 : i32
      %add3A_289 = arith.addi %mul3A_150, %add3A_288 : i32
      %mul3A_290 = arith.constant 200000 : i32
      %mul3A_291 = arith.muli %add3A, %mul3A_290 : i32
      %mul3A_292 = arith.constant 1600 : i32
      %mul3A_293 = arith.muli %add3A_289, %mul3A_292 : i32
      %add3A_294 = arith.addi %mul3A_291, %mul3A_293 : i32
      "tpu.region"() ({
        %run_scoped3A = tpu.sem_alloc : memref<!tpu.dma_semaphore, #tpu.memory_space<semaphore_mem>>
        %dma_start3A_379 = tpu.memref_slice %arg3[%add3A_294] : memref<6400000xi32, #tpu.memory_space<hbm>> -> memref<1600xi32, #tpu.memory_space<hbm>>
        %dma_start3A_380 = tpu.memref_slice %arg3[%add3A_294] : memref<6400000xi32, #tpu.memory_space<hbm>> -> memref<1600xi32, #tpu.memory_space<hbm>>
        tpu.enqueue_dma source(%dma_start3A_380 : memref<1600xi32, #tpu.memory_space<hbm>>) target(%arg25 : memref<1600xi32, #tpu.memory_space<vmem>>) target_semaphore(%run_scoped3A : memref<!tpu.dma_semaphore, #tpu.memory_space<semaphore_mem>>)
        %dma_wait3A_381 = tpu.memref_slice %arg3[%add3A_294] : memref<6400000xi32, #tpu.memory_space<hbm>> -> memref<1600xi32, #tpu.memory_space<hbm>>
        %dma_wait3A_382 = tpu.memref_slice %arg3[%add3A_294] : memref<6400000xi32, #tpu.memory_space<hbm>> -> memref<1600xi32, #tpu.memory_space<hbm>>
        tpu.wait_dma2 semaphore(%run_scoped3A : memref<!tpu.dma_semaphore, #tpu.memory_space<semaphore_mem>>) src(%dma_wait3A_382 : memref<1600xi32, #tpu.memory_space<hbm>>) dst(%arg25 : memref<1600xi32, #tpu.memory_space<vmem>>)
        tpu.yield
      }) : () -> ()
      "tpu.region"() ({
        %run_scoped3A = tpu.sem_alloc : memref<!tpu.dma_semaphore, #tpu.memory_space<semaphore_mem>>
        %dma_start3A_379 = tpu.memref_slice %arg4[%add3A_294] : memref<6400000xi32, #tpu.memory_space<hbm>> -> memref<1600xi32, #tpu.memory_space<hbm>>
        %dma_start3A_380 = tpu.memref_slice %arg4[%add3A_294] : memref<6400000xi32, #tpu.memory_space<hbm>> -> memref<1600xi32, #tpu.memory_space<hbm>>
        tpu.enqueue_dma source(%dma_start3A_380 : memref<1600xi32, #tpu.memory_space<hbm>>) target(%arg26 : memref<1600xi32, #tpu.memory_space<vmem>>) target_semaphore(%run_scoped3A : memref<!tpu.dma_semaphore, #tpu.memory_space<semaphore_mem>>)
        %dma_wait3A_381 = tpu.memref_slice %arg4[%add3A_294] : memref<6400000xi32, #tpu.memory_space<hbm>> -> memref<1600xi32, #tpu.memory_space<hbm>>
        %dma_wait3A_382 = tpu.memref_slice %arg4[%add3A_294] : memref<6400000xi32, #tpu.memory_space<hbm>> -> memref<1600xi32, #tpu.memory_space<hbm>>
        tpu.wait_dma2 semaphore(%run_scoped3A : memref<!tpu.dma_semaphore, #tpu.memory_space<semaphore_mem>>) src(%dma_wait3A_382 : memref<1600xi32, #tpu.memory_space<hbm>>) dst(%arg26 : memref<1600xi32, #tpu.memory_space<vmem>>)
        tpu.yield
      }) : () -> ()
      %dma_start3A_295 = arith.constant 0 : i32
      %dma_start3A_296 = arith.constant 0 : i32
      %dma_start3A_297 = tpu.memref_slice %arg2[%dma_start3A_295, %dma_start3A_296] : memref<100000x8xf32, #tpu.memory_space<hbm>> -> memref<100000x8xf32, #tpu.memory_space<hbm>>
      tpu.enqueue_indirect_dma source(%dma_start3A_297 : memref<100000x8xf32, #tpu.memory_space<hbm>>) target(%arg27 : memref<1600x8xf32, #tpu.memory_space<vmem>>) offsets(%arg25 : memref<1600xi32, #tpu.memory_space<vmem>>) semaphore(%arg57 : memref<!tpu.dma_semaphore, #tpu.memory_space<semaphore_mem>>)
      %dma_start3A_298 = arith.constant 0 : i32
      %dma_start3A_299 = arith.constant 0 : i32
      %dma_start3A_300 = tpu.memref_slice %arg2[%dma_start3A_298, %dma_start3A_299] : memref<100000x8xf32, #tpu.memory_space<hbm>> -> memref<100000x8xf32, #tpu.memory_space<hbm>>
      tpu.enqueue_indirect_dma source(%dma_start3A_300 : memref<100000x8xf32, #tpu.memory_space<hbm>>) target(%arg28 : memref<1600x8xf32, #tpu.memory_space<vmem>>) offsets(%arg26 : memref<1600xi32, #tpu.memory_space<vmem>>) semaphore(%arg57 : memref<!tpu.dma_semaphore, #tpu.memory_space<semaphore_mem>>)
      %dma_start3A_301 = tpu.memref_slice %arg5[%add3A_294] : memref<6400000xf32, #tpu.memory_space<hbm>> -> memref<1600xf32, #tpu.memory_space<hbm>>
      %dma_start3A_302 = tpu.memref_slice %arg5[%add3A_294] : memref<6400000xf32, #tpu.memory_space<hbm>> -> memref<1600xf32, #tpu.memory_space<hbm>>
      tpu.enqueue_dma source(%dma_start3A_302 : memref<1600xf32, #tpu.memory_space<hbm>>) target(%arg29 : memref<1600xf32, #tpu.memory_space<vmem>>) target_semaphore(%arg57 : memref<!tpu.dma_semaphore, #tpu.memory_space<semaphore_mem>>)
      %dma_start3A_303 = tpu.memref_slice %arg6[%add3A_294] : memref<6400000xf32, #tpu.memory_space<hbm>> -> memref<1600xf32, #tpu.memory_space<hbm>>
      %dma_start3A_304 = tpu.memref_slice %arg6[%add3A_294] : memref<6400000xf32, #tpu.memory_space<hbm>> -> memref<1600xf32, #tpu.memory_space<hbm>>
      tpu.enqueue_dma source(%dma_start3A_304 : memref<1600xf32, #tpu.memory_space<hbm>>) target(%arg30 : memref<1600xf32, #tpu.memory_space<vmem>>) target_semaphore(%arg57 : memref<!tpu.dma_semaphore, #tpu.memory_space<semaphore_mem>>)
      %dma_start3A_305 = tpu.memref_slice %arg7[%add3A_294] : memref<6400000xf32, #tpu.memory_space<hbm>> -> memref<1600xf32, #tpu.memory_space<hbm>>
      %dma_start3A_306 = tpu.memref_slice %arg7[%add3A_294] : memref<6400000xf32, #tpu.memory_space<hbm>> -> memref<1600xf32, #tpu.memory_space<hbm>>
      tpu.enqueue_dma source(%dma_start3A_306 : memref<1600xf32, #tpu.memory_space<hbm>>) target(%arg31 : memref<1600xf32, #tpu.memory_space<vmem>>) target_semaphore(%arg57 : memref<!tpu.dma_semaphore, #tpu.memory_space<semaphore_mem>>)
      %add3A_307 = arith.constant 1 : i32
      %add3A_308 = arith.addi %mul3A_150, %add3A_307 : i32
      %scan3A_309 = arith.constant 0 : i32
      %scan3A_310 = arith.constant 100 : i32
      %scan3A_311 = arith.addi %scan3A_309, %scan3A_310 : i32
      %scan3A_312 = arith.constant 1 : i32
      scf.for %scan3A_379 = %scan3A_309 to %scan3A_311 step %scan3A_312  : i32 {
        %mul3A_380 = arith.constant 1 : i32
        %mul3A_381 = arith.muli %scan3A_379, %mul3A_380 : i32
        %add3A_382 = arith.constant 0 : i32
        %add3A_383 = arith.addi %add3A_382, %mul3A_381 : i32
        %mul3A_384 = arith.constant 16 : i32
        %mul3A_385 = arith.muli %add3A_383, %mul3A_384 : i32
        %add3A_386 = vector.broadcast %mul3A_385 : i32 to vector<16xi32>
        %add3A_387 = arith.addi %add3A_386, %iota3A : vector<16xi32>
        %mul3A_388 = arith.constant 3 : i32
        %mul3A_389 = vector.broadcast %mul3A_388 : i32 to vector<16xi32>
        %mul3A_390 = arith.muli %add3A_387, %mul3A_389 : vector<16xi32>
        %gather3A = tpu.vector_load_idx %arg34[%add3A_387, %broadcast_in_dim3A_9] : memref<1600x8xf32, #tpu.memory_space<vmem>>[vector<16xi32>, vector<16xi32>], vector<16xf32>,
        %gather3A_391 = tpu.vector_load_idx %arg34[%add3A_387, %broadcast_in_dim3A_11] : memref<1600x8xf32, #tpu.memory_space<vmem>>[vector<16xi32>, vector<16xi32>], vector<16xf32>,
        %gather3A_392 = tpu.vector_load_idx %arg34[%add3A_387, %broadcast_in_dim3A_13] : memref<1600x8xf32, #tpu.memory_space<vmem>>[vector<16xi32>, vector<16xi32>], vector<16xf32>,
        %gather3A_393 = tpu.vector_load_idx %arg34[%add3A_387, %broadcast_in_dim3A_15] : memref<1600x8xf32, #tpu.memory_space<vmem>>[vector<16xi32>, vector<16xi32>], vector<16xf32>,
        %gather3A_394 = tpu.vector_load_idx %arg34[%add3A_387, %broadcast_in_dim3A_17] : memref<1600x8xf32, #tpu.memory_space<vmem>>[vector<16xi32>, vector<16xi32>], vector<16xf32>,
        %gather3A_395 = tpu.vector_load_idx %arg35[%add3A_387, %broadcast_in_dim3A_9] : memref<1600x8xf32, #tpu.memory_space<vmem>>[vector<16xi32>, vector<16xi32>], vector<16xf32>,
        %gather3A_396 = tpu.vector_load_idx %arg35[%add3A_387, %broadcast_in_dim3A_11] : memref<1600x8xf32, #tpu.memory_space<vmem>>[vector<16xi32>, vector<16xi32>], vector<16xf32>,
        %gather3A_397 = tpu.vector_load_idx %arg35[%add3A_387, %broadcast_in_dim3A_13] : memref<1600x8xf32, #tpu.memory_space<vmem>>[vector<16xi32>, vector<16xi32>], vector<16xf32>,
        %gather3A_398 = tpu.vector_load_idx %arg35[%add3A_387, %broadcast_in_dim3A_15] : memref<1600x8xf32, #tpu.memory_space<vmem>>[vector<16xi32>, vector<16xi32>], vector<16xf32>,
        %gather3A_399 = tpu.vector_load_idx %arg35[%add3A_387, %broadcast_in_dim3A_17] : memref<1600x8xf32, #tpu.memory_space<vmem>>[vector<16xi32>, vector<16xi32>], vector<16xf32>,
        %get3A = arith.index_cast %mul3A_385 : i32 to index
        %get3A_400 = tpu.vector_load %arg36[%get3A] {strides = array<i32>} : memref<1600xf32, #tpu.memory_space<vmem>>, vector<16xf32>,
        %get3A_401 = arith.index_cast %mul3A_385 : i32 to index
        %get3A_402 = tpu.vector_load %arg37[%get3A_401] {strides = array<i32>} : memref<1600xf32, #tpu.memory_space<vmem>>, vector<16xf32>,
        %get3A_403 = arith.index_cast %mul3A_385 : i32 to index
        %get3A_404 = tpu.vector_load %arg38[%get3A_403] {strides = array<i32>} : memref<1600xf32, #tpu.memory_space<vmem>>, vector<16xf32>,
        %get3A_405 = arith.index_cast %mul3A_385 : i32 to index
        %get3A_406 = tpu.vector_load %arg32[%get3A_405] {strides = array<i32>} : memref<1600xi32, #tpu.memory_space<vmem>>, vector<16xi32>,
        %get3A_407 = arith.index_cast %mul3A_385 : i32 to index
        %get3A_408 = tpu.vector_load %arg33[%get3A_407] {strides = array<i32>} : memref<1600xi32, #tpu.memory_space<vmem>>, vector<16xi32>,
        %sub3A = arith.subf %gather3A_398, %gather3A_393 : vector<16xf32>
        %sub3A_409 = arith.subf %gather3A_399, %gather3A_394 : vector<16xf32>
        %mul3A_410 = arith.mulf %sub3A, %sub3A : vector<16xf32>
        %mul3A_411 = arith.mulf %sub3A_409, %sub3A_409 : vector<16xf32>
        %add3A_412 = arith.addf %mul3A_410, %mul3A_411 : vector<16xf32>
        %bitcast3A = vector.bitcast %add3A_412 : vector<16xf32> to vector<16xi32>
        %shift_right_logical3A = arith.constant 1 : i32
        %shift_right_logical3A_413 = vector.broadcast %shift_right_logical3A : i32 to vector<16xi32>
        %shift_right_logical3A_414 = arith.shrui %bitcast3A, %shift_right_logical3A_413 : vector<16xi32>
        %sub3A_415 = arith.constant 1597463007 : i32
        %sub3A_416 = vector.broadcast %sub3A_415 : i32 to vector<16xi32>
        %sub3A_417 = arith.subi %sub3A_416, %shift_right_logical3A_414 : vector<16xi32>
        %bitcast3A_418 = vector.bitcast %sub3A_417 : vector<16xi32> to vector<16xf32>
        %mul3A_419 = arith.constant 5.000000e-01 : f32
        %mul3A_420 = vector.broadcast %mul3A_419 : f32 to vector<16xf32>
        %mul3A_421 = arith.mulf %mul3A_420, %add3A_412 : vector<16xf32>
        %mul3A_422 = arith.mulf %mul3A_421, %bitcast3A_418 : vector<16xf32>
        %mul3A_423 = arith.mulf %mul3A_422, %bitcast3A_418 : vector<16xf32>
        %sub3A_424 = arith.constant 1.500000e+00 : f32
        %sub3A_425 = vector.broadcast %sub3A_424 : f32 to vector<16xf32>
        %sub3A_426 = arith.subf %sub3A_425, %mul3A_423 : vector<16xf32>
        %mul3A_427 = arith.mulf %bitcast3A_418, %sub3A_426 : vector<16xf32>
        %mul3A_428 = arith.mulf %mul3A_421, %mul3A_427 : vector<16xf32>
        %mul3A_429 = arith.mulf %mul3A_428, %mul3A_427 : vector<16xf32>
        %sub3A_430 = arith.constant 1.500000e+00 : f32
        %sub3A_431 = vector.broadcast %sub3A_430 : f32 to vector<16xf32>
        %sub3A_432 = arith.subf %sub3A_431, %mul3A_429 : vector<16xf32>
        %mul3A_433 = arith.mulf %mul3A_427, %sub3A_432 : vector<16xf32>
        %mul3A_434 = arith.mulf %mul3A_421, %mul3A_433 : vector<16xf32>
        %mul3A_435 = arith.mulf %mul3A_434, %mul3A_433 : vector<16xf32>
        %sub3A_436 = arith.constant 1.500000e+00 : f32
        %sub3A_437 = vector.broadcast %sub3A_436 : f32 to vector<16xf32>
        %sub3A_438 = arith.subf %sub3A_437, %mul3A_435 : vector<16xf32>
        %mul3A_439 = arith.mulf %mul3A_433, %sub3A_438 : vector<16xf32>
        %mul3A_440 = arith.mulf %sub3A, %mul3A_439 : vector<16xf32>
        %mul3A_441 = arith.mulf %sub3A_409, %mul3A_439 : vector<16xf32>
        %mul3A_442 = arith.mulf %add3A_412, %mul3A_439 : vector<16xf32>
        %mul3A_443 = arith.mulf %mul3A_439, %mul3A_439 : vector<16xf32>
        %mul3A_444 = arith.mulf %get3A_400, %get3A_402 : vector<16xf32>
        %mul3A_445 = arith.mulf %get3A_400, %get3A_404 : vector<16xf32>
        %mul3A_446 = arith.mulf %mul3A_444, %mul3A_439 : vector<16xf32>
        %mul3A_447 = arith.mulf %mul3A_445, %mul3A_439 : vector<16xf32>
        %mul3A_448 = arith.mulf %mul3A_445, %mul3A_443 : vector<16xf32>
        %mul3A_449 = arith.mulf %mul3A_447, %mul3A_443 : vector<16xf32>
        %mul3A_450 = arith.mulf %mul3A_440, %gather3A : vector<16xf32>
        %mul3A_451 = arith.mulf %mul3A_441, %gather3A_391 : vector<16xf32>
        %add3A_452 = arith.addf %mul3A_450, %mul3A_451 : vector<16xf32>
        %mul3A_453 = arith.mulf %mul3A_440, %gather3A_391 : vector<16xf32>
        %mul3A_454 = arith.mulf %mul3A_441, %gather3A : vector<16xf32>
        %sub3A_455 = arith.subf %mul3A_453, %mul3A_454 : vector<16xf32>
        %mul3A_456 = arith.mulf %mul3A_440, %gather3A_395 : vector<16xf32>
        %mul3A_457 = arith.mulf %mul3A_441, %gather3A_396 : vector<16xf32>
        %add3A_458 = arith.addf %mul3A_456, %mul3A_457 : vector<16xf32>
        %mul3A_459 = arith.mulf %mul3A_440, %gather3A_396 : vector<16xf32>
        %mul3A_460 = arith.mulf %mul3A_441, %gather3A_395 : vector<16xf32>
        %sub3A_461 = arith.subf %mul3A_459, %mul3A_460 : vector<16xf32>
        %sub3A_462 = arith.subf %add3A_452, %add3A_458 : vector<16xf32>
        %sub3A_463 = arith.subf %sub3A_455, %sub3A_461 : vector<16xf32>
        %add3A_464 = arith.addf %gather3A_392, %gather3A_397 : vector<16xf32>
        %mul3A_465 = arith.mulf %mul3A_446, %sub3A_462 : vector<16xf32>
        %mul3A_466 = arith.mulf %mul3A_449, %sub3A_463 : vector<16xf32>
        %mul3A_467 = arith.constant 1.200000e+01 : f32
        %mul3A_468 = vector.broadcast %mul3A_467 : f32 to vector<16xf32>
        %mul3A_469 = arith.mulf %mul3A_468, %mul3A_466 : vector<16xf32>
        %mul3A_470 = arith.mulf %mul3A_448, %add3A_464 : vector<16xf32>
        %mul3A_471 = arith.constant 6.000000e+00 : f32
        %mul3A_472 = vector.broadcast %mul3A_471 : f32 to vector<16xf32>
        %mul3A_473 = arith.mulf %mul3A_472, %mul3A_470 : vector<16xf32>
        %add3A_474 = arith.addf %mul3A_469, %mul3A_473 : vector<16xf32>
        %mul3A_475 = arith.mulf %mul3A_448, %sub3A_463 : vector<16xf32>
        %mul3A_476 = arith.constant 6.000000e+00 : f32
        %mul3A_477 = vector.broadcast %mul3A_476 : f32 to vector<16xf32>
        %mul3A_478 = arith.mulf %mul3A_477, %mul3A_475 : vector<16xf32>
        %mul3A_479 = arith.constant 4.000000e+00 : f32
        %mul3A_480 = vector.broadcast %mul3A_479 : f32 to vector<16xf32>
        %mul3A_481 = arith.mulf %mul3A_480, %gather3A_392 : vector<16xf32>
        %mul3A_482 = arith.constant 2.000000e+00 : f32
        %mul3A_483 = vector.broadcast %mul3A_482 : f32 to vector<16xf32>
        %mul3A_484 = arith.mulf %mul3A_483, %gather3A_397 : vector<16xf32>
        %add3A_485 = arith.addf %mul3A_481, %mul3A_484 : vector<16xf32>
        %mul3A_486 = arith.mulf %mul3A_447, %add3A_485 : vector<16xf32>
        %add3A_487 = arith.addf %mul3A_478, %mul3A_486 : vector<16xf32>
        %mul3A_488 = arith.constant 2.000000e+00 : f32
        %mul3A_489 = vector.broadcast %mul3A_488 : f32 to vector<16xf32>
        %mul3A_490 = arith.mulf %mul3A_489, %gather3A_392 : vector<16xf32>
        %mul3A_491 = arith.constant 4.000000e+00 : f32
        %mul3A_492 = vector.broadcast %mul3A_491 : f32 to vector<16xf32>
        %mul3A_493 = arith.mulf %mul3A_492, %gather3A_397 : vector<16xf32>
        %add3A_494 = arith.addf %mul3A_490, %mul3A_493 : vector<16xf32>
        %mul3A_495 = arith.mulf %mul3A_447, %add3A_494 : vector<16xf32>
        %add3A_496 = arith.addf %mul3A_478, %mul3A_495 : vector<16xf32>
        %mul3A_497 = arith.mulf %mul3A_440, %mul3A_465 : vector<16xf32>
        %mul3A_498 = arith.mulf %mul3A_441, %add3A_474 : vector<16xf32>
        %sub3A_499 = arith.subf %mul3A_497, %mul3A_498 : vector<16xf32>
        %mul3A_500 = arith.mulf %mul3A_441, %mul3A_465 : vector<16xf32>
        %mul3A_501 = arith.mulf %mul3A_440, %add3A_474 : vector<16xf32>
        %add3A_502 = arith.addf %mul3A_500, %mul3A_501 : vector<16xf32>
        %mul3A_503 = arith.constant 3 : i32
        %mul3A_504 = vector.broadcast %mul3A_503 : i32 to vector<16xi32>
        %mul3A_505 = arith.muli %get3A_406, %mul3A_504 : vector<16xi32>
        %mul3A_506 = arith.constant 3 : i32
        %mul3A_507 = vector.broadcast %mul3A_506 : i32 to vector<16xi32>
        %mul3A_508 = arith.muli %get3A_408, %mul3A_507 : vector<16xi32>
        %swap3A = arith.index_cast %mul3A_385 : i32 to index
        %swap3A_509 = tpu.vector_load %arg39[%swap3A] {strides = array<i32>} : memref<1600xf32, #tpu.memory_space<vmem>>, vector<16xf32>,
        tpu.vector_store %arg39[%swap3A], %mul3A_465 {strides = array<i32>} : memref<1600xf32, #tpu.memory_space<vmem>>, vector<16xf32>,
        %swap3A_510 = arith.index_cast %mul3A_385 : i32 to index
        %swap3A_511 = tpu.vector_load %arg40[%swap3A_510] {strides = array<i32>} : memref<1600xf32, #tpu.memory_space<vmem>>, vector<16xf32>,
        tpu.vector_store %arg40[%swap3A_510], %add3A_474 {strides = array<i32>} : memref<1600xf32, #tpu.memory_space<vmem>>, vector<16xf32>,
        %swap3A_512 = arith.index_cast %mul3A_385 : i32 to index
        %swap3A_513 = tpu.vector_load %arg41[%swap3A_512] {strides = array<i32>} : memref<1600xf32, #tpu.memory_space<vmem>>, vector<16xf32>,
        tpu.vector_store %arg41[%swap3A_512], %add3A_487 {strides = array<i32>} : memref<1600xf32, #tpu.memory_space<vmem>>, vector<16xf32>,
        %swap3A_514 = arith.index_cast %mul3A_385 : i32 to index
        %swap3A_515 = tpu.vector_load %arg42[%swap3A_514] {strides = array<i32>} : memref<1600xf32, #tpu.memory_space<vmem>>, vector<16xf32>,
        tpu.vector_store %arg42[%swap3A_514], %add3A_496 {strides = array<i32>} : memref<1600xf32, #tpu.memory_space<vmem>>, vector<16xf32>,
        %swap3A_516 = arith.index_cast %mul3A_385 : i32 to index
        %swap3A_517 = tpu.vector_load %arg43[%swap3A_516] {strides = array<i32>} : memref<1600xf32, #tpu.memory_space<vmem>>, vector<16xf32>,
        tpu.vector_store %arg43[%swap3A_516], %add3A_452 {strides = array<i32>} : memref<1600xf32, #tpu.memory_space<vmem>>, vector<16xf32>,
        %swap3A_518 = arith.index_cast %mul3A_385 : i32 to index
        %swap3A_519 = tpu.vector_load %arg44[%swap3A_518] {strides = array<i32>} : memref<1600xf32, #tpu.memory_space<vmem>>, vector<16xf32>,
        tpu.vector_store %arg44[%swap3A_518], %sub3A_455 {strides = array<i32>} : memref<1600xf32, #tpu.memory_space<vmem>>, vector<16xf32>,
        %swap3A_520 = arith.index_cast %mul3A_385 : i32 to index
        %swap3A_521 = tpu.vector_load %arg45[%swap3A_520] {strides = array<i32>} : memref<1600xf32, #tpu.memory_space<vmem>>, vector<16xf32>,
        tpu.vector_store %arg45[%swap3A_520], %gather3A_392 {strides = array<i32>} : memref<1600xf32, #tpu.memory_space<vmem>>, vector<16xf32>,
        %swap3A_522 = arith.index_cast %mul3A_385 : i32 to index
        %swap3A_523 = tpu.vector_load %arg46[%swap3A_522] {strides = array<i32>} : memref<1600xf32, #tpu.memory_space<vmem>>, vector<16xf32>,
        tpu.vector_store %arg46[%swap3A_522], %add3A_458 {strides = array<i32>} : memref<1600xf32, #tpu.memory_space<vmem>>, vector<16xf32>,
        %swap3A_524 = arith.index_cast %mul3A_385 : i32 to index
        %swap3A_525 = tpu.vector_load %arg47[%swap3A_524] {strides = array<i32>} : memref<1600xf32, #tpu.memory_space<vmem>>, vector<16xf32>,
        tpu.vector_store %arg47[%swap3A_524], %sub3A_461 {strides = array<i32>} : memref<1600xf32, #tpu.memory_space<vmem>>, vector<16xf32>,
        %swap3A_526 = arith.index_cast %mul3A_385 : i32 to index
        %swap3A_527 = tpu.vector_load %arg48[%swap3A_526] {strides = array<i32>} : memref<1600xf32, #tpu.memory_space<vmem>>, vector<16xf32>,
        tpu.vector_store %arg48[%swap3A_526], %gather3A_397 {strides = array<i32>} : memref<1600xf32, #tpu.memory_space<vmem>>, vector<16xf32>,
        %swap3A_528 = arith.index_cast %mul3A_385 : i32 to index
        %swap3A_529 = tpu.vector_load %arg49[%swap3A_528] {strides = array<i32>} : memref<1600xf32, #tpu.memory_space<vmem>>, vector<16xf32>,
        tpu.vector_store %arg49[%swap3A_528], %sub3A_499 {strides = array<i32>} : memref<1600xf32, #tpu.memory_space<vmem>>, vector<16xf32>,
        %swap3A_530 = arith.index_cast %mul3A_385 : i32 to index
        %swap3A_531 = tpu.vector_load %arg50[%swap3A_530] {strides = array<i32>} : memref<1600xf32, #tpu.memory_space<vmem>>, vector<16xf32>,
        tpu.vector_store %arg50[%swap3A_530], %add3A_502 {strides = array<i32>} : memref<1600xf32, #tpu.memory_space<vmem>>, vector<16xf32>,
        %swap3A_532 = arith.index_cast %mul3A_385 : i32 to index
        %swap3A_533 = tpu.vector_load %arg51[%swap3A_532] {strides = array<i32>} : memref<1600xf32, #tpu.memory_space<vmem>>, vector<16xf32>,
        tpu.vector_store %arg51[%swap3A_532], %mul3A_442 {strides = array<i32>} : memref<1600xf32, #tpu.memory_space<vmem>>, vector<16xf32>,
        %swap3A_534 = arith.index_cast %mul3A_385 : i32 to index
        %swap3A_535 = tpu.vector_load %arg52[%swap3A_534] {strides = array<i32>} : memref<1600xf32, #tpu.memory_space<vmem>>, vector<16xf32>,
        tpu.vector_store %arg52[%swap3A_534], %mul3A_440 {strides = array<i32>} : memref<1600xf32, #tpu.memory_space<vmem>>, vector<16xf32>,
        %swap3A_536 = arith.index_cast %mul3A_385 : i32 to index
        %swap3A_537 = tpu.vector_load %arg53[%swap3A_536] {strides = array<i32>} : memref<1600xf32, #tpu.memory_space<vmem>>, vector<16xf32>,
        tpu.vector_store %arg53[%swap3A_536], %mul3A_441 {strides = array<i32>} : memref<1600xf32, #tpu.memory_space<vmem>>, vector<16xf32>,
        tpu.vector_store_idx %arg54[%mul3A_390], %sub3A_499 : memref<9600xf32, #tpu.memory_space<vmem>>[vector<16xi32>], vector<16xf32>,
        %add3A_538 = arith.constant 1 : i32
        %add3A_539 = vector.broadcast %add3A_538 : i32 to vector<16xi32>
        %add3A_540 = arith.addi %mul3A_390, %add3A_539 : vector<16xi32>
        tpu.vector_store_idx %arg54[%add3A_540], %add3A_502 : memref<9600xf32, #tpu.memory_space<vmem>>[vector<16xi32>], vector<16xf32>,
        %add3A_541 = arith.constant 2 : i32
        %add3A_542 = vector.broadcast %add3A_541 : i32 to vector<16xi32>
        %add3A_543 = arith.addi %mul3A_390, %add3A_542 : vector<16xi32>
        tpu.vector_store_idx %arg54[%add3A_543], %add3A_487 : memref<9600xf32, #tpu.memory_space<vmem>>[vector<16xi32>], vector<16xf32>,
        %add3A_544 = arith.constant 4800 : i32
        %add3A_545 = vector.broadcast %add3A_544 : i32 to vector<16xi32>
        %add3A_546 = arith.addi %add3A_545, %mul3A_390 : vector<16xi32>
        %neg3A = arith.constant 0.000000e+00 : f32
        %neg3A_547 = vector.broadcast %neg3A : f32 to vector<16xf32>
        %neg3A_548 = arith.subf %neg3A_547, %sub3A_499 : vector<16xf32>
        tpu.vector_store_idx %arg54[%add3A_546], %neg3A_548 : memref<9600xf32, #tpu.memory_space<vmem>>[vector<16xi32>], vector<16xf32>,
        %add3A_549 = arith.constant 4800 : i32
        %add3A_550 = vector.broadcast %add3A_549 : i32 to vector<16xi32>
        %add3A_551 = arith.addi %add3A_550, %mul3A_390 : vector<16xi32>
        %add3A_552 = arith.constant 1 : i32
        %add3A_553 = vector.broadcast %add3A_552 : i32 to vector<16xi32>
        %add3A_554 = arith.addi %add3A_551, %add3A_553 : vector<16xi32>
        %neg3A_555 = arith.constant 0.000000e+00 : f32
        %neg3A_556 = vector.broadcast %neg3A_555 : f32 to vector<16xf32>
        %neg3A_557 = arith.subf %neg3A_556, %add3A_502 : vector<16xf32>
        tpu.vector_store_idx %arg54[%add3A_554], %neg3A_557 : memref<9600xf32, #tpu.memory_space<vmem>>[vector<16xi32>], vector<16xf32>,
        %add3A_558 = arith.constant 4800 : i32
        %add3A_559 = vector.broadcast %add3A_558 : i32 to vector<16xi32>
        %add3A_560 = arith.addi %add3A_559, %mul3A_390 : vector<16xi32>
        %add3A_561 = arith.constant 2 : i32
        %add3A_562 = vector.broadcast %add3A_561 : i32 to vector<16xi32>
        %add3A_563 = arith.addi %add3A_560, %add3A_562 : vector<16xi32>
        tpu.vector_store_idx %arg54[%add3A_563], %add3A_496 : memref<9600xf32, #tpu.memory_space<vmem>>[vector<16xi32>], vector<16xf32>,
        tpu.vector_store_idx %arg55[%mul3A_390], %mul3A_505 : memref<9600xi32, #tpu.memory_space<vmem>>[vector<16xi32>], vector<16xi32>,
        %add3A_564 = arith.constant 1 : i32
        %add3A_565 = vector.broadcast %add3A_564 : i32 to vector<16xi32>
        %add3A_566 = arith.addi %mul3A_390, %add3A_565 : vector<16xi32>
        %add3A_567 = arith.constant 1 : i32
        %add3A_568 = vector.broadcast %add3A_567 : i32 to vector<16xi32>
        %add3A_569 = arith.addi %mul3A_505, %add3A_568 : vector<16xi32>
        tpu.vector_store_idx %arg55[%add3A_566], %add3A_569 : memref<9600xi32, #tpu.memory_space<vmem>>[vector<16xi32>], vector<16xi32>,
        %add3A_570 = arith.constant 2 : i32
        %add3A_571 = vector.broadcast %add3A_570 : i32 to vector<16xi32>
        %add3A_572 = arith.addi %mul3A_390, %add3A_571 : vector<16xi32>
        %add3A_573 = arith.constant 2 : i32
        %add3A_574 = vector.broadcast %add3A_573 : i32 to vector<16xi32>
        %add3A_575 = arith.addi %mul3A_505, %add3A_574 : vector<16xi32>
        tpu.vector_store_idx %arg55[%add3A_572], %add3A_575 : memref<9600xi32, #tpu.memory_space<vmem>>[vector<16xi32>], vector<16xi32>,
        %add3A_576 = arith.constant 4800 : i32
        %add3A_577 = vector.broadcast %add3A_576 : i32 to vector<16xi32>
        %add3A_578 = arith.addi %add3A_577, %mul3A_390 : vector<16xi32>
        tpu.vector_store_idx %arg55[%add3A_578], %mul3A_508 : memref<9600xi32, #tpu.memory_space<vmem>>[vector<16xi32>], vector<16xi32>,
        %add3A_579 = arith.constant 4800 : i32
        %add3A_580 = vector.broadcast %add3A_579 : i32 to vector<16xi32>
        %add3A_581 = arith.addi %add3A_580, %mul3A_390 : vector<16xi32>
        %add3A_582 = arith.constant 1 : i32
        %add3A_583 = vector.broadcast %add3A_582 : i32 to vector<16xi32>
        %add3A_584 = arith.addi %add3A_581, %add3A_583 : vector<16xi32>
        %add3A_585 = arith.constant 1 : i32
        %add3A_586 = vector.broadcast %add3A_585 : i32 to vector<16xi32>
        %add3A_587 = arith.addi %mul3A_508, %add3A_586 : vector<16xi32>
        tpu.vector_store_idx %arg55[%add3A_584], %add3A_587 : memref<9600xi32, #tpu.memory_space<vmem>>[vector<16xi32>], vector<16xi32>,
        %add3A_588 = arith.constant 4800 : i32
        %add3A_589 = vector.broadcast %add3A_588 : i32 to vector<16xi32>
        %add3A_590 = arith.addi %add3A_589, %mul3A_390 : vector<16xi32>
        %add3A_591 = arith.constant 2 : i32
        %add3A_592 = vector.broadcast %add3A_591 : i32 to vector<16xi32>
        %add3A_593 = arith.addi %add3A_590, %add3A_592 : vector<16xi32>
        %add3A_594 = arith.constant 2 : i32
        %add3A_595 = vector.broadcast %add3A_594 : i32 to vector<16xi32>
        %add3A_596 = arith.addi %mul3A_508, %add3A_595 : vector<16xi32>
        tpu.vector_store_idx %arg55[%add3A_593], %add3A_596 : memref<9600xi32, #tpu.memory_space<vmem>>[vector<16xi32>], vector<16xi32>,
      }
      %scan3A_313 = arith.constant 100 : i32
      %mul3A_314 = arith.constant 200000 : i32
      %mul3A_315 = arith.muli %add3A, %mul3A_314 : i32
      %mul3A_316 = arith.constant 1600 : i32
      %mul3A_317 = arith.muli %add3A_308, %mul3A_316 : i32
      %add3A_318 = arith.addi %mul3A_315, %mul3A_317 : i32
      %dma_start3A_319 = tpu.memref_slice %arg10[%add3A_318] : memref<6400000xf32, #tpu.memory_space<hbm>> -> memref<1600xf32, #tpu.memory_space<hbm>>
      %dma_start3A_320 = tpu.memref_slice %arg10[%add3A_318] : memref<6400000xf32, #tpu.memory_space<hbm>> -> memref<1600xf32, #tpu.memory_space<hbm>>
      tpu.enqueue_dma source(%arg39 : memref<1600xf32, #tpu.memory_space<vmem>>) target(%dma_start3A_320 : memref<1600xf32, #tpu.memory_space<hbm>>) target_semaphore(%arg58 : memref<!tpu.dma_semaphore, #tpu.memory_space<semaphore_mem>>)
      %dma_start3A_321 = tpu.memref_slice %arg11[%add3A_318] : memref<6400000xf32, #tpu.memory_space<hbm>> -> memref<1600xf32, #tpu.memory_space<hbm>>
      %dma_start3A_322 = tpu.memref_slice %arg11[%add3A_318] : memref<6400000xf32, #tpu.memory_space<hbm>> -> memref<1600xf32, #tpu.memory_space<hbm>>
      tpu.enqueue_dma source(%arg40 : memref<1600xf32, #tpu.memory_space<vmem>>) target(%dma_start3A_322 : memref<1600xf32, #tpu.memory_space<hbm>>) target_semaphore(%arg58 : memref<!tpu.dma_semaphore, #tpu.memory_space<semaphore_mem>>)
      %dma_start3A_323 = tpu.memref_slice %arg12[%add3A_318] : memref<6400000xf32, #tpu.memory_space<hbm>> -> memref<1600xf32, #tpu.memory_space<hbm>>
      %dma_start3A_324 = tpu.memref_slice %arg12[%add3A_318] : memref<6400000xf32, #tpu.memory_space<hbm>> -> memref<1600xf32, #tpu.memory_space<hbm>>
      tpu.enqueue_dma source(%arg41 : memref<1600xf32, #tpu.memory_space<vmem>>) target(%dma_start3A_324 : memref<1600xf32, #tpu.memory_space<hbm>>) target_semaphore(%arg58 : memref<!tpu.dma_semaphore, #tpu.memory_space<semaphore_mem>>)
      %dma_start3A_325 = tpu.memref_slice %arg13[%add3A_318] : memref<6400000xf32, #tpu.memory_space<hbm>> -> memref<1600xf32, #tpu.memory_space<hbm>>
      %dma_start3A_326 = tpu.memref_slice %arg13[%add3A_318] : memref<6400000xf32, #tpu.memory_space<hbm>> -> memref<1600xf32, #tpu.memory_space<hbm>>
      tpu.enqueue_dma source(%arg42 : memref<1600xf32, #tpu.memory_space<vmem>>) target(%dma_start3A_326 : memref<1600xf32, #tpu.memory_space<hbm>>) target_semaphore(%arg58 : memref<!tpu.dma_semaphore, #tpu.memory_space<semaphore_mem>>)
      %dma_start3A_327 = tpu.memref_slice %arg14[%add3A_318] : memref<6400000xf32, #tpu.memory_space<hbm>> -> memref<1600xf32, #tpu.memory_space<hbm>>
      %dma_start3A_328 = tpu.memref_slice %arg14[%add3A_318] : memref<6400000xf32, #tpu.memory_space<hbm>> -> memref<1600xf32, #tpu.memory_space<hbm>>
      tpu.enqueue_dma source(%arg43 : memref<1600xf32, #tpu.memory_space<vmem>>) target(%dma_start3A_328 : memref<1600xf32, #tpu.memory_space<hbm>>) target_semaphore(%arg58 : memref<!tpu.dma_semaphore, #tpu.memory_space<semaphore_mem>>)
      %dma_start3A_329 = tpu.memref_slice %arg15[%add3A_318] : memref<6400000xf32, #tpu.memory_space<hbm>> -> memref<1600xf32, #tpu.memory_space<hbm>>
      %dma_start3A_330 = tpu.memref_slice %arg15[%add3A_318] : memref<6400000xf32, #tpu.memory_space<hbm>> -> memref<1600xf32, #tpu.memory_space<hbm>>
      tpu.enqueue_dma source(%arg44 : memref<1600xf32, #tpu.memory_space<vmem>>) target(%dma_start3A_330 : memref<1600xf32, #tpu.memory_space<hbm>>) target_semaphore(%arg58 : memref<!tpu.dma_semaphore, #tpu.memory_space<semaphore_mem>>)
      %dma_start3A_331 = tpu.memref_slice %arg16[%add3A_318] : memref<6400000xf32, #tpu.memory_space<hbm>> -> memref<1600xf32, #tpu.memory_space<hbm>>
      %dma_start3A_332 = tpu.memref_slice %arg16[%add3A_318] : memref<6400000xf32, #tpu.memory_space<hbm>> -> memref<1600xf32, #tpu.memory_space<hbm>>
      tpu.enqueue_dma source(%arg45 : memref<1600xf32, #tpu.memory_space<vmem>>) target(%dma_start3A_332 : memref<1600xf32, #tpu.memory_space<hbm>>) target_semaphore(%arg58 : memref<!tpu.dma_semaphore, #tpu.memory_space<semaphore_mem>>)
      %dma_start3A_333 = tpu.memref_slice %arg17[%add3A_318] : memref<6400000xf32, #tpu.memory_space<hbm>> -> memref<1600xf32, #tpu.memory_space<hbm>>
      %dma_start3A_334 = tpu.memref_slice %arg17[%add3A_318] : memref<6400000xf32, #tpu.memory_space<hbm>> -> memref<1600xf32, #tpu.memory_space<hbm>>
      tpu.enqueue_dma source(%arg46 : memref<1600xf32, #tpu.memory_space<vmem>>) target(%dma_start3A_334 : memref<1600xf32, #tpu.memory_space<hbm>>) target_semaphore(%arg58 : memref<!tpu.dma_semaphore, #tpu.memory_space<semaphore_mem>>)
      %dma_start3A_335 = tpu.memref_slice %arg18[%add3A_318] : memref<6400000xf32, #tpu.memory_space<hbm>> -> memref<1600xf32, #tpu.memory_space<hbm>>
      %dma_start3A_336 = tpu.memref_slice %arg18[%add3A_318] : memref<6400000xf32, #tpu.memory_space<hbm>> -> memref<1600xf32, #tpu.memory_space<hbm>>
      tpu.enqueue_dma source(%arg47 : memref<1600xf32, #tpu.memory_space<vmem>>) target(%dma_start3A_336 : memref<1600xf32, #tpu.memory_space<hbm>>) target_semaphore(%arg58 : memref<!tpu.dma_semaphore, #tpu.memory_space<semaphore_mem>>)
      %dma_start3A_337 = tpu.memref_slice %arg19[%add3A_318] : memref<6400000xf32, #tpu.memory_space<hbm>> -> memref<1600xf32, #tpu.memory_space<hbm>>
      %dma_start3A_338 = tpu.memref_slice %arg19[%add3A_318] : memref<6400000xf32, #tpu.memory_space<hbm>> -> memref<1600xf32, #tpu.memory_space<hbm>>
      tpu.enqueue_dma source(%arg48 : memref<1600xf32, #tpu.memory_space<vmem>>) target(%dma_start3A_338 : memref<1600xf32, #tpu.memory_space<hbm>>) target_semaphore(%arg58 : memref<!tpu.dma_semaphore, #tpu.memory_space<semaphore_mem>>)
      %dma_start3A_339 = tpu.memref_slice %arg20[%add3A_318] : memref<6400000xf32, #tpu.memory_space<hbm>> -> memref<1600xf32, #tpu.memory_space<hbm>>
      %dma_start3A_340 = tpu.memref_slice %arg20[%add3A_318] : memref<6400000xf32, #tpu.memory_space<hbm>> -> memref<1600xf32, #tpu.memory_space<hbm>>
      tpu.enqueue_dma source(%arg49 : memref<1600xf32, #tpu.memory_space<vmem>>) target(%dma_start3A_340 : memref<1600xf32, #tpu.memory_space<hbm>>) target_semaphore(%arg58 : memref<!tpu.dma_semaphore, #tpu.memory_space<semaphore_mem>>)
      %dma_start3A_341 = tpu.memref_slice %arg21[%add3A_318] : memref<6400000xf32, #tpu.memory_space<hbm>> -> memref<1600xf32, #tpu.memory_space<hbm>>
      %dma_start3A_342 = tpu.memref_slice %arg21[%add3A_318] : memref<6400000xf32, #tpu.memory_space<hbm>> -> memref<1600xf32, #tpu.memory_space<hbm>>
      tpu.enqueue_dma source(%arg50 : memref<1600xf32, #tpu.memory_space<vmem>>) target(%dma_start3A_342 : memref<1600xf32, #tpu.memory_space<hbm>>) target_semaphore(%arg58 : memref<!tpu.dma_semaphore, #tpu.memory_space<semaphore_mem>>)
      %dma_start3A_343 = tpu.memref_slice %arg22[%add3A_318] : memref<6400000xf32, #tpu.memory_space<hbm>> -> memref<1600xf32, #tpu.memory_space<hbm>>
      %dma_start3A_344 = tpu.memref_slice %arg22[%add3A_318] : memref<6400000xf32, #tpu.memory_space<hbm>> -> memref<1600xf32, #tpu.memory_space<hbm>>
      tpu.enqueue_dma source(%arg51 : memref<1600xf32, #tpu.memory_space<vmem>>) target(%dma_start3A_344 : memref<1600xf32, #tpu.memory_space<hbm>>) target_semaphore(%arg58 : memref<!tpu.dma_semaphore, #tpu.memory_space<semaphore_mem>>)
      %dma_start3A_345 = tpu.memref_slice %arg23[%add3A_318] : memref<6400000xf32, #tpu.memory_space<hbm>> -> memref<1600xf32, #tpu.memory_space<hbm>>
      %dma_start3A_346 = tpu.memref_slice %arg23[%add3A_318] : memref<6400000xf32, #tpu.memory_space<hbm>> -> memref<1600xf32, #tpu.memory_space<hbm>>
      tpu.enqueue_dma source(%arg52 : memref<1600xf32, #tpu.memory_space<vmem>>) target(%dma_start3A_346 : memref<1600xf32, #tpu.memory_space<hbm>>) target_semaphore(%arg58 : memref<!tpu.dma_semaphore, #tpu.memory_space<semaphore_mem>>)
      %dma_start3A_347 = tpu.memref_slice %arg24[%add3A_318] : memref<6400000xf32, #tpu.memory_space<hbm>> -> memref<1600xf32, #tpu.memory_space<hbm>>
      %dma_start3A_348 = tpu.memref_slice %arg24[%add3A_318] : memref<6400000xf32, #tpu.memory_space<hbm>> -> memref<1600xf32, #tpu.memory_space<hbm>>
      tpu.enqueue_dma source(%arg53 : memref<1600xf32, #tpu.memory_space<vmem>>) target(%dma_start3A_348 : memref<1600xf32, #tpu.memory_space<hbm>>) target_semaphore(%arg58 : memref<!tpu.dma_semaphore, #tpu.memory_space<semaphore_mem>>)
      "tpu.region"() ({
        %run_scoped3A = tpu.sem_alloc : memref<!tpu.dma_semaphore, #tpu.memory_space<semaphore_mem>>
        %dma_start3A_379 = arith.constant 0 : i32
        %dma_start3A_380 = tpu.memref_slice %arg56[%dma_start3A_379] : memref<300000xf32, #tpu.memory_space<vmem_shared>> -> memref<300000xf32, #tpu.memory_space<vmem_shared>>
        tpu.enqueue_indirect_dma source(%arg54 : memref<9600xf32, #tpu.memory_space<vmem>>) target(%dma_start3A_380 : memref<300000xf32, #tpu.memory_space<vmem_shared>>) offsets(%arg55 : memref<9600xi32, #tpu.memory_space<vmem>>) semaphore(%run_scoped3A : memref<!tpu.dma_semaphore, #tpu.memory_space<semaphore_mem>>) {add = true}
        %dma_wait3A_381 = arith.constant 0 : i32
        %dma_wait3A_382 = tpu.memref_slice %arg56[%dma_wait3A_381] : memref<300000xf32, #tpu.memory_space<vmem_shared>> -> memref<300000xf32, #tpu.memory_space<vmem_shared>>
        tpu.wait_indirect_dma semaphore(%run_scoped3A : memref<!tpu.dma_semaphore, #tpu.memory_space<semaphore_mem>>) src(%arg54 : memref<9600xf32, #tpu.memory_space<vmem>>) dst(%dma_wait3A_382 : memref<300000xf32, #tpu.memory_space<vmem_shared>>)
        tpu.yield
      }) : () -> ()
      %dma_wait3A_349 = tpu.memref_slice %arg10[%add3A_318] : memref<6400000xf32, #tpu.memory_space<hbm>> -> memref<1600xf32, #tpu.memory_space<hbm>>
      %dma_wait3A_350 = tpu.memref_slice %arg10[%add3A_318] : memref<6400000xf32, #tpu.memory_space<hbm>> -> memref<1600xf32, #tpu.memory_space<hbm>>
      tpu.wait_dma2 semaphore(%arg58 : memref<!tpu.dma_semaphore, #tpu.memory_space<semaphore_mem>>) src(%arg39 : memref<1600xf32, #tpu.memory_space<vmem>>) dst(%dma_wait3A_350 : memref<1600xf32, #tpu.memory_space<hbm>>)
      %dma_wait3A_351 = tpu.memref_slice %arg11[%add3A_318] : memref<6400000xf32, #tpu.memory_space<hbm>> -> memref<1600xf32, #tpu.memory_space<hbm>>
      %dma_wait3A_352 = tpu.memref_slice %arg11[%add3A_318] : memref<6400000xf32, #tpu.memory_space<hbm>> -> memref<1600xf32, #tpu.memory_space<hbm>>
      tpu.wait_dma2 semaphore(%arg58 : memref<!tpu.dma_semaphore, #tpu.memory_space<semaphore_mem>>) src(%arg40 : memref<1600xf32, #tpu.memory_space<vmem>>) dst(%dma_wait3A_352 : memref<1600xf32, #tpu.memory_space<hbm>>)
      %dma_wait3A_353 = tpu.memref_slice %arg12[%add3A_318] : memref<6400000xf32, #tpu.memory_space<hbm>> -> memref<1600xf32, #tpu.memory_space<hbm>>
      %dma_wait3A_354 = tpu.memref_slice %arg12[%add3A_318] : memref<6400000xf32, #tpu.memory_space<hbm>> -> memref<1600xf32, #tpu.memory_space<hbm>>
      tpu.wait_dma2 semaphore(%arg58 : memref<!tpu.dma_semaphore, #tpu.memory_space<semaphore_mem>>) src(%arg41 : memref<1600xf32, #tpu.memory_space<vmem>>) dst(%dma_wait3A_354 : memref<1600xf32, #tpu.memory_space<hbm>>)
      %dma_wait3A_355 = tpu.memref_slice %arg13[%add3A_318] : memref<6400000xf32, #tpu.memory_space<hbm>> -> memref<1600xf32, #tpu.memory_space<hbm>>
      %dma_wait3A_356 = tpu.memref_slice %arg13[%add3A_318] : memref<6400000xf32, #tpu.memory_space<hbm>> -> memref<1600xf32, #tpu.memory_space<hbm>>
      tpu.wait_dma2 semaphore(%arg58 : memref<!tpu.dma_semaphore, #tpu.memory_space<semaphore_mem>>) src(%arg42 : memref<1600xf32, #tpu.memory_space<vmem>>) dst(%dma_wait3A_356 : memref<1600xf32, #tpu.memory_space<hbm>>)
      %dma_wait3A_357 = tpu.memref_slice %arg14[%add3A_318] : memref<6400000xf32, #tpu.memory_space<hbm>> -> memref<1600xf32, #tpu.memory_space<hbm>>
      %dma_wait3A_358 = tpu.memref_slice %arg14[%add3A_318] : memref<6400000xf32, #tpu.memory_space<hbm>> -> memref<1600xf32, #tpu.memory_space<hbm>>
      tpu.wait_dma2 semaphore(%arg58 : memref<!tpu.dma_semaphore, #tpu.memory_space<semaphore_mem>>) src(%arg43 : memref<1600xf32, #tpu.memory_space<vmem>>) dst(%dma_wait3A_358 : memref<1600xf32, #tpu.memory_space<hbm>>)
      %dma_wait3A_359 = tpu.memref_slice %arg15[%add3A_318] : memref<6400000xf32, #tpu.memory_space<hbm>> -> memref<1600xf32, #tpu.memory_space<hbm>>
      %dma_wait3A_360 = tpu.memref_slice %arg15[%add3A_318] : memref<6400000xf32, #tpu.memory_space<hbm>> -> memref<1600xf32, #tpu.memory_space<hbm>>
      tpu.wait_dma2 semaphore(%arg58 : memref<!tpu.dma_semaphore, #tpu.memory_space<semaphore_mem>>) src(%arg44 : memref<1600xf32, #tpu.memory_space<vmem>>) dst(%dma_wait3A_360 : memref<1600xf32, #tpu.memory_space<hbm>>)
      %dma_wait3A_361 = tpu.memref_slice %arg16[%add3A_318] : memref<6400000xf32, #tpu.memory_space<hbm>> -> memref<1600xf32, #tpu.memory_space<hbm>>
      %dma_wait3A_362 = tpu.memref_slice %arg16[%add3A_318] : memref<6400000xf32, #tpu.memory_space<hbm>> -> memref<1600xf32, #tpu.memory_space<hbm>>
      tpu.wait_dma2 semaphore(%arg58 : memref<!tpu.dma_semaphore, #tpu.memory_space<semaphore_mem>>) src(%arg45 : memref<1600xf32, #tpu.memory_space<vmem>>) dst(%dma_wait3A_362 : memref<1600xf32, #tpu.memory_space<hbm>>)
      %dma_wait3A_363 = tpu.memref_slice %arg17[%add3A_318] : memref<6400000xf32, #tpu.memory_space<hbm>> -> memref<1600xf32, #tpu.memory_space<hbm>>
      %dma_wait3A_364 = tpu.memref_slice %arg17[%add3A_318] : memref<6400000xf32, #tpu.memory_space<hbm>> -> memref<1600xf32, #tpu.memory_space<hbm>>
      tpu.wait_dma2 semaphore(%arg58 : memref<!tpu.dma_semaphore, #tpu.memory_space<semaphore_mem>>) src(%arg46 : memref<1600xf32, #tpu.memory_space<vmem>>) dst(%dma_wait3A_364 : memref<1600xf32, #tpu.memory_space<hbm>>)
      %dma_wait3A_365 = tpu.memref_slice %arg18[%add3A_318] : memref<6400000xf32, #tpu.memory_space<hbm>> -> memref<1600xf32, #tpu.memory_space<hbm>>
      %dma_wait3A_366 = tpu.memref_slice %arg18[%add3A_318] : memref<6400000xf32, #tpu.memory_space<hbm>> -> memref<1600xf32, #tpu.memory_space<hbm>>
      tpu.wait_dma2 semaphore(%arg58 : memref<!tpu.dma_semaphore, #tpu.memory_space<semaphore_mem>>) src(%arg47 : memref<1600xf32, #tpu.memory_space<vmem>>) dst(%dma_wait3A_366 : memref<1600xf32, #tpu.memory_space<hbm>>)
      %dma_wait3A_367 = tpu.memref_slice %arg19[%add3A_318] : memref<6400000xf32, #tpu.memory_space<hbm>> -> memref<1600xf32, #tpu.memory_space<hbm>>
      %dma_wait3A_368 = tpu.memref_slice %arg19[%add3A_318] : memref<6400000xf32, #tpu.memory_space<hbm>> -> memref<1600xf32, #tpu.memory_space<hbm>>
      tpu.wait_dma2 semaphore(%arg58 : memref<!tpu.dma_semaphore, #tpu.memory_space<semaphore_mem>>) src(%arg48 : memref<1600xf32, #tpu.memory_space<vmem>>) dst(%dma_wait3A_368 : memref<1600xf32, #tpu.memory_space<hbm>>)
      %dma_wait3A_369 = tpu.memref_slice %arg20[%add3A_318] : memref<6400000xf32, #tpu.memory_space<hbm>> -> memref<1600xf32, #tpu.memory_space<hbm>>
      %dma_wait3A_370 = tpu.memref_slice %arg20[%add3A_318] : memref<6400000xf32, #tpu.memory_space<hbm>> -> memref<1600xf32, #tpu.memory_space<hbm>>
      tpu.wait_dma2 semaphore(%arg58 : memref<!tpu.dma_semaphore, #tpu.memory_space<semaphore_mem>>) src(%arg49 : memref<1600xf32, #tpu.memory_space<vmem>>) dst(%dma_wait3A_370 : memref<1600xf32, #tpu.memory_space<hbm>>)
      %dma_wait3A_371 = tpu.memref_slice %arg21[%add3A_318] : memref<6400000xf32, #tpu.memory_space<hbm>> -> memref<1600xf32, #tpu.memory_space<hbm>>
      %dma_wait3A_372 = tpu.memref_slice %arg21[%add3A_318] : memref<6400000xf32, #tpu.memory_space<hbm>> -> memref<1600xf32, #tpu.memory_space<hbm>>
      tpu.wait_dma2 semaphore(%arg58 : memref<!tpu.dma_semaphore, #tpu.memory_space<semaphore_mem>>) src(%arg50 : memref<1600xf32, #tpu.memory_space<vmem>>) dst(%dma_wait3A_372 : memref<1600xf32, #tpu.memory_space<hbm>>)
      %dma_wait3A_373 = tpu.memref_slice %arg22[%add3A_318] : memref<6400000xf32, #tpu.memory_space<hbm>> -> memref<1600xf32, #tpu.memory_space<hbm>>
      %dma_wait3A_374 = tpu.memref_slice %arg22[%add3A_318] : memref<6400000xf32, #tpu.memory_space<hbm>> -> memref<1600xf32, #tpu.memory_space<hbm>>
      tpu.wait_dma2 semaphore(%arg58 : memref<!tpu.dma_semaphore, #tpu.memory_space<semaphore_mem>>) src(%arg51 : memref<1600xf32, #tpu.memory_space<vmem>>) dst(%dma_wait3A_374 : memref<1600xf32, #tpu.memory_space<hbm>>)
      %dma_wait3A_375 = tpu.memref_slice %arg23[%add3A_318] : memref<6400000xf32, #tpu.memory_space<hbm>> -> memref<1600xf32, #tpu.memory_space<hbm>>
      %dma_wait3A_376 = tpu.memref_slice %arg23[%add3A_318] : memref<6400000xf32, #tpu.memory_space<hbm>> -> memref<1600xf32, #tpu.memory_space<hbm>>
      tpu.wait_dma2 semaphore(%arg58 : memref<!tpu.dma_semaphore, #tpu.memory_space<semaphore_mem>>) src(%arg52 : memref<1600xf32, #tpu.memory_space<vmem>>) dst(%dma_wait3A_376 : memref<1600xf32, #tpu.memory_space<hbm>>)
      %dma_wait3A_377 = tpu.memref_slice %arg24[%add3A_318] : memref<6400000xf32, #tpu.memory_space<hbm>> -> memref<1600xf32, #tpu.memory_space<hbm>>
      %dma_wait3A_378 = tpu.memref_slice %arg24[%add3A_318] : memref<6400000xf32, #tpu.memory_space<hbm>> -> memref<1600xf32, #tpu.memory_space<hbm>>
      tpu.wait_dma2 semaphore(%arg58 : memref<!tpu.dma_semaphore, #tpu.memory_space<semaphore_mem>>) src(%arg53 : memref<1600xf32, #tpu.memory_space<vmem>>) dst(%dma_wait3A_378 : memref<1600xf32, #tpu.memory_space<hbm>>)
    }
    %scan3A_38 = arith.constant 62 : i32
    %dma_wait3A = arith.constant 0 : i32
    %dma_wait3A_39 = arith.constant 0 : i32
    %dma_wait3A_40 = tpu.memref_slice %arg2[%dma_wait3A, %dma_wait3A_39] : memref<100000x8xf32, #tpu.memory_space<hbm>> -> memref<1600x8xf32, #tpu.memory_space<hbm>>
    %dma_wait3A_41 = arith.constant 0 : i32
    %dma_wait3A_42 = arith.constant 0 : i32
    %dma_wait3A_43 = tpu.memref_slice %arg2[%dma_wait3A_41, %dma_wait3A_42] : memref<100000x8xf32, #tpu.memory_space<hbm>> -> memref<1600x8xf32, #tpu.memory_space<hbm>>
    tpu.wait_dma2 semaphore(%arg57 : memref<!tpu.dma_semaphore, #tpu.memory_space<semaphore_mem>>) src(%dma_wait3A_43 : memref<1600x8xf32, #tpu.memory_space<hbm>>) dst(%arg27 : memref<1600x8xf32, #tpu.memory_space<vmem>>)
    %dma_wait3A_44 = arith.constant 0 : i32
    %dma_wait3A_45 = arith.constant 0 : i32
    %dma_wait3A_46 = tpu.memref_slice %arg2[%dma_wait3A_44, %dma_wait3A_45] : memref<100000x8xf32, #tpu.memory_space<hbm>> -> memref<1600x8xf32, #tpu.memory_space<hbm>>
    %dma_wait3A_47 = arith.constant 0 : i32
    %dma_wait3A_48 = arith.constant 0 : i32
    %dma_wait3A_49 = tpu.memref_slice %arg2[%dma_wait3A_47, %dma_wait3A_48] : memref<100000x8xf32, #tpu.memory_space<hbm>> -> memref<1600x8xf32, #tpu.memory_space<hbm>>
    tpu.wait_dma2 semaphore(%arg57 : memref<!tpu.dma_semaphore, #tpu.memory_space<semaphore_mem>>) src(%dma_wait3A_49 : memref<1600x8xf32, #tpu.memory_space<hbm>>) dst(%arg28 : memref<1600x8xf32, #tpu.memory_space<vmem>>)
    %dma_wait3A_50 = arith.constant 0 : i32
    %dma_wait3A_51 = tpu.memref_slice %arg5[%dma_wait3A_50] : memref<6400000xf32, #tpu.memory_space<hbm>> -> memref<1600xf32, #tpu.memory_space<hbm>>
    %dma_wait3A_52 = arith.constant 0 : i32
    %dma_wait3A_53 = tpu.memref_slice %arg5[%dma_wait3A_52] : memref<6400000xf32, #tpu.memory_space<hbm>> -> memref<1600xf32, #tpu.memory_space<hbm>>
    tpu.wait_dma2 semaphore(%arg57 : memref<!tpu.dma_semaphore, #tpu.memory_space<semaphore_mem>>) src(%dma_wait3A_53 : memref<1600xf32, #tpu.memory_space<hbm>>) dst(%arg29 : memref<1600xf32, #tpu.memory_space<vmem>>)
    %dma_wait3A_54 = arith.constant 0 : i32
    %dma_wait3A_55 = tpu.memref_slice %arg6[%dma_wait3A_54] : memref<6400000xf32, #tpu.memory_space<hbm>> -> memref<1600xf32, #tpu.memory_space<hbm>>
    %dma_wait3A_56 = arith.constant 0 : i32
    %dma_wait3A_57 = tpu.memref_slice %arg6[%dma_wait3A_56] : memref<6400000xf32, #tpu.memory_space<hbm>> -> memref<1600xf32, #tpu.memory_space<hbm>>
    tpu.wait_dma2 semaphore(%arg57 : memref<!tpu.dma_semaphore, #tpu.memory_space<semaphore_mem>>) src(%dma_wait3A_57 : memref<1600xf32, #tpu.memory_space<hbm>>) dst(%arg30 : memref<1600xf32, #tpu.memory_space<vmem>>)
    %dma_wait3A_58 = arith.constant 0 : i32
    %dma_wait3A_59 = tpu.memref_slice %arg7[%dma_wait3A_58] : memref<6400000xf32, #tpu.memory_space<hbm>> -> memref<1600xf32, #tpu.memory_space<hbm>>
    %dma_wait3A_60 = arith.constant 0 : i32
    %dma_wait3A_61 = tpu.memref_slice %arg7[%dma_wait3A_60] : memref<6400000xf32, #tpu.memory_space<hbm>> -> memref<1600xf32, #tpu.memory_space<hbm>>
    tpu.wait_dma2 semaphore(%arg57 : memref<!tpu.dma_semaphore, #tpu.memory_space<semaphore_mem>>) src(%dma_wait3A_61 : memref<1600xf32, #tpu.memory_space<hbm>>) dst(%arg31 : memref<1600xf32, #tpu.memory_space<vmem>>)
    %scan3A_62 = arith.constant 0 : i32
    %scan3A_63 = arith.constant 100 : i32
    %scan3A_64 = arith.addi %scan3A_62, %scan3A_63 : i32
    %scan3A_65 = arith.constant 1 : i32
    scf.for %scan3A_144 = %scan3A_62 to %scan3A_64 step %scan3A_65  : i32 {
      %mul3A_145 = arith.constant 1 : i32
      %mul3A_146 = arith.muli %scan3A_144, %mul3A_145 : i32
      %add3A_147 = arith.constant 0 : i32
      %add3A_148 = arith.addi %add3A_147, %mul3A_146 : i32
      %mul3A_149 = arith.constant 16 : i32
      %mul3A_150 = arith.muli %add3A_148, %mul3A_149 : i32
      %add3A_151 = vector.broadcast %mul3A_150 : i32 to vector<16xi32>
      %add3A_152 = arith.addi %add3A_151, %iota3A : vector<16xi32>
      %mul3A_153 = arith.constant 3 : i32
      %mul3A_154 = vector.broadcast %mul3A_153 : i32 to vector<16xi32>
      %mul3A_155 = arith.muli %add3A_152, %mul3A_154 : vector<16xi32>
      %gather3A = tpu.vector_load_idx %arg27[%add3A_152, %broadcast_in_dim3A_9] : memref<1600x8xf32, #tpu.memory_space<vmem>>[vector<16xi32>, vector<16xi32>], vector<16xf32>,
      %gather3A_156 = tpu.vector_load_idx %arg27[%add3A_152, %broadcast_in_dim3A_11] : memref<1600x8xf32, #tpu.memory_space<vmem>>[vector<16xi32>, vector<16xi32>], vector<16xf32>,
      %gather3A_157 = tpu.vector_load_idx %arg27[%add3A_152, %broadcast_in_dim3A_13] : memref<1600x8xf32, #tpu.memory_space<vmem>>[vector<16xi32>, vector<16xi32>], vector<16xf32>,
      %gather3A_158 = tpu.vector_load_idx %arg27[%add3A_152, %broadcast_in_dim3A_15] : memref<1600x8xf32, #tpu.memory_space<vmem>>[vector<16xi32>, vector<16xi32>], vector<16xf32>,
      %gather3A_159 = tpu.vector_load_idx %arg27[%add3A_152, %broadcast_in_dim3A_17] : memref<1600x8xf32, #tpu.memory_space<vmem>>[vector<16xi32>, vector<16xi32>], vector<16xf32>,
      %gather3A_160 = tpu.vector_load_idx %arg28[%add3A_152, %broadcast_in_dim3A_9] : memref<1600x8xf32, #tpu.memory_space<vmem>>[vector<16xi32>, vector<16xi32>], vector<16xf32>,
      %gather3A_161 = tpu.vector_load_idx %arg28[%add3A_152, %broadcast_in_dim3A_11] : memref<1600x8xf32, #tpu.memory_space<vmem>>[vector<16xi32>, vector<16xi32>], vector<16xf32>,
      %gather3A_162 = tpu.vector_load_idx %arg28[%add3A_152, %broadcast_in_dim3A_13] : memref<1600x8xf32, #tpu.memory_space<vmem>>[vector<16xi32>, vector<16xi32>], vector<16xf32>,
      %gather3A_163 = tpu.vector_load_idx %arg28[%add3A_152, %broadcast_in_dim3A_15] : memref<1600x8xf32, #tpu.memory_space<vmem>>[vector<16xi32>, vector<16xi32>], vector<16xf32>,
      %gather3A_164 = tpu.vector_load_idx %arg28[%add3A_152, %broadcast_in_dim3A_17] : memref<1600x8xf32, #tpu.memory_space<vmem>>[vector<16xi32>, vector<16xi32>], vector<16xf32>,
      %get3A = arith.index_cast %mul3A_150 : i32 to index
      %get3A_165 = tpu.vector_load %arg29[%get3A] {strides = array<i32>} : memref<1600xf32, #tpu.memory_space<vmem>>, vector<16xf32>,
      %get3A_166 = arith.index_cast %mul3A_150 : i32 to index
      %get3A_167 = tpu.vector_load %arg30[%get3A_166] {strides = array<i32>} : memref<1600xf32, #tpu.memory_space<vmem>>, vector<16xf32>,
      %get3A_168 = arith.index_cast %mul3A_150 : i32 to index
      %get3A_169 = tpu.vector_load %arg31[%get3A_168] {strides = array<i32>} : memref<1600xf32, #tpu.memory_space<vmem>>, vector<16xf32>,
      %get3A_170 = arith.index_cast %mul3A_150 : i32 to index
      %get3A_171 = tpu.vector_load %arg25[%get3A_170] {strides = array<i32>} : memref<1600xi32, #tpu.memory_space<vmem>>, vector<16xi32>,
      %get3A_172 = arith.index_cast %mul3A_150 : i32 to index
      %get3A_173 = tpu.vector_load %arg26[%get3A_172] {strides = array<i32>} : memref<1600xi32, #tpu.memory_space<vmem>>, vector<16xi32>,
      %sub3A = arith.subf %gather3A_163, %gather3A_158 : vector<16xf32>
      %sub3A_174 = arith.subf %gather3A_164, %gather3A_159 : vector<16xf32>
      %mul3A_175 = arith.mulf %sub3A, %sub3A : vector<16xf32>
      %mul3A_176 = arith.mulf %sub3A_174, %sub3A_174 : vector<16xf32>
      %add3A_177 = arith.addf %mul3A_175, %mul3A_176 : vector<16xf32>
      %bitcast3A = vector.bitcast %add3A_177 : vector<16xf32> to vector<16xi32>
      %shift_right_logical3A = arith.constant 1 : i32
      %shift_right_logical3A_178 = vector.broadcast %shift_right_logical3A : i32 to vector<16xi32>
      %shift_right_logical3A_179 = arith.shrui %bitcast3A, %shift_right_logical3A_178 : vector<16xi32>
      %sub3A_180 = arith.constant 1597463007 : i32
      %sub3A_181 = vector.broadcast %sub3A_180 : i32 to vector<16xi32>
      %sub3A_182 = arith.subi %sub3A_181, %shift_right_logical3A_179 : vector<16xi32>
      %bitcast3A_183 = vector.bitcast %sub3A_182 : vector<16xi32> to vector<16xf32>
      %mul3A_184 = arith.constant 5.000000e-01 : f32
      %mul3A_185 = vector.broadcast %mul3A_184 : f32 to vector<16xf32>
      %mul3A_186 = arith.mulf %mul3A_185, %add3A_177 : vector<16xf32>
      %mul3A_187 = arith.mulf %mul3A_186, %bitcast3A_183 : vector<16xf32>
      %mul3A_188 = arith.mulf %mul3A_187, %bitcast3A_183 : vector<16xf32>
      %sub3A_189 = arith.constant 1.500000e+00 : f32
      %sub3A_190 = vector.broadcast %sub3A_189 : f32 to vector<16xf32>
      %sub3A_191 = arith.subf %sub3A_190, %mul3A_188 : vector<16xf32>
      %mul3A_192 = arith.mulf %bitcast3A_183, %sub3A_191 : vector<16xf32>
      %mul3A_193 = arith.mulf %mul3A_186, %mul3A_192 : vector<16xf32>
      %mul3A_194 = arith.mulf %mul3A_193, %mul3A_192 : vector<16xf32>
      %sub3A_195 = arith.constant 1.500000e+00 : f32
      %sub3A_196 = vector.broadcast %sub3A_195 : f32 to vector<16xf32>
      %sub3A_197 = arith.subf %sub3A_196, %mul3A_194 : vector<16xf32>
      %mul3A_198 = arith.mulf %mul3A_192, %sub3A_197 : vector<16xf32>
      %mul3A_199 = arith.mulf %mul3A_186, %mul3A_198 : vector<16xf32>
      %mul3A_200 = arith.mulf %mul3A_199, %mul3A_198 : vector<16xf32>
      %sub3A_201 = arith.constant 1.500000e+00 : f32
      %sub3A_202 = vector.broadcast %sub3A_201 : f32 to vector<16xf32>
      %sub3A_203 = arith.subf %sub3A_202, %mul3A_200 : vector<16xf32>
      %mul3A_204 = arith.mulf %mul3A_198, %sub3A_203 : vector<16xf32>
      %mul3A_205 = arith.mulf %sub3A, %mul3A_204 : vector<16xf32>
      %mul3A_206 = arith.mulf %sub3A_174, %mul3A_204 : vector<16xf32>
      %mul3A_207 = arith.mulf %add3A_177, %mul3A_204 : vector<16xf32>
      %mul3A_208 = arith.mulf %mul3A_204, %mul3A_204 : vector<16xf32>
      %mul3A_209 = arith.mulf %get3A_165, %get3A_167 : vector<16xf32>
      %mul3A_210 = arith.mulf %get3A_165, %get3A_169 : vector<16xf32>
      %mul3A_211 = arith.mulf %mul3A_209, %mul3A_204 : vector<16xf32>
      %mul3A_212 = arith.mulf %mul3A_210, %mul3A_204 : vector<16xf32>
      %mul3A_213 = arith.mulf %mul3A_210, %mul3A_208 : vector<16xf32>
      %mul3A_214 = arith.mulf %mul3A_212, %mul3A_208 : vector<16xf32>
      %mul3A_215 = arith.mulf %mul3A_205, %gather3A : vector<16xf32>
      %mul3A_216 = arith.mulf %mul3A_206, %gather3A_156 : vector<16xf32>
      %add3A_217 = arith.addf %mul3A_215, %mul3A_216 : vector<16xf32>
      %mul3A_218 = arith.mulf %mul3A_205, %gather3A_156 : vector<16xf32>
      %mul3A_219 = arith.mulf %mul3A_206, %gather3A : vector<16xf32>
      %sub3A_220 = arith.subf %mul3A_218, %mul3A_219 : vector<16xf32>
      %mul3A_221 = arith.mulf %mul3A_205, %gather3A_160 : vector<16xf32>
      %mul3A_222 = arith.mulf %mul3A_206, %gather3A_161 : vector<16xf32>
      %add3A_223 = arith.addf %mul3A_221, %mul3A_222 : vector<16xf32>
      %mul3A_224 = arith.mulf %mul3A_205, %gather3A_161 : vector<16xf32>
      %mul3A_225 = arith.mulf %mul3A_206, %gather3A_160 : vector<16xf32>
      %sub3A_226 = arith.subf %mul3A_224, %mul3A_225 : vector<16xf32>
      %sub3A_227 = arith.subf %add3A_217, %add3A_223 : vector<16xf32>
      %sub3A_228 = arith.subf %sub3A_220, %sub3A_226 : vector<16xf32>
      %add3A_229 = arith.addf %gather3A_157, %gather3A_162 : vector<16xf32>
      %mul3A_230 = arith.mulf %mul3A_211, %sub3A_227 : vector<16xf32>
      %mul3A_231 = arith.mulf %mul3A_214, %sub3A_228 : vector<16xf32>
      %mul3A_232 = arith.constant 1.200000e+01 : f32
      %mul3A_233 = vector.broadcast %mul3A_232 : f32 to vector<16xf32>
      %mul3A_234 = arith.mulf %mul3A_233, %mul3A_231 : vector<16xf32>
      %mul3A_235 = arith.mulf %mul3A_213, %add3A_229 : vector<16xf32>
      %mul3A_236 = arith.constant 6.000000e+00 : f32
      %mul3A_237 = vector.broadcast %mul3A_236 : f32 to vector<16xf32>
      %mul3A_238 = arith.mulf %mul3A_237, %mul3A_235 : vector<16xf32>
      %add3A_239 = arith.addf %mul3A_234, %mul3A_238 : vector<16xf32>
      %mul3A_240 = arith.mulf %mul3A_213, %sub3A_228 : vector<16xf32>
      %mul3A_241 = arith.constant 6.000000e+00 : f32
      %mul3A_242 = vector.broadcast %mul3A_241 : f32 to vector<16xf32>
      %mul3A_243 = arith.mulf %mul3A_242, %mul3A_240 : vector<16xf32>
      %mul3A_244 = arith.constant 4.000000e+00 : f32
      %mul3A_245 = vector.broadcast %mul3A_244 : f32 to vector<16xf32>
      %mul3A_246 = arith.mulf %mul3A_245, %gather3A_157 : vector<16xf32>
      %mul3A_247 = arith.constant 2.000000e+00 : f32
      %mul3A_248 = vector.broadcast %mul3A_247 : f32 to vector<16xf32>
      %mul3A_249 = arith.mulf %mul3A_248, %gather3A_162 : vector<16xf32>
      %add3A_250 = arith.addf %mul3A_246, %mul3A_249 : vector<16xf32>
      %mul3A_251 = arith.mulf %mul3A_212, %add3A_250 : vector<16xf32>
      %add3A_252 = arith.addf %mul3A_243, %mul3A_251 : vector<16xf32>
      %mul3A_253 = arith.constant 2.000000e+00 : f32
      %mul3A_254 = vector.broadcast %mul3A_253 : f32 to vector<16xf32>
      %mul3A_255 = arith.mulf %mul3A_254, %gather3A_157 : vector<16xf32>
      %mul3A_256 = arith.constant 4.000000e+00 : f32
      %mul3A_257 = vector.broadcast %mul3A_256 : f32 to vector<16xf32>
      %mul3A_258 = arith.mulf %mul3A_257, %gather3A_162 : vector<16xf32>
      %add3A_259 = arith.addf %mul3A_255, %mul3A_258 : vector<16xf32>
      %mul3A_260 = arith.mulf %mul3A_212, %add3A_259 : vector<16xf32>
      %add3A_261 = arith.addf %mul3A_243, %mul3A_260 : vector<16xf32>
      %mul3A_262 = arith.mulf %mul3A_205, %mul3A_230 : vector<16xf32>
      %mul3A_263 = arith.mulf %mul3A_206, %add3A_239 : vector<16xf32>
      %sub3A_264 = arith.subf %mul3A_262, %mul3A_263 : vector<16xf32>
      %mul3A_265 = arith.mulf %mul3A_206, %mul3A_230 : vector<16xf32>
      %mul3A_266 = arith.mulf %mul3A_205, %add3A_239 : vector<16xf32>
      %add3A_267 = arith.addf %mul3A_265, %mul3A_266 : vector<16xf32>
      %mul3A_268 = arith.constant 3 : i32
      %mul3A_269 = vector.broadcast %mul3A_268 : i32 to vector<16xi32>
      %mul3A_270 = arith.muli %get3A_171, %mul3A_269 : vector<16xi32>
      %mul3A_271 = arith.constant 3 : i32
      %mul3A_272 = vector.broadcast %mul3A_271 : i32 to vector<16xi32>
      %mul3A_273 = arith.muli %get3A_173, %mul3A_272 : vector<16xi32>
      %swap3A = arith.index_cast %mul3A_150 : i32 to index
      %swap3A_274 = tpu.vector_load %arg39[%swap3A] {strides = array<i32>} : memref<1600xf32, #tpu.memory_space<vmem>>, vector<16xf32>,
      tpu.vector_store %arg39[%swap3A], %mul3A_230 {strides = array<i32>} : memref<1600xf32, #tpu.memory_space<vmem>>, vector<16xf32>,
      %swap3A_275 = arith.index_cast %mul3A_150 : i32 to index
      %swap3A_276 = tpu.vector_load %arg40[%swap3A_275] {strides = array<i32>} : memref<1600xf32, #tpu.memory_space<vmem>>, vector<16xf32>,
      tpu.vector_store %arg40[%swap3A_275], %add3A_239 {strides = array<i32>} : memref<1600xf32, #tpu.memory_space<vmem>>, vector<16xf32>,
      %swap3A_277 = arith.index_cast %mul3A_150 : i32 to index
      %swap3A_278 = tpu.vector_load %arg41[%swap3A_277] {strides = array<i32>} : memref<1600xf32, #tpu.memory_space<vmem>>, vector<16xf32>,
      tpu.vector_store %arg41[%swap3A_277], %add3A_252 {strides = array<i32>} : memref<1600xf32, #tpu.memory_space<vmem>>, vector<16xf32>,
      %swap3A_279 = arith.index_cast %mul3A_150 : i32 to index
      %swap3A_280 = tpu.vector_load %arg42[%swap3A_279] {strides = array<i32>} : memref<1600xf32, #tpu.memory_space<vmem>>, vector<16xf32>,
      tpu.vector_store %arg42[%swap3A_279], %add3A_261 {strides = array<i32>} : memref<1600xf32, #tpu.memory_space<vmem>>, vector<16xf32>,
      %swap3A_281 = arith.index_cast %mul3A_150 : i32 to index
      %swap3A_282 = tpu.vector_load %arg43[%swap3A_281] {strides = array<i32>} : memref<1600xf32, #tpu.memory_space<vmem>>, vector<16xf32>,
      tpu.vector_store %arg43[%swap3A_281], %add3A_217 {strides = array<i32>} : memref<1600xf32, #tpu.memory_space<vmem>>, vector<16xf32>,
      %swap3A_283 = arith.index_cast %mul3A_150 : i32 to index
      %swap3A_284 = tpu.vector_load %arg44[%swap3A_283] {strides = array<i32>} : memref<1600xf32, #tpu.memory_space<vmem>>, vector<16xf32>,
      tpu.vector_store %arg44[%swap3A_283], %sub3A_220 {strides = array<i32>} : memref<1600xf32, #tpu.memory_space<vmem>>, vector<16xf32>,
      %swap3A_285 = arith.index_cast %mul3A_150 : i32 to index
      %swap3A_286 = tpu.vector_load %arg45[%swap3A_285] {strides = array<i32>} : memref<1600xf32, #tpu.memory_space<vmem>>, vector<16xf32>,
      tpu.vector_store %arg45[%swap3A_285], %gather3A_157 {strides = array<i32>} : memref<1600xf32, #tpu.memory_space<vmem>>, vector<16xf32>,
      %swap3A_287 = arith.index_cast %mul3A_150 : i32 to index
      %swap3A_288 = tpu.vector_load %arg46[%swap3A_287] {strides = array<i32>} : memref<1600xf32, #tpu.memory_space<vmem>>, vector<16xf32>,
      tpu.vector_store %arg46[%swap3A_287], %add3A_223 {strides = array<i32>} : memref<1600xf32, #tpu.memory_space<vmem>>, vector<16xf32>,
      %swap3A_289 = arith.index_cast %mul3A_150 : i32 to index
      %swap3A_290 = tpu.vector_load %arg47[%swap3A_289] {strides = array<i32>} : memref<1600xf32, #tpu.memory_space<vmem>>, vector<16xf32>,
      tpu.vector_store %arg47[%swap3A_289], %sub3A_226 {strides = array<i32>} : memref<1600xf32, #tpu.memory_space<vmem>>, vector<16xf32>,
      %swap3A_291 = arith.index_cast %mul3A_150 : i32 to index
      %swap3A_292 = tpu.vector_load %arg48[%swap3A_291] {strides = array<i32>} : memref<1600xf32, #tpu.memory_space<vmem>>, vector<16xf32>,
      tpu.vector_store %arg48[%swap3A_291], %gather3A_162 {strides = array<i32>} : memref<1600xf32, #tpu.memory_space<vmem>>, vector<16xf32>,
      %swap3A_293 = arith.index_cast %mul3A_150 : i32 to index
      %swap3A_294 = tpu.vector_load %arg49[%swap3A_293] {strides = array<i32>} : memref<1600xf32, #tpu.memory_space<vmem>>, vector<16xf32>,
      tpu.vector_store %arg49[%swap3A_293], %sub3A_264 {strides = array<i32>} : memref<1600xf32, #tpu.memory_space<vmem>>, vector<16xf32>,
      %swap3A_295 = arith.index_cast %mul3A_150 : i32 to index
      %swap3A_296 = tpu.vector_load %arg50[%swap3A_295] {strides = array<i32>} : memref<1600xf32, #tpu.memory_space<vmem>>, vector<16xf32>,
      tpu.vector_store %arg50[%swap3A_295], %add3A_267 {strides = array<i32>} : memref<1600xf32, #tpu.memory_space<vmem>>, vector<16xf32>,
      %swap3A_297 = arith.index_cast %mul3A_150 : i32 to index
      %swap3A_298 = tpu.vector_load %arg51[%swap3A_297] {strides = array<i32>} : memref<1600xf32, #tpu.memory_space<vmem>>, vector<16xf32>,
      tpu.vector_store %arg51[%swap3A_297], %mul3A_207 {strides = array<i32>} : memref<1600xf32, #tpu.memory_space<vmem>>, vector<16xf32>,
      %swap3A_299 = arith.index_cast %mul3A_150 : i32 to index
      %swap3A_300 = tpu.vector_load %arg52[%swap3A_299] {strides = array<i32>} : memref<1600xf32, #tpu.memory_space<vmem>>, vector<16xf32>,
      tpu.vector_store %arg52[%swap3A_299], %mul3A_205 {strides = array<i32>} : memref<1600xf32, #tpu.memory_space<vmem>>, vector<16xf32>,
      %swap3A_301 = arith.index_cast %mul3A_150 : i32 to index
      %swap3A_302 = tpu.vector_load %arg53[%swap3A_301] {strides = array<i32>} : memref<1600xf32, #tpu.memory_space<vmem>>, vector<16xf32>,
      tpu.vector_store %arg53[%swap3A_301], %mul3A_206 {strides = array<i32>} : memref<1600xf32, #tpu.memory_space<vmem>>, vector<16xf32>,
      tpu.vector_store_idx %arg54[%mul3A_155], %sub3A_264 : memref<9600xf32, #tpu.memory_space<vmem>>[vector<16xi32>], vector<16xf32>,
      %add3A_303 = arith.constant 1 : i32
      %add3A_304 = vector.broadcast %add3A_303 : i32 to vector<16xi32>
      %add3A_305 = arith.addi %mul3A_155, %add3A_304 : vector<16xi32>
      tpu.vector_store_idx %arg54[%add3A_305], %add3A_267 : memref<9600xf32, #tpu.memory_space<vmem>>[vector<16xi32>], vector<16xf32>,
      %add3A_306 = arith.constant 2 : i32
      %add3A_307 = vector.broadcast %add3A_306 : i32 to vector<16xi32>
      %add3A_308 = arith.addi %mul3A_155, %add3A_307 : vector<16xi32>
      tpu.vector_store_idx %arg54[%add3A_308], %add3A_252 : memref<9600xf32, #tpu.memory_space<vmem>>[vector<16xi32>], vector<16xf32>,
      %add3A_309 = arith.constant 4800 : i32
      %add3A_310 = vector.broadcast %add3A_309 : i32 to vector<16xi32>
      %add3A_311 = arith.addi %add3A_310, %mul3A_155 : vector<16xi32>
      %neg3A = arith.constant 0.000000e+00 : f32
      %neg3A_312 = vector.broadcast %neg3A : f32 to vector<16xf32>
      %neg3A_313 = arith.subf %neg3A_312, %sub3A_264 : vector<16xf32>
      tpu.vector_store_idx %arg54[%add3A_311], %neg3A_313 : memref<9600xf32, #tpu.memory_space<vmem>>[vector<16xi32>], vector<16xf32>,
      %add3A_314 = arith.constant 4800 : i32
      %add3A_315 = vector.broadcast %add3A_314 : i32 to vector<16xi32>
      %add3A_316 = arith.addi %add3A_315, %mul3A_155 : vector<16xi32>
      %add3A_317 = arith.constant 1 : i32
      %add3A_318 = vector.broadcast %add3A_317 : i32 to vector<16xi32>
      %add3A_319 = arith.addi %add3A_316, %add3A_318 : vector<16xi32>
      %neg3A_320 = arith.constant 0.000000e+00 : f32
      %neg3A_321 = vector.broadcast %neg3A_320 : f32 to vector<16xf32>
      %neg3A_322 = arith.subf %neg3A_321, %add3A_267 : vector<16xf32>
      tpu.vector_store_idx %arg54[%add3A_319], %neg3A_322 : memref<9600xf32, #tpu.memory_space<vmem>>[vector<16xi32>], vector<16xf32>,
      %add3A_323 = arith.constant 4800 : i32
      %add3A_324 = vector.broadcast %add3A_323 : i32 to vector<16xi32>
      %add3A_325 = arith.addi %add3A_324, %mul3A_155 : vector<16xi32>
      %add3A_326 = arith.constant 2 : i32
      %add3A_327 = vector.broadcast %add3A_326 : i32 to vector<16xi32>
      %add3A_328 = arith.addi %add3A_325, %add3A_327 : vector<16xi32>
      tpu.vector_store_idx %arg54[%add3A_328], %add3A_261 : memref<9600xf32, #tpu.memory_space<vmem>>[vector<16xi32>], vector<16xf32>,
      tpu.vector_store_idx %arg55[%mul3A_155], %mul3A_270 : memref<9600xi32, #tpu.memory_space<vmem>>[vector<16xi32>], vector<16xi32>,
      %add3A_329 = arith.constant 1 : i32
      %add3A_330 = vector.broadcast %add3A_329 : i32 to vector<16xi32>
      %add3A_331 = arith.addi %mul3A_155, %add3A_330 : vector<16xi32>
      %add3A_332 = arith.constant 1 : i32
      %add3A_333 = vector.broadcast %add3A_332 : i32 to vector<16xi32>
      %add3A_334 = arith.addi %mul3A_270, %add3A_333 : vector<16xi32>
      tpu.vector_store_idx %arg55[%add3A_331], %add3A_334 : memref<9600xi32, #tpu.memory_space<vmem>>[vector<16xi32>], vector<16xi32>,
      %add3A_335 = arith.constant 2 : i32
      %add3A_336 = vector.broadcast %add3A_335 : i32 to vector<16xi32>
      %add3A_337 = arith.addi %mul3A_155, %add3A_336 : vector<16xi32>
      %add3A_338 = arith.constant 2 : i32
      %add3A_339 = vector.broadcast %add3A_338 : i32 to vector<16xi32>
      %add3A_340 = arith.addi %mul3A_270, %add3A_339 : vector<16xi32>
      tpu.vector_store_idx %arg55[%add3A_337], %add3A_340 : memref<9600xi32, #tpu.memory_space<vmem>>[vector<16xi32>], vector<16xi32>,
      %add3A_341 = arith.constant 4800 : i32
      %add3A_342 = vector.broadcast %add3A_341 : i32 to vector<16xi32>
      %add3A_343 = arith.addi %add3A_342, %mul3A_155 : vector<16xi32>
      tpu.vector_store_idx %arg55[%add3A_343], %mul3A_273 : memref<9600xi32, #tpu.memory_space<vmem>>[vector<16xi32>], vector<16xi32>,
      %add3A_344 = arith.constant 4800 : i32
      %add3A_345 = vector.broadcast %add3A_344 : i32 to vector<16xi32>
      %add3A_346 = arith.addi %add3A_345, %mul3A_155 : vector<16xi32>
      %add3A_347 = arith.constant 1 : i32
      %add3A_348 = vector.broadcast %add3A_347 : i32 to vector<16xi32>
      %add3A_349 = arith.addi %add3A_346, %add3A_348 : vector<16xi32>
      %add3A_350 = arith.constant 1 : i32
      %add3A_351 = vector.broadcast %add3A_350 : i32 to vector<16xi32>
      %add3A_352 = arith.addi %mul3A_273, %add3A_351 : vector<16xi32>
      tpu.vector_store_idx %arg55[%add3A_349], %add3A_352 : memref<9600xi32, #tpu.memory_space<vmem>>[vector<16xi32>], vector<16xi32>,
      %add3A_353 = arith.constant 4800 : i32
      %add3A_354 = vector.broadcast %add3A_353 : i32 to vector<16xi32>
      %add3A_355 = arith.addi %add3A_354, %mul3A_155 : vector<16xi32>
      %add3A_356 = arith.constant 2 : i32
      %add3A_357 = vector.broadcast %add3A_356 : i32 to vector<16xi32>
      %add3A_358 = arith.addi %add3A_355, %add3A_357 : vector<16xi32>
      %add3A_359 = arith.constant 2 : i32
      %add3A_360 = vector.broadcast %add3A_359 : i32 to vector<16xi32>
      %add3A_361 = arith.addi %mul3A_273, %add3A_360 : vector<16xi32>
      tpu.vector_store_idx %arg55[%add3A_358], %add3A_361 : memref<9600xi32, #tpu.memory_space<vmem>>[vector<16xi32>], vector<16xi32>,
    }
    %scan3A_66 = arith.constant 100 : i32
    %mul3A_67 = arith.constant 200000 : i32
    %mul3A_68 = arith.muli %add3A, %mul3A_67 : i32
    %mul3A_69 = arith.constant 124 : i32
    %mul3A_70 = arith.constant 1600 : i32
    %mul3A_71 = arith.muli %mul3A_69, %mul3A_70 : i32
    %add3A_72 = arith.addi %mul3A_68, %mul3A_71 : i32
    %dma_start3A_73 = tpu.memref_slice %arg10[%add3A_72] : memref<6400000xf32, #tpu.memory_space<hbm>> -> memref<1600xf32, #tpu.memory_space<hbm>>
    %dma_start3A_74 = tpu.memref_slice %arg10[%add3A_72] : memref<6400000xf32, #tpu.memory_space<hbm>> -> memref<1600xf32, #tpu.memory_space<hbm>>
    tpu.enqueue_dma source(%arg39 : memref<1600xf32, #tpu.memory_space<vmem>>) target(%dma_start3A_74 : memref<1600xf32, #tpu.memory_space<hbm>>) target_semaphore(%arg58 : memref<!tpu.dma_semaphore, #tpu.memory_space<semaphore_mem>>)
    %dma_start3A_75 = tpu.memref_slice %arg11[%add3A_72] : memref<6400000xf32, #tpu.memory_space<hbm>> -> memref<1600xf32, #tpu.memory_space<hbm>>
    %dma_start3A_76 = tpu.memref_slice %arg11[%add3A_72] : memref<6400000xf32, #tpu.memory_space<hbm>> -> memref<1600xf32, #tpu.memory_space<hbm>>
    tpu.enqueue_dma source(%arg40 : memref<1600xf32, #tpu.memory_space<vmem>>) target(%dma_start3A_76 : memref<1600xf32, #tpu.memory_space<hbm>>) target_semaphore(%arg58 : memref<!tpu.dma_semaphore, #tpu.memory_space<semaphore_mem>>)
    %dma_start3A_77 = tpu.memref_slice %arg12[%add3A_72] : memref<6400000xf32, #tpu.memory_space<hbm>> -> memref<1600xf32, #tpu.memory_space<hbm>>
    %dma_start3A_78 = tpu.memref_slice %arg12[%add3A_72] : memref<6400000xf32, #tpu.memory_space<hbm>> -> memref<1600xf32, #tpu.memory_space<hbm>>
    tpu.enqueue_dma source(%arg41 : memref<1600xf32, #tpu.memory_space<vmem>>) target(%dma_start3A_78 : memref<1600xf32, #tpu.memory_space<hbm>>) target_semaphore(%arg58 : memref<!tpu.dma_semaphore, #tpu.memory_space<semaphore_mem>>)
    %dma_start3A_79 = tpu.memref_slice %arg13[%add3A_72] : memref<6400000xf32, #tpu.memory_space<hbm>> -> memref<1600xf32, #tpu.memory_space<hbm>>
    %dma_start3A_80 = tpu.memref_slice %arg13[%add3A_72] : memref<6400000xf32, #tpu.memory_space<hbm>> -> memref<1600xf32, #tpu.memory_space<hbm>>
    tpu.enqueue_dma source(%arg42 : memref<1600xf32, #tpu.memory_space<vmem>>) target(%dma_start3A_80 : memref<1600xf32, #tpu.memory_space<hbm>>) target_semaphore(%arg58 : memref<!tpu.dma_semaphore, #tpu.memory_space<semaphore_mem>>)
    %dma_start3A_81 = tpu.memref_slice %arg14[%add3A_72] : memref<6400000xf32, #tpu.memory_space<hbm>> -> memref<1600xf32, #tpu.memory_space<hbm>>
    %dma_start3A_82 = tpu.memref_slice %arg14[%add3A_72] : memref<6400000xf32, #tpu.memory_space<hbm>> -> memref<1600xf32, #tpu.memory_space<hbm>>
    tpu.enqueue_dma source(%arg43 : memref<1600xf32, #tpu.memory_space<vmem>>) target(%dma_start3A_82 : memref<1600xf32, #tpu.memory_space<hbm>>) target_semaphore(%arg58 : memref<!tpu.dma_semaphore, #tpu.memory_space<semaphore_mem>>)
    %dma_start3A_83 = tpu.memref_slice %arg15[%add3A_72] : memref<6400000xf32, #tpu.memory_space<hbm>> -> memref<1600xf32, #tpu.memory_space<hbm>>
    %dma_start3A_84 = tpu.memref_slice %arg15[%add3A_72] : memref<6400000xf32, #tpu.memory_space<hbm>> -> memref<1600xf32, #tpu.memory_space<hbm>>
    tpu.enqueue_dma source(%arg44 : memref<1600xf32, #tpu.memory_space<vmem>>) target(%dma_start3A_84 : memref<1600xf32, #tpu.memory_space<hbm>>) target_semaphore(%arg58 : memref<!tpu.dma_semaphore, #tpu.memory_space<semaphore_mem>>)
    %dma_start3A_85 = tpu.memref_slice %arg16[%add3A_72] : memref<6400000xf32, #tpu.memory_space<hbm>> -> memref<1600xf32, #tpu.memory_space<hbm>>
    %dma_start3A_86 = tpu.memref_slice %arg16[%add3A_72] : memref<6400000xf32, #tpu.memory_space<hbm>> -> memref<1600xf32, #tpu.memory_space<hbm>>
    tpu.enqueue_dma source(%arg45 : memref<1600xf32, #tpu.memory_space<vmem>>) target(%dma_start3A_86 : memref<1600xf32, #tpu.memory_space<hbm>>) target_semaphore(%arg58 : memref<!tpu.dma_semaphore, #tpu.memory_space<semaphore_mem>>)
    %dma_start3A_87 = tpu.memref_slice %arg17[%add3A_72] : memref<6400000xf32, #tpu.memory_space<hbm>> -> memref<1600xf32, #tpu.memory_space<hbm>>
    %dma_start3A_88 = tpu.memref_slice %arg17[%add3A_72] : memref<6400000xf32, #tpu.memory_space<hbm>> -> memref<1600xf32, #tpu.memory_space<hbm>>
    tpu.enqueue_dma source(%arg46 : memref<1600xf32, #tpu.memory_space<vmem>>) target(%dma_start3A_88 : memref<1600xf32, #tpu.memory_space<hbm>>) target_semaphore(%arg58 : memref<!tpu.dma_semaphore, #tpu.memory_space<semaphore_mem>>)
    %dma_start3A_89 = tpu.memref_slice %arg18[%add3A_72] : memref<6400000xf32, #tpu.memory_space<hbm>> -> memref<1600xf32, #tpu.memory_space<hbm>>
    %dma_start3A_90 = tpu.memref_slice %arg18[%add3A_72] : memref<6400000xf32, #tpu.memory_space<hbm>> -> memref<1600xf32, #tpu.memory_space<hbm>>
    tpu.enqueue_dma source(%arg47 : memref<1600xf32, #tpu.memory_space<vmem>>) target(%dma_start3A_90 : memref<1600xf32, #tpu.memory_space<hbm>>) target_semaphore(%arg58 : memref<!tpu.dma_semaphore, #tpu.memory_space<semaphore_mem>>)
    %dma_start3A_91 = tpu.memref_slice %arg19[%add3A_72] : memref<6400000xf32, #tpu.memory_space<hbm>> -> memref<1600xf32, #tpu.memory_space<hbm>>
    %dma_start3A_92 = tpu.memref_slice %arg19[%add3A_72] : memref<6400000xf32, #tpu.memory_space<hbm>> -> memref<1600xf32, #tpu.memory_space<hbm>>
    tpu.enqueue_dma source(%arg48 : memref<1600xf32, #tpu.memory_space<vmem>>) target(%dma_start3A_92 : memref<1600xf32, #tpu.memory_space<hbm>>) target_semaphore(%arg58 : memref<!tpu.dma_semaphore, #tpu.memory_space<semaphore_mem>>)
    %dma_start3A_93 = tpu.memref_slice %arg20[%add3A_72] : memref<6400000xf32, #tpu.memory_space<hbm>> -> memref<1600xf32, #tpu.memory_space<hbm>>
    %dma_start3A_94 = tpu.memref_slice %arg20[%add3A_72] : memref<6400000xf32, #tpu.memory_space<hbm>> -> memref<1600xf32, #tpu.memory_space<hbm>>
    tpu.enqueue_dma source(%arg49 : memref<1600xf32, #tpu.memory_space<vmem>>) target(%dma_start3A_94 : memref<1600xf32, #tpu.memory_space<hbm>>) target_semaphore(%arg58 : memref<!tpu.dma_semaphore, #tpu.memory_space<semaphore_mem>>)
    %dma_start3A_95 = tpu.memref_slice %arg21[%add3A_72] : memref<6400000xf32, #tpu.memory_space<hbm>> -> memref<1600xf32, #tpu.memory_space<hbm>>
    %dma_start3A_96 = tpu.memref_slice %arg21[%add3A_72] : memref<6400000xf32, #tpu.memory_space<hbm>> -> memref<1600xf32, #tpu.memory_space<hbm>>
    tpu.enqueue_dma source(%arg50 : memref<1600xf32, #tpu.memory_space<vmem>>) target(%dma_start3A_96 : memref<1600xf32, #tpu.memory_space<hbm>>) target_semaphore(%arg58 : memref<!tpu.dma_semaphore, #tpu.memory_space<semaphore_mem>>)
    %dma_start3A_97 = tpu.memref_slice %arg22[%add3A_72] : memref<6400000xf32, #tpu.memory_space<hbm>> -> memref<1600xf32, #tpu.memory_space<hbm>>
    %dma_start3A_98 = tpu.memref_slice %arg22[%add3A_72] : memref<6400000xf32, #tpu.memory_space<hbm>> -> memref<1600xf32, #tpu.memory_space<hbm>>
    tpu.enqueue_dma source(%arg51 : memref<1600xf32, #tpu.memory_space<vmem>>) target(%dma_start3A_98 : memref<1600xf32, #tpu.memory_space<hbm>>) target_semaphore(%arg58 : memref<!tpu.dma_semaphore, #tpu.memory_space<semaphore_mem>>)
    %dma_start3A_99 = tpu.memref_slice %arg23[%add3A_72] : memref<6400000xf32, #tpu.memory_space<hbm>> -> memref<1600xf32, #tpu.memory_space<hbm>>
    %dma_start3A_100 = tpu.memref_slice %arg23[%add3A_72] : memref<6400000xf32, #tpu.memory_space<hbm>> -> memref<1600xf32, #tpu.memory_space<hbm>>
    tpu.enqueue_dma source(%arg52 : memref<1600xf32, #tpu.memory_space<vmem>>) target(%dma_start3A_100 : memref<1600xf32, #tpu.memory_space<hbm>>) target_semaphore(%arg58 : memref<!tpu.dma_semaphore, #tpu.memory_space<semaphore_mem>>)
    %dma_start3A_101 = tpu.memref_slice %arg24[%add3A_72] : memref<6400000xf32, #tpu.memory_space<hbm>> -> memref<1600xf32, #tpu.memory_space<hbm>>
    %dma_start3A_102 = tpu.memref_slice %arg24[%add3A_72] : memref<6400000xf32, #tpu.memory_space<hbm>> -> memref<1600xf32, #tpu.memory_space<hbm>>
    tpu.enqueue_dma source(%arg53 : memref<1600xf32, #tpu.memory_space<vmem>>) target(%dma_start3A_102 : memref<1600xf32, #tpu.memory_space<hbm>>) target_semaphore(%arg58 : memref<!tpu.dma_semaphore, #tpu.memory_space<semaphore_mem>>)
    "tpu.region"() ({
      %run_scoped3A = tpu.sem_alloc : memref<!tpu.dma_semaphore, #tpu.memory_space<semaphore_mem>>
      %dma_start3A_144 = arith.constant 0 : i32
      %dma_start3A_145 = tpu.memref_slice %arg56[%dma_start3A_144] : memref<300000xf32, #tpu.memory_space<vmem_shared>> -> memref<300000xf32, #tpu.memory_space<vmem_shared>>
      tpu.enqueue_indirect_dma source(%arg54 : memref<9600xf32, #tpu.memory_space<vmem>>) target(%dma_start3A_145 : memref<300000xf32, #tpu.memory_space<vmem_shared>>) offsets(%arg55 : memref<9600xi32, #tpu.memory_space<vmem>>) semaphore(%run_scoped3A : memref<!tpu.dma_semaphore, #tpu.memory_space<semaphore_mem>>) {add = true}
      %dma_wait3A_146 = arith.constant 0 : i32
      %dma_wait3A_147 = tpu.memref_slice %arg56[%dma_wait3A_146] : memref<300000xf32, #tpu.memory_space<vmem_shared>> -> memref<300000xf32, #tpu.memory_space<vmem_shared>>
      tpu.wait_indirect_dma semaphore(%run_scoped3A : memref<!tpu.dma_semaphore, #tpu.memory_space<semaphore_mem>>) src(%arg54 : memref<9600xf32, #tpu.memory_space<vmem>>) dst(%dma_wait3A_147 : memref<300000xf32, #tpu.memory_space<vmem_shared>>)
      tpu.yield
    }) : () -> ()
    %dma_wait3A_103 = tpu.memref_slice %arg10[%add3A_72] : memref<6400000xf32, #tpu.memory_space<hbm>> -> memref<1600xf32, #tpu.memory_space<hbm>>
    %dma_wait3A_104 = tpu.memref_slice %arg10[%add3A_72] : memref<6400000xf32, #tpu.memory_space<hbm>> -> memref<1600xf32, #tpu.memory_space<hbm>>
    tpu.wait_dma2 semaphore(%arg58 : memref<!tpu.dma_semaphore, #tpu.memory_space<semaphore_mem>>) src(%arg39 : memref<1600xf32, #tpu.memory_space<vmem>>) dst(%dma_wait3A_104 : memref<1600xf32, #tpu.memory_space<hbm>>)
    %dma_wait3A_105 = tpu.memref_slice %arg11[%add3A_72] : memref<6400000xf32, #tpu.memory_space<hbm>> -> memref<1600xf32, #tpu.memory_space<hbm>>
    %dma_wait3A_106 = tpu.memref_slice %arg11[%add3A_72] : memref<6400000xf32, #tpu.memory_space<hbm>> -> memref<1600xf32, #tpu.memory_space<hbm>>
    tpu.wait_dma2 semaphore(%arg58 : memref<!tpu.dma_semaphore, #tpu.memory_space<semaphore_mem>>) src(%arg40 : memref<1600xf32, #tpu.memory_space<vmem>>) dst(%dma_wait3A_106 : memref<1600xf32, #tpu.memory_space<hbm>>)
    %dma_wait3A_107 = tpu.memref_slice %arg12[%add3A_72] : memref<6400000xf32, #tpu.memory_space<hbm>> -> memref<1600xf32, #tpu.memory_space<hbm>>
    %dma_wait3A_108 = tpu.memref_slice %arg12[%add3A_72] : memref<6400000xf32, #tpu.memory_space<hbm>> -> memref<1600xf32, #tpu.memory_space<hbm>>
    tpu.wait_dma2 semaphore(%arg58 : memref<!tpu.dma_semaphore, #tpu.memory_space<semaphore_mem>>) src(%arg41 : memref<1600xf32, #tpu.memory_space<vmem>>) dst(%dma_wait3A_108 : memref<1600xf32, #tpu.memory_space<hbm>>)
    %dma_wait3A_109 = tpu.memref_slice %arg13[%add3A_72] : memref<6400000xf32, #tpu.memory_space<hbm>> -> memref<1600xf32, #tpu.memory_space<hbm>>
    %dma_wait3A_110 = tpu.memref_slice %arg13[%add3A_72] : memref<6400000xf32, #tpu.memory_space<hbm>> -> memref<1600xf32, #tpu.memory_space<hbm>>
    tpu.wait_dma2 semaphore(%arg58 : memref<!tpu.dma_semaphore, #tpu.memory_space<semaphore_mem>>) src(%arg42 : memref<1600xf32, #tpu.memory_space<vmem>>) dst(%dma_wait3A_110 : memref<1600xf32, #tpu.memory_space<hbm>>)
    %dma_wait3A_111 = tpu.memref_slice %arg14[%add3A_72] : memref<6400000xf32, #tpu.memory_space<hbm>> -> memref<1600xf32, #tpu.memory_space<hbm>>
    %dma_wait3A_112 = tpu.memref_slice %arg14[%add3A_72] : memref<6400000xf32, #tpu.memory_space<hbm>> -> memref<1600xf32, #tpu.memory_space<hbm>>
    tpu.wait_dma2 semaphore(%arg58 : memref<!tpu.dma_semaphore, #tpu.memory_space<semaphore_mem>>) src(%arg43 : memref<1600xf32, #tpu.memory_space<vmem>>) dst(%dma_wait3A_112 : memref<1600xf32, #tpu.memory_space<hbm>>)
    %dma_wait3A_113 = tpu.memref_slice %arg15[%add3A_72] : memref<6400000xf32, #tpu.memory_space<hbm>> -> memref<1600xf32, #tpu.memory_space<hbm>>
    %dma_wait3A_114 = tpu.memref_slice %arg15[%add3A_72] : memref<6400000xf32, #tpu.memory_space<hbm>> -> memref<1600xf32, #tpu.memory_space<hbm>>
    tpu.wait_dma2 semaphore(%arg58 : memref<!tpu.dma_semaphore, #tpu.memory_space<semaphore_mem>>) src(%arg44 : memref<1600xf32, #tpu.memory_space<vmem>>) dst(%dma_wait3A_114 : memref<1600xf32, #tpu.memory_space<hbm>>)
    %dma_wait3A_115 = tpu.memref_slice %arg16[%add3A_72] : memref<6400000xf32, #tpu.memory_space<hbm>> -> memref<1600xf32, #tpu.memory_space<hbm>>
    %dma_wait3A_116 = tpu.memref_slice %arg16[%add3A_72] : memref<6400000xf32, #tpu.memory_space<hbm>> -> memref<1600xf32, #tpu.memory_space<hbm>>
    tpu.wait_dma2 semaphore(%arg58 : memref<!tpu.dma_semaphore, #tpu.memory_space<semaphore_mem>>) src(%arg45 : memref<1600xf32, #tpu.memory_space<vmem>>) dst(%dma_wait3A_116 : memref<1600xf32, #tpu.memory_space<hbm>>)
    %dma_wait3A_117 = tpu.memref_slice %arg17[%add3A_72] : memref<6400000xf32, #tpu.memory_space<hbm>> -> memref<1600xf32, #tpu.memory_space<hbm>>
    %dma_wait3A_118 = tpu.memref_slice %arg17[%add3A_72] : memref<6400000xf32, #tpu.memory_space<hbm>> -> memref<1600xf32, #tpu.memory_space<hbm>>
    tpu.wait_dma2 semaphore(%arg58 : memref<!tpu.dma_semaphore, #tpu.memory_space<semaphore_mem>>) src(%arg46 : memref<1600xf32, #tpu.memory_space<vmem>>) dst(%dma_wait3A_118 : memref<1600xf32, #tpu.memory_space<hbm>>)
    %dma_wait3A_119 = tpu.memref_slice %arg18[%add3A_72] : memref<6400000xf32, #tpu.memory_space<hbm>> -> memref<1600xf32, #tpu.memory_space<hbm>>
    %dma_wait3A_120 = tpu.memref_slice %arg18[%add3A_72] : memref<6400000xf32, #tpu.memory_space<hbm>> -> memref<1600xf32, #tpu.memory_space<hbm>>
    tpu.wait_dma2 semaphore(%arg58 : memref<!tpu.dma_semaphore, #tpu.memory_space<semaphore_mem>>) src(%arg47 : memref<1600xf32, #tpu.memory_space<vmem>>) dst(%dma_wait3A_120 : memref<1600xf32, #tpu.memory_space<hbm>>)
    %dma_wait3A_121 = tpu.memref_slice %arg19[%add3A_72] : memref<6400000xf32, #tpu.memory_space<hbm>> -> memref<1600xf32, #tpu.memory_space<hbm>>
    %dma_wait3A_122 = tpu.memref_slice %arg19[%add3A_72] : memref<6400000xf32, #tpu.memory_space<hbm>> -> memref<1600xf32, #tpu.memory_space<hbm>>
    tpu.wait_dma2 semaphore(%arg58 : memref<!tpu.dma_semaphore, #tpu.memory_space<semaphore_mem>>) src(%arg48 : memref<1600xf32, #tpu.memory_space<vmem>>) dst(%dma_wait3A_122 : memref<1600xf32, #tpu.memory_space<hbm>>)
    %dma_wait3A_123 = tpu.memref_slice %arg20[%add3A_72] : memref<6400000xf32, #tpu.memory_space<hbm>> -> memref<1600xf32, #tpu.memory_space<hbm>>
    %dma_wait3A_124 = tpu.memref_slice %arg20[%add3A_72] : memref<6400000xf32, #tpu.memory_space<hbm>> -> memref<1600xf32, #tpu.memory_space<hbm>>
    tpu.wait_dma2 semaphore(%arg58 : memref<!tpu.dma_semaphore, #tpu.memory_space<semaphore_mem>>) src(%arg49 : memref<1600xf32, #tpu.memory_space<vmem>>) dst(%dma_wait3A_124 : memref<1600xf32, #tpu.memory_space<hbm>>)
    %dma_wait3A_125 = tpu.memref_slice %arg21[%add3A_72] : memref<6400000xf32, #tpu.memory_space<hbm>> -> memref<1600xf32, #tpu.memory_space<hbm>>
    %dma_wait3A_126 = tpu.memref_slice %arg21[%add3A_72] : memref<6400000xf32, #tpu.memory_space<hbm>> -> memref<1600xf32, #tpu.memory_space<hbm>>
    tpu.wait_dma2 semaphore(%arg58 : memref<!tpu.dma_semaphore, #tpu.memory_space<semaphore_mem>>) src(%arg50 : memref<1600xf32, #tpu.memory_space<vmem>>) dst(%dma_wait3A_126 : memref<1600xf32, #tpu.memory_space<hbm>>)
    %dma_wait3A_127 = tpu.memref_slice %arg22[%add3A_72] : memref<6400000xf32, #tpu.memory_space<hbm>> -> memref<1600xf32, #tpu.memory_space<hbm>>
    %dma_wait3A_128 = tpu.memref_slice %arg22[%add3A_72] : memref<6400000xf32, #tpu.memory_space<hbm>> -> memref<1600xf32, #tpu.memory_space<hbm>>
    tpu.wait_dma2 semaphore(%arg58 : memref<!tpu.dma_semaphore, #tpu.memory_space<semaphore_mem>>) src(%arg51 : memref<1600xf32, #tpu.memory_space<vmem>>) dst(%dma_wait3A_128 : memref<1600xf32, #tpu.memory_space<hbm>>)
    %dma_wait3A_129 = tpu.memref_slice %arg23[%add3A_72] : memref<6400000xf32, #tpu.memory_space<hbm>> -> memref<1600xf32, #tpu.memory_space<hbm>>
    %dma_wait3A_130 = tpu.memref_slice %arg23[%add3A_72] : memref<6400000xf32, #tpu.memory_space<hbm>> -> memref<1600xf32, #tpu.memory_space<hbm>>
    tpu.wait_dma2 semaphore(%arg58 : memref<!tpu.dma_semaphore, #tpu.memory_space<semaphore_mem>>) src(%arg52 : memref<1600xf32, #tpu.memory_space<vmem>>) dst(%dma_wait3A_130 : memref<1600xf32, #tpu.memory_space<hbm>>)
    %dma_wait3A_131 = tpu.memref_slice %arg24[%add3A_72] : memref<6400000xf32, #tpu.memory_space<hbm>> -> memref<1600xf32, #tpu.memory_space<hbm>>
    %dma_wait3A_132 = tpu.memref_slice %arg24[%add3A_72] : memref<6400000xf32, #tpu.memory_space<hbm>> -> memref<1600xf32, #tpu.memory_space<hbm>>
    tpu.wait_dma2 semaphore(%arg58 : memref<!tpu.dma_semaphore, #tpu.memory_space<semaphore_mem>>) src(%arg53 : memref<1600xf32, #tpu.memory_space<vmem>>) dst(%dma_wait3A_132 : memref<1600xf32, #tpu.memory_space<hbm>>)
    %barrier3A_133 = arith.constant 0 : index
    tpu.barrier barrier_id(%barrier3A_133)
    %lt3A_134 = arith.constant 15 : i32
    %lt3A_135 = arith.cmpi slt, %arg1, %lt3A_134 : i32
    %convert_element_type3A_136 = arith.extui %lt3A_135 : i1 to i32
    %cond3A_137 = arith.constant 0 : i32
    %cond3A_138 = arith.cmpi ne, %convert_element_type3A_136, %cond3A_137 : i32
    scf.if %cond3A_138 {
      "tpu.region"() ({
        %run_scoped3A = tpu.sem_alloc : memref<!tpu.dma_semaphore, #tpu.memory_space<semaphore_mem>>
        %dma_start3A_144 = tpu.memref_slice %arg9[%arg0, %mul3A_2] : memref<2x300000xf32, #tpu.memory_space<hbm>> -> memref<1x18768xf32, #tpu.memory_space<hbm>>
        %dma_start3A_145 = tpu.memref_squeeze %dma_start3A_144 : memref<1x18768xf32, #tpu.memory_space<hbm>> -> memref<18768xf32, #tpu.memory_space<hbm>>
        %dma_start3A_146 = tpu.memref_slice %arg56[%mul3A_2] : memref<300000xf32, #tpu.memory_space<vmem_shared>> -> memref<18768xf32, #tpu.memory_space<vmem_shared>>
        tpu.enqueue_dma source(%dma_start3A_146 : memref<18768xf32, #tpu.memory_space<vmem_shared>>) target(%dma_start3A_145 : memref<18768xf32, #tpu.memory_space<hbm>>) target_semaphore(%run_scoped3A : memref<!tpu.dma_semaphore, #tpu.memory_space<semaphore_mem>>)
        %dma_wait3A_147 = tpu.memref_slice %arg9[%arg0, %mul3A_2] : memref<2x300000xf32, #tpu.memory_space<hbm>> -> memref<1x18768xf32, #tpu.memory_space<hbm>>
        %dma_wait3A_148 = tpu.memref_squeeze %dma_wait3A_147 : memref<1x18768xf32, #tpu.memory_space<hbm>> -> memref<18768xf32, #tpu.memory_space<hbm>>
        %dma_wait3A_149 = tpu.memref_slice %arg56[%mul3A_2] : memref<300000xf32, #tpu.memory_space<vmem_shared>> -> memref<18768xf32, #tpu.memory_space<vmem_shared>>
        tpu.wait_dma2 semaphore(%run_scoped3A : memref<!tpu.dma_semaphore, #tpu.memory_space<semaphore_mem>>) src(%dma_wait3A_149 : memref<18768xf32, #tpu.memory_space<vmem_shared>>) dst(%dma_wait3A_148 : memref<18768xf32, #tpu.memory_space<hbm>>)
        tpu.yield
      }) : () -> ()
    } else {
    }
    %eq3A_139 = arith.constant 15 : i32
    %eq3A_140 = arith.cmpi eq, %arg1, %eq3A_139 : i32
    %convert_element_type3A_141 = arith.extui %eq3A_140 : i1 to i32
    %cond3A_142 = arith.constant 0 : i32
    %cond3A_143 = arith.cmpi ne, %convert_element_type3A_141, %cond3A_142 : i32
    scf.if %cond3A_143 {
      "tpu.region"() ({
        %run_scoped3A = tpu.sem_alloc : memref<!tpu.dma_semaphore, #tpu.memory_space<semaphore_mem>>
        %dma_start3A_144 = arith.constant 281520 : i32
        %dma_start3A_145 = tpu.memref_slice %arg9[%arg0, %dma_start3A_144] : memref<2x300000xf32, #tpu.memory_space<hbm>> -> memref<1x18480xf32, #tpu.memory_space<hbm>>
        %dma_start3A_146 = tpu.memref_squeeze %dma_start3A_145 : memref<1x18480xf32, #tpu.memory_space<hbm>> -> memref<18480xf32, #tpu.memory_space<hbm>>
        %dma_start3A_147 = arith.constant 281520 : i32
        %dma_start3A_148 = tpu.memref_slice %arg56[%dma_start3A_147] : memref<300000xf32, #tpu.memory_space<vmem_shared>> -> memref<18480xf32, #tpu.memory_space<vmem_shared>>
        tpu.enqueue_dma source(%dma_start3A_148 : memref<18480xf32, #tpu.memory_space<vmem_shared>>) target(%dma_start3A_146 : memref<18480xf32, #tpu.memory_space<hbm>>) target_semaphore(%run_scoped3A : memref<!tpu.dma_semaphore, #tpu.memory_space<semaphore_mem>>)
        %dma_wait3A_149 = arith.constant 281520 : i32
        %dma_wait3A_150 = tpu.memref_slice %arg9[%arg0, %dma_wait3A_149] : memref<2x300000xf32, #tpu.memory_space<hbm>> -> memref<1x18480xf32, #tpu.memory_space<hbm>>
        %dma_wait3A_151 = tpu.memref_squeeze %dma_wait3A_150 : memref<1x18480xf32, #tpu.memory_space<hbm>> -> memref<18480xf32, #tpu.memory_space<hbm>>
        %dma_wait3A_152 = arith.constant 281520 : i32
        %dma_wait3A_153 = tpu.memref_slice %arg56[%dma_wait3A_152] : memref<300000xf32, #tpu.memory_space<vmem_shared>> -> memref<18480xf32, #tpu.memory_space<vmem_shared>>
        tpu.wait_dma2 semaphore(%run_scoped3A : memref<!tpu.dma_semaphore, #tpu.memory_space<semaphore_mem>>) src(%dma_wait3A_153 : memref<18480xf32, #tpu.memory_space<vmem_shared>>) dst(%dma_wait3A_151 : memref<18480xf32, #tpu.memory_space<hbm>>)
        tpu.yield
      }) : () -> ()
    } else {
    }
    return
  }
}

</mosaic_0001>

<sc_bundles>
// kernel: kernel.3.cloned.1.call-start
scs
__scs_entry_jumppad:
0x0: {  	(pc) =	sbr.rel $0x88, $3  }
0x1: {  	(tag) =	ssettag $0x0;
	lr =	simm.s32 $0x1  }
0x2: {  	[smem:$0x3F9B] =	sst lr;
	_ =	strace $0xD0000000  }
0x3: {  	_ = 	snop  }
0x4: {  	_ = 	snop  }
0x5: {  	_ = 	snop  }
0x6: {  	_ = 	snop  }
0x7: {  	_ = 	snop  }
__scs_overlays_trampoline_lowered:
0x8: {  	[smem:$0x3FAA] =	sst s0  }
0x9: {  	[smem:$0x3FAB] =	sst s1  }
0xa: {  	[smem:$0x3FAC] =	sst s2  }
0xb: {  	[smem:$0x3FAD] =	sst s3  }
0xc: {  	[smem:$0x3FAE] =	sst s4  }
0xd: {  	[smem:$0x3FAF] =	sst s5  }
0xe: {  	[smem:$0x3FB0] =	sst s6  }
0xf: {  	[smem:$0x3FB1] =	sst s7  }
0x10: {  	[smem:$0x3FB2] =	sst s8  }
0x11: {  	[smem:$0x3FB3] =	sst s9;
	s0 =	simm.s32 @!p0 $0x0  }
0x12: {  	s1 =	sld [smem:$0x3F99];
	s0 =	simm.s32 @p0 $0x1  }
0x13: {  	[smem:$0x3FB4] =	sst s0;
	s0 =	simm.s32 @!p1 $0x0  }
0x14: {  	s2 =	sld [smem:$0x3F98];
	s0 =	simm.s32 @p1 $0x1  }
0x15: {  	[smem:$0x3FB5] =	sst s0;
	s0 =	simm.s32 @!p2 $0x0  }
0x16: {  	s3 =	sld [smem:$0x3FDB];
	s0 =	simm.s32 @p2 $0x1  }
0x17: {  	s4 =	simm.s32 $0x1BF5;
	[smem:$0x3FB7] =	sst s0  }
0x18: {  	s0 =	sld [smem:$0x3F9A];
	_ =	swait.ge [sflag:s4], $0x0  }
0x19: {  	s7 =	sld [smem:$0x3F9B]  }
0x1a: {  	s8 =	sadd.s32 $0xFFFFE003, lr  }
0x1b: {  	s9 =	sadd.s32 $0xFFFFFEF7, lr;
	s5 =	simm.s32 $0xFFFFFFFF;
	p2 =	slt.u32 s8, $0xFFFFF086  }
0x1c: {  	p1 =	slt.u32 s9, $0xF7A;
	s5 =	simm.s32 @!p2 $0x0  }
0x1d: {  	s5 =	simm.s32 @p1 $0x1;
	p0 =	seq.s32 s7, s2  }
0x1e: {  	s7 =	smul.u32 @!p0 $0xF7A, s2;
	p2 =	seq.s32 @!p0 s5, $0x0  }
0x1f: {  	s9 =	smul.u32 $0xF7A, s1;
	s8 =	simm.s32 @!p0 $0x1BF5;
	p2 =	por !p2, p0  }
0x20: {  	[sflag:s8] =	ssyncset.s32 @!p0 $0xFFFFF086;
	s6 =	sadd.s32 @!p0 s3, s7;
	s7 =	simm.s32 @!p0 $0x108  }
0x21: {  	s3 =	sadd.s32 s3, s9;
	s6 =	sadd.s32 @!p0 $0x88, s6;
	s7 =	simm.s32 @p2 $0x1082  }
0x22: {  	[simem:s7], [sflag:s8] =	dma.local @!p0 [hbm:s6], $0xF7A  }
0x23: {  	s9 =	sor.u32 $0xD0000000, s2;
	s6 =	simm.s32 $0x108;
	_ =	swait.ge @!p0 [sflag:s8], $0x0  }
0x24: {  	s3 =	sadd.s32 $0x88, s3;
	s6 =	simm.s32 @!p1 $0x1082;
	[sflag:s4] =	ssyncset.s32 $0xFFFFF086  }
0x25: {  	[simem:s6], [sflag:s4] =	dma.local [hbm:s3], $0xF7A  }
0x26: {  	[smem:$0x3F9B] =	sst s1;
	(tag) =	ssettag s2;
	_ =	strace s9  }
0x27: {  	s1 =	sld [smem:$0x3FAB]  }
0x28: {  	s2 =	sld [smem:$0x3FAC]  }
0x29: {  	s4 =	sld [smem:$0x3FAE]  }
0x2a: {  	p0 =	seq.s32 s5, $0x0;
	s5 =	sld [smem:$0x3FAF]  }
0x2b: {  	s6 =	sld [smem:$0x3FB0]  }
0x2c: {  	s7 =	sld [smem:$0x3FB1]  }
0x2d: {  	s3 =	simm.s32 $0x108;
	s8 =	sld [smem:$0x3FB2]  }
0x2e: {  	s3 =	simm.s32 @!p0 $0x1082;
	s9 =	sld [smem:$0x3FB3]  }
0x2f: {  	lr =	sadd.s32 s0, s3;
	s0 =	sld [smem:$0x3FAA]  }
0x30: {  	s3 =	sld [smem:$0x3FAD]  }
0x31: {  	[smem:$0x3FB6] =	sst s10  }
0x32: {  	s10 =	sld [smem:$0x3FB4];
	_ =	sdelay $0x3  }
0x33: {  	p0 =	seq.s32 s10, $0x1;
	s10 =	sld [smem:$0x3FB6];
	_ =	sdelay $0x3  }
0x34: {  	[smem:$0x3FB6] =	sst s10  }
0x35: {  	s10 =	sld [smem:$0x3FB5];
	_ =	sdelay $0x3  }
0x36: {  	p1 =	seq.s32 s10, $0x1;
	s10 =	sld [smem:$0x3FB6];
	_ =	sdelay $0x3  }
0x37: {  	[smem:$0x3FB6] =	sst s10  }
0x38: {  	s10 =	sld [smem:$0x3FB7]  }
0x39: {  	_ = 	snop;
	(pc) =	sbr.ind lr, $3  }
0x3a: {  	_ = 	snop  }
0x3b: {  	_ = 	snop  }
0x3c: {  	p2 =	seq.s32 s10, $0x1;
	s10 =	sld [smem:$0x3FB6]  }
0x3d: {  	_ =	shalt  }
0x3e: {  	_ =	shalt  }
0x3f: {  	_ =	shalt  }
0x40: {  	_ =	shalt  }
0x41: {  	_ =	shalt  }
0x42: {  	_ =	shalt  }
0x43: {  	_ =	shalt  }
0x44: {  	_ =	shalt  }
0x45: {  	_ =	shalt  }
0x46: {  	_ =	shalt  }
0x47: {  	_ =	shalt  }
0x48: {  	_ =	shalt  }
0x49: {  	_ =	shalt  }
0x4a: {  	_ =	shalt  }
0x4b: {  	_ =	shalt  }
0x4c: {  	_ =	shalt  }
0x4d: {  	_ =	shalt  }
0x4e: {  	_ =	shalt  }
0x4f: {  	_ =	shalt  }
0x50: {  	_ =	shalt  }
0x51: {  	_ =	shalt  }
0x52: {  	_ =	shalt  }
0x53: {  	_ =	shalt  }
0x54: {  	_ =	shalt  }
0x55: {  	_ =	shalt  }
0x56: {  	_ =	shalt  }
0x57: {  	_ =	shalt  }
0x58: {  	_ =	shalt  }
0x59: {  	_ =	shalt  }
0x5a: {  	_ =	shalt  }
0x5b: {  	_ =	shalt  }
0x5c: {  	_ =	shalt  }
0x5d: {  	_ =	shalt  }
0x5e: {  	_ =	shalt  }
0x5f: {  	_ =	shalt  }
0x60: {  	_ =	shalt  }
0x61: {  	_ =	shalt  }
0x62: {  	_ =	shalt  }
0x63: {  	_ =	shalt  }
0x64: {  	_ =	shalt  }
0x65: {  	_ =	shalt  }
0x66: {  	_ =	shalt  }
0x67: {  	_ =	shalt  }
0x68: {  	_ =	shalt  }
0x69: {  	_ =	shalt  }
0x6a: {  	_ =	shalt  }
0x6b: {  	_ =	shalt  }
0x6c: {  	_ =	shalt  }
0x6d: {  	_ =	shalt  }
0x6e: {  	_ =	shalt  }
0x6f: {  	_ =	shalt  }
0x70: {  	_ =	shalt  }
0x71: {  	_ =	shalt  }
0x72: {  	_ =	shalt  }
0x73: {  	_ =	shalt  }
0x74: {  	_ =	shalt  }
0x75: {  	_ =	shalt  }
0x76: {  	_ =	shalt  }
0x77: {  	_ =	shalt  }
0x78: {  	_ =	shalt  }
0x79: {  	_ =	shalt  }
0x7a: {  	_ =	shalt  }
0x7b: {  	_ =	shalt  }
0x7c: {  	_ =	shalt  }
0x7d: {  	_ =	shalt  }
0x7e: {  	_ =	shalt  }
0x7f: {  	_ =	shalt  }
0x80: {  	_ =	shalt  }
0x81: {  	_ =	shalt  }
0x82: {  	_ =	shalt  }
0x83: {  	_ =	shalt  }
0x84: {  	_ =	shalt  }
0x85: {  	_ =	shalt  }
0x86: {  	_ =	shalt  }
0x87: {  	_ =	shalt  }
.Lfunc_end0:
.L_simem_size_0:
called_computation_lowered:
.L_overlay_start_0:
0x88: {  	s2 =	sld [smem:$0x3FD9]  }
0x89: {  	s3 =	sld [smem:$0x3FFE];
	_ =	sdelay $0x1  }
0x8a: {  	s1 =	srdreg.scid  }
0x8b: {  	s0 =	sand.u32 $0x1, s1  }
0x8c: {  	s25 =	sshll.u32 s0, $0xA;
	s2 =	sadd.s32 s3, s2  }
0x8d: {  	s2 =	sadd.s32 s2, s25  }
0x8e: {  	[smem:$0x3FC2] =	sst s2  }
0x8f: {  	_ = 	snop  }
0x90: {  	s7 =	sld [smem:$0x3FD0]  }
0x91: {  	s2 =	sld [smem:$0x3FC7]  }
0x92: {  	s3 =	sld [smem:$0x3FC6]  }
0x93: {  	s13 =	simm.s32 $0xA;
	s8 =	simm.s32 $0x10;
	s4 =	sld [smem:$0x3FC5]  }
0x94: {  	[smem:s8], [sflag:s13] =	dma.local [hbm:s7], $0x1  }
0x95: {  	_ =	swait.eq [sflag:s13], $0x1  }
0x96: {  	s5 =	sld [smem:$0x10]  }
0x97: {  	s6 =	sld [smem:$0x12]  }
0x98: {  	s10 =	sld [smem:$0x15];
	[sflag:s13] =	ssyncset.done $0x0  }
0x99: {  	s11 =	sld [smem:$0x16];
	[sflag:s13] =	ssyncadd.s32 $0xFFFFFFFF  }
0x9a: {  	s7 =	sadd.s32 $0x1, s7;
	s14 =	sld [smem:$0x17]  }
0x9b: {  	[smem:s8], [sflag:s13] =	dma.local [hbm:s7], $0x1  }
0x9c: {  	_ =	swait.eq [sflag:s13], $0x1  }
0x9d: {  	s7 =	sld [smem:$0x10]  }
0x9e: {  	s8 =	sld [smem:$0x11]  }
0x9f: {  	s9 =	sld [smem:$0x12];
	[sflag:s13] =	ssyncset.done $0x0  }
0xa0: {  	s12 =	sld [smem:$0x13];
	[sflag:s13] =	ssyncadd.s32 $0xFFFFFFFF  }
0xa1: {  	s13 =	sld [smem:$0x14];
	(tm) =	ssettm $0x1  }
0xa2: {  	s15 =	sld [smem:$0x3FFB];
	_ =	sdelay $0x3  }
0xa3: {  	_ =	strace s15  }
0xa4: {  	s15 =	sld [smem:$0x3FFC];
	_ =	sdelay $0x3  }
0xa5: {  	_ =	strace s15  }
0xa6: {  	s15 =	sld [smem:$0x3FFD];
	_ =	sdelay $0x3  }
0xa7: {  	_ =	strace s15  }
0xa8: {  	_ =	strace $0x8FFFFFFF  }
0xa9: {  	s26 =	sld [smem:$0x3FDB];
	_ =	sdelay $0x1  }
0xaa: {  	s16 =	simm.s32 $_scs_section_size  }
0xab: {  	s17 =	simm.s32 $_size__tile_task_arg_handler_lowered;
	s18 =	simm.s32 $_tile_task_arg_handler_lowered  }
0xac: {  	s30 =	simm.s32 $0x1BFF;
	s29 =	sshll.u32 s18, $0x1;
	s16 =	sadd.s32 s16, s26  }
0xad: {  	s19 =	simm.s32 $0x60;
	s28 =	sshll.u32 s17, $0x1;
	s17 =	sadd.s32 s29, s16  }
0xae: {  	[timem:s19], [sflag:s30] =	dma.local [hbm:s17], s28  }
0xaf: {  	_ =	swait.ge [sflag:s30], s28  }
0xb0: {  	s31 =	simm.s32 $_tile_overlayer_lowered;
	s15 =	ssub.s32 $0x0, s28;
	[sflag:s30] =	ssyncset.done $0x0  }
0xb1: {  	s19 =	simm.s32 $_size__tile_overlayer_lowered;
	s17 =	sshll.u32 s31, $0x1;
	[sflag:s30] =	ssyncadd.s32 s15  }
0xb2: {  	s21 =	simm.s32 $0x0;
	s20 =	sshll.u32 s19, $0x1;
	s17 =	sadd.s32 s17, s16  }
0xb3: {  	[timem:s21], [sflag:s30] =	dma.local [hbm:s17], s20  }
0xb4: {  	_ =	swait.ge [sflag:s30], s20  }
0xb5: {  	s22 =	ssub.s32 $0x0, s20;
	[sflag:s30] =	ssyncset.done $0x0  }
0xb6: {  	[sflag:s30] =	ssyncadd.s32 s22;
	_ =	sdelay $0x1  }
0xb7: {  	s23 =	simm.s32 $0x1B8B  }
0xb8: {  	_ =	swait.ge [sflag:s23], $0x1  }
0xb9: {  	[sflag:s23] =	ssyncset.done $0x0  }
0xba: {  	s25 =	simm.s32 $0x1B8E;
	s24 =	sld [smem:$0x3FFE];
	[sflag:s23] =	ssyncadd.s32 $0xFFFFFFFF  }
0xbb: {  	s26 =	simm.s32 $execute0_lowered;
	[smem:$0x3FD2] =	sst s25  }
0xbc: {  	s18 =	sshll.u32 s26, $0x1;
	_ =	strace $0x80000046;
	[dreg:$0x1] =	wrdreg $0xFFFFFFFF  }
0xbd: {  	s16 =	sadd.s32 s16, s18;
	s28 =	simm.s32 $_size_execute0_lowered;
	[dreg:$0x0] =	wrdreg $0x0  }
0xbe: {  	s18 =	sshll.u32 s28, $0x1;
	[dreg:$0x2] =	wrdreg s16  }
0xbf: {  	[dreg:$0x3] =	wrdreg s18  }
0xc0: {  	[dreg:$0x4] =	wrdreg $0xC0  }
0xc1: {  	_ =	task [dreg:s21], $0x5FFFF  }
0xc2: {  	[dreg:$0x1] =	wrdreg $0xFFFFFFFF  }
0xc3: {  	[dreg:$0x0] =	wrdreg $0x30  }
0xc4: {  	[dreg:$0x2] =	wrdreg $0x0  }
0xc5: {  	[dreg:$0x3] =	wrdreg $0x1AF400  }
0xc6: {  	[dreg:$0x4] =	wrdreg $0x9  }
0xc7: {  	_ =	task [dreg:s21], $0x5FFFF  }
0xc8: {  	[dreg:$0x1] =	wrdreg $0xFFFFFFFF  }
0xc9: {  	[dreg:$0x0] =	wrdreg $0x60  }
0xca: {  	[dreg:$0x2] =	wrdreg s10  }
0xcb: {  	[dreg:$0x3] =	wrdreg s14  }
0xcc: {  	[dreg:$0x4] =	wrdreg s11  }
0xcd: {  	[dreg:$0x5] =	wrdreg s2  }
0xce: {  	[dreg:$0x6] =	wrdreg s3  }
0xcf: {  	[dreg:$0x7] =	wrdreg s4  }
0xd0: {  	[dreg:$0x8] =	wrdreg s5  }
0xd1: {  	[dreg:$0x9] =	wrdreg s6  }
0xd2: {  	[dreg:$0xa] =	wrdreg s24  }
0xd3: {  	[dreg:$0xb] =	wrdreg s7  }
0xd4: {  	[dreg:$0xc] =	wrdreg s8  }
0xd5: {  	[dreg:$0xd] =	wrdreg s9  }
0xd6: {  	[dreg:$0xe] =	wrdreg s12  }
0xd7: {  	[dreg:$0xf] =	wrdreg s13  }
0xd8: {  	_ =	task.clear_ibuf [dreg:s21], $0x10FFFF;
	_ =	strace $0x90000046  }
0xd9: {  	s29 =	simm.s32 $0x9;
	_ =	strace $0x80000048  }
0xda: {  	_ =	swait.ge [sflag:s29], $0x1  }
0xdb: {  	[sflag:s29] =	ssyncadd.s32 $0xFFFFFFFF  }
0xdc: {  	_ =	strace $0x90000048  }
0xdd: {  	_ =	sfence  }
0xde: {  	s30 =	sld [smem:$0x0];
	_ =	sdelay $0x2  }
0xdf: {  	s31 =	sshll.u32 s1, $0xD;
	s1 =	sshrl.u32 s1, $0x2  }
0xe0: {  	s3 =	sand.u32 $0x4000, s31;
	s1 =	sadd.s32 s1, s30  }
0xe1: {  	s0 =	sor.u32 s3, s0;
	s1 =	sshll.u32 s1, $0x11  }
0xe2: {  	s0 =	sor.u32 s1, s0  }
0xe3: {  	s0 =	sadd.s32 $0x8F2B, s0  }
0xe4: {  	[sflag:s0] =	ssyncadd.remote.s32 $0x1  }
0xe5: {  	_ =	sfence.sel $0xFFFF  }
0xe6: {  	[dreg:$0x0] =	wrdreg $0xFFFFFFFF;
	(pc) =	sbr.abs _section_cstart, $3  }
0xe7: {  	[dreg:$0x1] =	wrdreg $0xFFFFFFFF  }
0xe8: {  	_ =	task.clear_ibuf [dreg:s21], $0x2FFFF;
	_ =	strace $0x9FFFFFFF  }
0xe9: {  	(tm) =	ssettm $0x7FFFFFFF  }
tec
_tile_task_arg_handler_lowered:
.L_overlay_start_1:
0x0: {  	(tag) =	ssettag $0x1  }
0x1: {  	s0 =	rddreg [dreg:$0x0]  }
0x2: {  	s1 =	rddreg [dreg:$0x1]  }
0x3: {  	s2 =	rddreg [dreg:$0x2]  }
0x4: {  	s3 =	rddreg [dreg:$0x3]  }
0x5: {  	s4 =	rddreg [dreg:$0x4]  }
0x6: {  	s5 =	rddreg [dreg:$0x5]  }
0x7: {  	s6 =	rddreg [dreg:$0x6]  }
0x8: {  	s7 =	rddreg [dreg:$0x7]  }
0x9: {  	s8 =	rddreg [dreg:$0x8]  }
0xa: {  	s9 =	rddreg [dreg:$0x9]  }
0xb: {  	s10 =	rddreg [dreg:$0xa]  }
0xc: {  	s11 =	rddreg [dreg:$0xb]  }
0xd: {  	s12 =	rddreg [dreg:$0xc]  }
0xe: {  	s13 =	rddreg [dreg:$0xd]  }
0xf: {  	[smem:s0] =	sst s1  }
0x10: {  	[smem:s0+$0x1] =	sst s2  }
0x11: {  	[smem:s0+$0x2] =	sst s3  }
0x12: {  	[smem:s0+$0x3] =	sst s4  }
0x13: {  	[smem:s0+$0x4] =	sst s5  }
0x14: {  	[smem:s0+$0x5] =	sst s6  }
0x15: {  	[smem:s0+$0x6] =	sst s7  }
0x16: {  	[smem:s0+$0x7] =	sst s8  }
0x17: {  	[smem:s0+$0x8] =	sst s9  }
0x18: {  	[smem:s0+$0x9] =	sst s10  }
0x19: {  	[smem:s0+$0xA] =	sst s11  }
0x1a: {  	[smem:s0+$0xB] =	sst s12  }
0x1b: {  	[smem:s0+$0xC] =	sst s13;
	_ =	shalt  }
.Lfunc_end2:
execute0_lowered:
.L_overlay_start_2:
0x1c: {  	(tag) =	ssettag $0x2  }
0x1d: {  	s0 =	rddreg [dreg:$0x0]  }
0x1e: {  	s19 =	rddreg [dreg:$0x1]  }
0x1f: {  	s8 =	rddreg [dreg:$0x2]  }
0x20: {  	s9 =	rddreg [dreg:$0x3]  }
0x21: {  	s10 =	rddreg [dreg:$0x4]  }
0x22: {  	s11 =	rddreg [dreg:$0x5]  }
0x23: {  	s24 =	rddreg [dreg:$0x7]  }
0x24: {  	s2 =	rddreg [dreg:$0x8]  }
0x25: {  	s12 =	rddreg [dreg:$0x9]  }
0x26: {  	s13 =	rddreg [dreg:$0xa]  }
0x27: {  	s20 =	rddreg [dreg:$0xb]  }
0x28: {  	s29 =	rddreg [dreg:$0xc]  }
0x29: {  	s30 =	rddreg [dreg:$0xd]  }
0x2a: {  	s14 =	simm.s32 $0x0;
	s3 =	srdreg.scid;
	s31 =	stileid.u32  }
0x2b: {  	[smem:$0x7FF] =	sst s14;
	s3 =	sand.u32 $0x1, s3;
	s16 =	sadd.s32 $0x187C00, s2  }
0x2c: {  	s17 =	sadd.s32 $0x24B200, s2;
	s18 =	sadd.s32 $0x30E800, s2;
	s4 =	sld [smem:$0x1]  }
0x2d: {  	s5 =	ssub.s32 $0x2, s3;
	s6 =	smul.u32 $0x493E0, s3;
	s3 =	sshll.u32 s3, $0x4  }
0x2e: {  	s21 =	sadd.s32 $0x3D1E00, s2;
	s22 =	sadd.s32 $0x495400, s2;
	s3 =	sor.u32 s31, s3  }
0x2f: {  	s23 =	sadd.s32 $0x558A00, s2;
	s28 =	sadd.s32 $0xC4600, s2;
	s1 =	smul.u32 $0x30D40, s3  }
0x30: {  	s7 =	sshrl.u32 s5, $0x1;
	[dreg:$0xe] =	wrdreg s4;
	s4 =	smul.u32 $0x4950, s31  }
0x31: {  	s15 =	sld [smem:$0x0];
	s5 =	ssub.s32 s5, s7;
	_ =	strace $0x80000047  }
0x32: {  	[dreg:$0xf] =	wrdreg s1;
	s25 =	sadd.s32 s4, s6;
	s6 =	sshrl.u32 s6, $0x3  }
0x33: {  	s7 =	sshrl.u32 s25, $0x3;
	s6 =	sadd.s32 s24, s6;
	s25 =	sadd.s32 $0x6DF600, s2  }
0x34: {  	s26 =	sadd.s32 s24, s7;
	s24 =	sadd.s32 $0x61C000, s2;
	s7 =	sadd.s32 s4, s15  }
0x35: {  	[dreg:$0x10] =	wrdreg s26;
	s26 =	sadd.s32 $0x1000, s2;
	s2 =	sshrl.u32 s1, $0x3  }
0x36: {  	[dreg:$0x11] =	wrdreg s7;
	s4 =	sadd.s32 s19, s2  }
0x37: {  	s7 =	sadd.s32 s8, s2;
	[dreg:$0x12] =	wrdreg s4  }
0x38: {  	s8 =	sadd.s32 s9, s2;
	[dreg:$0x13] =	wrdreg s7  }
0x39: {  	s9 =	sadd.s32 s10, s2;
	[dreg:$0x14] =	wrdreg s8  }
0x3a: {  	s3 =	sadd.s32 $0x60E0, s2;
	s2 =	sadd.s32 s11, s2;
	[dreg:$0x15] =	wrdreg s9  }
0x3b: {  	[dreg:$0x16] =	wrdreg s2;
	s10 =	sadd.s32 s16, s3  }
0x3c: {  	s11 =	sadd.s32 s17, s3;
	[dreg:$0x17] =	wrdreg s10  }
0x3d: {  	s4 =	sadd.s32 s12, s3;
	[dreg:$0x18] =	wrdreg s11  }
0x3e: {  	s7 =	sadd.s32 s13, s3;
	[dreg:$0x19] =	wrdreg s4  }
0x3f: {  	s8 =	sadd.s32 s18, s3;
	[dreg:$0x1a] =	wrdreg s7  }
0x40: {  	s9 =	sadd.s32 s21, s3;
	[dreg:$0x1b] =	wrdreg s8  }
0x41: {  	s12 =	sadd.s32 s24, s3;
	[dreg:$0x1c] =	wrdreg s9  }
0x42: {  	s13 =	sadd.s32 s25, s3;
	[dreg:$0x1f] =	wrdreg s12  }
0x43: {  	s10 =	sadd.s32 s22, s3;
	[smem:$0x7F3] =	sst s13  }
0x44: {  	s11 =	sadd.s32 s23, s3;
	[dreg:$0x1d] =	wrdreg s10  }
0x45: {  	s4 =	sadd.s32 s26, s3;
	[dreg:$0x1e] =	wrdreg s11  }
0x46: {  	s7 =	sadd.s32 s28, s3;
	[smem:$0x7F4] =	sst s4  }
0x47: {  	s8 =	sadd.s32 s20, s3;
	[smem:$0x7F5] =	sst s7  }
0x48: {  	p0 =	seq.s32 s31, $0xF;
	s9 =	sadd.s32 s29, s3;
	[smem:$0x7F6] =	sst s8  }
0x49: {  	s31 =	simm.s32 $0x1;
	s12 =	smax.u32 s5, $0x1;
	[smem:$0x7F7] =	sst s9  }
0x4a: {  	s13 =	sadd.s32 $0x44BB0, s15;
	s20 =	sadd.s32 $0x640, s1;
	[smem:$0x7FA] =	sst s12  }
0x4b: {  	s1 =	sadd.s32 $0xC80, s1;
	s29 =	simm.s32 $0xC80;
	[smem:$0x7FB] =	sst s13  }
0x4c: {  	s5 =	simm.s32 $0x16440;
	s10 =	sadd.s32 s30, s3;
	[smem:$0x7FC] =	sst s20  }
0x4d: {  	s11 =	sadd.s32 $0x8976, s6;
	[smem:$0x7FD] =	sst s1;
	s6 =	simm.s32 $0x3  }
0x4e: {  	s20 =	simm.s32 $0x640;
	s30 =	simm.s32 $0x3E80;
	s3 =	simm.s32 $0x8FC0  }
0x4f: {  	s4 =	simm.s32 $0xC1C0;
	s7 =	simm.s32 $0x189C0;
	[smem:$0x7F8] =	sst s10  }
0x50: {  	v0 =	vlaneseq.u32;
	s1 =	simm.s32 $0x2;
	s9 =	simm.s32 $0x0;
	[smem:$0x7F9] =	sst s11  }
.LBB3_1:
0x51: {  	s2 =	sld [smem:$0x7FB];
	_ =	sdelay $0x1  }
0x52: {  	[smem:$0x7EF] =	sst s9  }
0x53: {  	s9 =	rddreg [dreg:$0x6];
	s10 =	sshrl.u32 @p0 s2, $0x3  }
0x54: {  	s2 =	simm.s32 @p0 $0x1FC3;
	[smem:$0x7F0] =	sst s10  }
0x55: {  	[spmem:s10], [sflag:s2] =	dma.local @p0 [hbm:s9], $0x906  }
0x56: {  	s2 =	simm.s32 @p0 $0x3  }
0x57: {  	s8 =	stileid.u32;
	_ =	swait.ge @p0 [sflag:s2], $0x906  }
0x58: {  	s8 =	sshll.u32 @!p0 s8, $0x6;
	[sflag:s2] =	ssyncset.done @p0 $0x0  }
0x59: {  	s8 =	sor.u32 @!p0 $0x1C03, s8;
	[sflag:s2] =	ssyncadd.s32 @p0 $0xFFFFF6FA;
	s2 =	rddreg [dreg:$0x11]  }
0x5a: {  	[smem:$0x7F1] =	sst s8;
	s2 =	sshrl.u32 @!p0 s2, $0x3  }
0x5b: {  	[smem:$0x7F2] =	sst s2  }
0x5c: {  	[spmem:s2], [sflag:s8] =	dma.local @!p0 [hbm:s9], $0x92A  }
0x5d: {  	s2 =	simm.s32 @!p0 $0x3  }
0x5e: {  	_ =	swait.ge @!p0 [sflag:s2], $0x92A  }
0x5f: {  	[sflag:s2] =	ssyncset.done @!p0 $0x0  }
0x60: {  	[sflag:s2] =	ssyncadd.s32 @!p0 $0xFFFFF6D6  }
0x61: {  	[bflag:$0x0] =	sbarrier.arrive $0xFFFF  }
0x62: {  	s12 =	rddreg [dreg:$0x12]  }
0x63: {  	[tilespmem:s14], [sflag:$0x3] =	stream.linear.gather [hbm4b:s12+s14], $0x640, $0x38;
	[tilespmem:$0x1F880] =	vst v63  }
0x64: {  	_ =	swait.ge [sflag:s6], $0x640  }
0x65: {  	[sflag:s6] =	ssyncset.done $0x0  }
0x66: {  	s13 =	rddreg [dreg:$0x13];
	[sflag:s6] =	ssyncadd.s32 $0xFFFFF9C0  }
0x67: {  	[tilespmem:s20], [sflag:$0x3] =	stream.linear.gather [hbm4b:s13+s14], $0x640, $0x38;
	[tilespmem:$0x1F880] =	vst v63  }
0x68: {  	_ =	swait.ge [sflag:s6], $0x640  }
0x69: {  	[sflag:s6] =	ssyncset.done $0x0  }
0x6a: {  	[sflag:s6] =	ssyncadd.s32 $0xFFFFF9C0  }
0x6b: {  	[tilespmem:s29], [sflag:$0x1] =	stream.indirect.gather [hbm4b:s0+s20], $0x8, s14, s20, $0xb8;
	[tilespmem:$0x1F880] =	vst v63  }
0x6c: {  	_ = 	snop  }
0x6d: {  	[tilespmem:s30], [sflag:$0x1] =	stream.indirect.gather [hbm4b:s0+s20], $0x8, s20, s20, $0xb8;
	[tilespmem:$0x1F880] =	vst v63  }
0x6e: {  	s9 =	simm.s32 $0x7080;
	s8 =	rddreg [dreg:$0x14]  }
0x6f: {  	[tilespmem:s9], [sflag:$0x1] =	stream.linear.gather [hbm4b:s8+s14], $0x640, $0x38;
	[tilespmem:$0x1F880] =	vst v63  }
0x70: {  	s11 =	simm.s32 $0x76C0;
	s10 =	rddreg [dreg:$0x15]  }
0x71: {  	[tilespmem:s11], [sflag:$0x1] =	stream.linear.gather [hbm4b:s10+s14], $0x640, $0x38;
	[tilespmem:$0x1F880] =	vst v63  }
0x72: {  	s2 =	simm.s32 $0x0;
	s13 =	simm.s32 $0x7D00;
	s12 =	rddreg [dreg:$0x16]  }
0x73: {  	[tilespmem:s13], [sflag:$0x1] =	stream.linear.gather [hbm4b:s12+s14], $0x640, $0x38;
	[tilespmem:$0x1F880] =	vst v63  }
.LBB3_2:
0x74: {  	_ =	swait.ge [sflag:s31], $0x3200  }
0x75: {  	[sflag:s31] =	ssyncset.done $0x0  }
0x76: {  	[sflag:s31] =	ssyncadd.s32 $0xFFFFCE00  }
0x77: {  	_ =	swait.ge [sflag:s31], $0x3200  }
0x78: {  	[sflag:s31] =	ssyncset.done $0x0  }
0x79: {  	[sflag:s31] =	ssyncadd.s32 $0xFFFFCE00  }
0x7a: {  	_ =	swait.ge [sflag:s31], $0x640  }
0x7b: {  	[sflag:s31] =	ssyncset.done $0x0  }
0x7c: {  	[sflag:s31] =	ssyncadd.s32 $0xFFFFF9C0  }
0x7d: {  	_ =	swait.ge [sflag:s31], $0x640  }
0x7e: {  	[sflag:s31] =	ssyncset.done $0x0  }
0x7f: {  	[sflag:s31] =	ssyncadd.s32 $0xFFFFF9C0  }
0x80: {  	_ =	swait.ge [sflag:s31], $0x640  }
0x81: {  	s8 =	sld [smem:$0x7FC]  }
0x82: {  	s9 =	smul.u32 $0xC80, s2;
	_ =	sdelay $0x1  }
0x83: {  	s8 =	sadd.s32 s9, s8  }
0x84: {  	s12 =	simm.s32 $0x0;
	[sflag:s31] =	ssyncset.done $0x0;
	s8 =	sshrl.u32 s8, $0x3  }
0x85: {  	s11 =	simm.s32 $0x8340;
	[sflag:s31] =	ssyncadd.s32 $0xFFFFF9C0;
	s10 =	sadd.s32 s19, s8  }
0x86: {  	[tilespmem:s11], [sflag:$0x3] =	stream.linear.gather [hbm4b:s10+s12], $0x640, $0x38;
	[tilespmem:$0x1F880] =	vst v63  }
0x87: {  	_ =	swait.ge [sflag:s6], $0x640  }
0x88: {  	[sflag:s6] =	ssyncset.done $0x0  }
0x89: {  	[sflag:s6] =	ssyncadd.s32 $0xFFFFF9C0  }
0x8a: {  	s13 =	smov.u32 s19;
	s19 =	rddreg [dreg:$0x2]  }
0x8b: {  	s10 =	sadd.s32 s19, s8;
	s19 =	simm.s32 $0x8980  }
0x8c: {  	[tilespmem:s19], [sflag:$0x3] =	stream.linear.gather [hbm4b:s10+s12], $0x640, $0x38;
	[tilespmem:$0x1F880] =	vst v63  }
0x8d: {  	_ =	swait.ge [sflag:s6], $0x640  }
0x8e: {  	[sflag:s6] =	ssyncset.done $0x0  }
0x8f: {  	[sflag:s6] =	ssyncadd.s32 $0xFFFFF9C0  }
0x90: {  	[tilespmem:s3], [sflag:$0x1] =	stream.indirect.gather [hbm4b:s0+s20], $0x8, s11, s20, $0xb8;
	[tilespmem:$0x1F880] =	vst v63  }
0x91: {  	s11 =	rddreg [dreg:$0x3]  }
0x92: {  	v1 =	vor.u32 s12, v0;
	[tilespmem:s4], [sflag:$0x1] =	stream.indirect.gather [hbm4b:s0+s20], $0x8, s19, s20, $0xb8;
	[tilespmem:$0x1F880] =	vst v63  }
0x93: {  	v2 =	vshll.u32 v1, $0x3;
	s10 =	sadd.s32 s11, s8;
	s11 =	rddreg [dreg:$0x4];
	s19 =	simm.s32 $0xF3C0  }
0x94: {  	v3 =	vor.u32 $0x4, v2;
	[tilespmem:s19], [sflag:$0x1] =	stream.linear.gather [hbm4b:s10+s12], $0x640, $0x38;
	[tilespmem:$0x1F880] =	vst v63  }
0x95: {  	v4 =	vor.u32 $0x3, v2;
	s10 =	sadd.s32 s11, s8;
	s19 =	simm.s32 $0xFA00;
	s11 =	rddreg [dreg:$0x5]  }
0x96: {  	[tilespmem:s19], [sflag:$0x1] =	stream.linear.gather [hbm4b:s10+s12], $0x640, $0x38;
	[tilespmem:$0x1F880] =	vst v63  }
0x97: {  	s10 =	sadd.s32 s11, s8;
	s19 =	simm.s32 $0x10040  }
0x98: {  	[tilespmem:s19], [sflag:$0x1] =	stream.linear.gather [hbm4b:s10+s12], $0x640, $0x38;
	[tilespmem:$0x1F880] =	vst v63  }
0x99: {  	v5 =	vld.idx.msk [tilespmem:v3+s30+$0x0], $0xffff  }
0x9a: {  	v6 =	vld.idx.msk [tilespmem:v4+s29+$0x0], $0xffff  }
0x9b: {  	v4 =	vld.idx.msk [tilespmem:v4+s30+$0x0], $0xffff  }
0x9c: {  	v3 =	vld.idx.msk [tilespmem:v3+s29+$0x0], $0xffff;
	_ =	sdelay $0x4  }
0x9d: {  	v13 =	vsub.f32 v4, v6;
	v14 =	vsub.f32 v5, v3;
	_ =	sdelay $0x1  }
0x9e: {  	v3 =	vmul.f32 v13, v13;
	v4 =	vmul.f32 v14, v14;
	_ =	sdelay $0x1  }
0x9f: {  	v5 =	vadd.f32 v4, v3;
	_ =	sdelay $0x1  }
0xa0: {  	v3 =	vshrl.u32 v5, $0x1;
	v7 =	vmul.f32 $5.000000000e-01, v5  }
0xa1: {  	v4 =	vsub.s32 $0x5F3759DF, v3  }
0xa2: {  	v3 =	vmul.f32 v4, v7  }
0xa3: {  	v6 =	vor.u32 $0x2, v2  }
0xa4: {  	v3 =	vmul.f32 v4, v3;
	_ =	sdelay $0x1  }
0xa5: {  	s10 =	simm.s32 $0x0;
	v8 =	vsub.f32 $1.500000000e+00, v3  }
0xa6: {  	v15 =	vld [tilespmem:s10+$0x7080]  }
0xa7: {  	v3 =	vld.idx.msk [tilespmem:v6+s30+$0x0], $0xffff;
	v8 =	vmul.f32 v4, v8  }
0xa8: {  	v6 =	vld.idx.msk [tilespmem:v6+s29+$0x0], $0xffff  }
0xa9: {  	v4 =	vld [tilespmem:s10+$0x76C0];
	v9 =	vmul.f32 v8, v7;
	_ =	sdelay $0x1  }
0xaa: {  	v9 =	vmul.f32 v9, v8;
	_ =	sdelay $0x1  }
0xab: {  	v9 =	vsub.f32 $1.500000000e+00, v9  }
0xac: {  	v17 =	vor.u32 $0x1, v2;
	v12 =	vadd.f32 v3, v6;
	v10 =	vmul.f32 v4, v15  }
0xad: {  	s19 =	simm.s32 $0x40;
	v11 =	vadd.f32 v6, v6;
	v4 =	vmul.f32 $4.000000000e+00, v6;
	v16 =	vmul.f32 v9, v8  }
.LBB3_3:
0xae: {  	p1 =	sne.s32 s19, $0x18C0  }
0xaf: {  	s12 =	sadd.s32 $0x10, s12;
	s11 =	smov.u32 s19;
	s19 =	sadd.s32 $0x40, s19  }
0xb0: {  	v18 =	vor.u32 s12, v0;
	v7 =	vmul.f32 v16, v7  }
0xb1: {  	v19 =	vshll.u32 v18, $0x3;
	v20 =	vld.idx.msk [tilespmem:v17+s30+$0x0], $0xffff  }
0xb2: {  	v9 =	vor.u32 $0x3, v19;
	v8 =	vor.u32 $0x4, v19;
	v21 =	vld [tilespmem:s10+$0x7D00];
	v22 =	vmul.f32 v7, v16  }
0xb3: {  	v7 =	vor.u32 $0x2, v19;
	v17 =	vld.idx.msk [tilespmem:v17+s29+$0x0], $0xffff  }
0xb4: {  	v23 =	vld.idx.msk [tilespmem:v2+s29+$0x0], $0xffff;
	v22 =	vsub.f32 $1.500000000e+00, v22  }
0xb5: {  	v24 =	vld.idx.msk [tilespmem:v2+s30+$0x0], $0xffff;
	v2 =	vmov v19  }
0xb6: {  	v16 =	vmul.f32 v22, v16  }
0xb7: {  	v19 =	vmul.f32 $4.000000000e+00, v3;
	v15 =	vmul.f32 v21, v15  }
0xb8: {  	v13 =	vmul.f32 v16, v13;
	v14 =	vmul.f32 v16, v14  }
0xb9: {  	v21 =	vmul.f32 v16, v16;
	v22 =	vmul.f32 v16, v15  }
0xba: {  	v25 =	vmul.f32 v13, v17;
	v26 =	vmul.f32 v14, v23  }
0xbb: {  	v27 =	vmul.f32 v13, v20;
	v28 =	vmul.f32 v14, v24  }
0xbc: {  	v15 =	vmul.f32 v21, v15;
	v23 =	vmul.f32 v13, v23;
	v25 =	vsub.f32 v25, v26  }
0xbd: {  	v17 =	vmul.f32 v14, v17;
	v24 =	vmul.f32 v13, v24;
	v26 =	vsub.f32 v27, v28  }
0xbe: {  	v11 =	vadd.f32 v19, v11;
	v20 =	vmul.f32 v14, v20;
	v12 =	vmul.f32 v15, v12;
	[tilespmem:s10+$0x13EC0] =	vst v3  }
0xbf: {  	v19 =	vmul.f32 v21, v22;
	v17 =	vadd.f32 v17, v23;
	v21 =	vsub.f32 v25, v26;
	[tilespmem:s10+$0x12C00] =	vst v6  }
0xc0: {  	v5 =	vmul.f32 v16, v5;
	v6 =	vmul.f32 v16, v10;
	v10 =	vadd.f32 v20, v24;
	[tilespmem:s10+$0x15E00] =	vst v14  }
0xc1: {  	v3 =	vadd.f32 v3, v3;
	v16 =	vmul.f32 v21, v19;
	v15 =	vmul.f32 v21, v15;
	[tilespmem:s10+$0x157C0] =	vst v13  }
0xc2: {  	v11 =	vmul.f32 v22, v11;
	v19 =	vsub.f32 v17, v10;
	[tilespmem:s10+$0x15180] =	vst v5  }
0xc3: {  	v12 =	vmul.f32 $6.000000000e+00, v12;
	v3 =	vadd.f32 v3, v4;
	v5 =	vmul.f32 $1.200000000e+01, v16;
	[tilespmem:s10+$0x125C0] =	vst v25  }
0xc4: {  	v4 =	vmul.f32 v19, v6;
	v6 =	vmul.f32 $6.000000000e+00, v15;
	[tilespmem:s10+$0x13240] =	vst v10  }
0xc5: {  	v3 =	vmul.f32 v22, v3;
	v10 =	vmul.u32 $0x3, v1;
	v5 =	vadd.f32 v5, v12;
	v1 =	vmovc v18;
	[tilespmem:s10+$0x13880] =	vst v26  }
0xc6: {  	v11 =	vadd.f32 v6, v11;
	v12 =	vmul.f32 v4, v13;
	v15 =	vmul.f32 v4, v14;
	[tilespmem:s10+$0x11F80] =	vst v17  }
0xc7: {  	v3 =	vadd.f32 v6, v3;
	v6 =	vmul.f32 v5, v14;
	v13 =	vmul.f32 v5, v13;
	[tilespmem:s10+$0x10680] =	vst v4  }
0xc8: {  	[tilespmem:s10+$0x11940] =	vst v11  }
0xc9: {  	v4 =	vsub.f32 v12, v6;
	v6 =	vadd.f32 v13, v15;
	v12 =	vadd.s32 $0x1, v10;
	[tilespmem:s10+$0x11300] =	vst v3  }
0xca: {  	[tilespmem:s10+$0x10CC0] =	vst v5;
	v5 =	vadd.s32 $0x2, v10  }
0xcb: {  	v14 =	vadd.s32 $0x12C0, v10;
	v13 =	vld [tilespmem:s10+$0x640];
	[tilespmem:s10+$0x14500] =	vst v4  }
0xcc: {  	v16 =	vadd.s32 $0x12C1, v10;
	v15 =	vld [tilespmem:s10+$0x0];
	[tilespmem:s10+$0x14B40] =	vst v6  }
0xcd: {  	v17 =	vadd.s32 $0x12C2, v10;
	[tilespmem:v10+s5+$0x0] =	vst.idx.msk $0xffff, v4  }
0xce: {  	v4 =	vsub.f32 $0.0e+00, v4;
	[tilespmem:v12+s5+$0x0] =	vst.idx.msk $0xffff, v6  }
0xcf: {  	[tilespmem:v5+s5+$0x0] =	vst.idx.msk $0xffff, v3;
	v3 =	vsub.f32 $0.0e+00, v6  }
0xd0: {  	[tilespmem:v14+s5+$0x0] =	vst.idx.msk $0xffff, v4  }
0xd1: {  	v4 =	vmul.u32 $0x3, v15;
	[tilespmem:v16+s5+$0x0] =	vst.idx.msk $0xffff, v3  }
0xd2: {  	[tilespmem:v17+s5+$0x0] =	vst.idx.msk $0xffff, v11  }
0xd3: {  	[tilespmem:v10+s7+$0x0] =	vst.idx.msk $0xffff, v4;
	v3 =	vadd.s32 $0x1, v4  }
0xd4: {  	v6 =	vmul.u32 $0x3, v13;
	[tilespmem:v12+s7+$0x0] =	vst.idx.msk $0xffff, v3;
	v3 =	vadd.s32 $0x2, v4  }
0xd5: {  	[tilespmem:v5+s7+$0x0] =	vst.idx.msk $0xffff, v3  }
0xd6: {  	v3 =	vadd.s32 $0x1, v6;
	[tilespmem:v14+s7+$0x0] =	vst.idx.msk $0xffff, v6  }
0xd7: {  	[tilespmem:v16+s7+$0x0] =	vst.idx.msk $0xffff, v3;
	v3 =	vadd.s32 $0x2, v6  }
0xd8: {  	s10 =	sshra.s32 s11, $0x2;
	[tilespmem:v17+s7+$0x0] =	vst.idx.msk $0xffff, v3;
	_ =	sdelay $0x2  }
0xd9: {  	v4 =	vld.idx.msk [tilespmem:v8+s30+$0x0], $0xffff  }
0xda: {  	v5 =	vld.idx.msk [tilespmem:v9+s29+$0x0], $0xffff  }
0xdb: {  	v9 =	vld.idx.msk [tilespmem:v9+s30+$0x0], $0xffff  }
0xdc: {  	v8 =	vld.idx.msk [tilespmem:v8+s29+$0x0], $0xffff;
	_ =	sdelay $0x1  }
0xdd: {  	v15 =	vld [tilespmem:s10+$0x7080]  }
0xde: {  	v3 =	vld.idx.msk [tilespmem:v7+s30+$0x0], $0xffff  }
0xdf: {  	v6 =	vld.idx.msk [tilespmem:v7+s29+$0x0], $0xffff  }
0xe0: {  	v13 =	vsub.f32 v9, v5;
	v7 =	vld [tilespmem:s10+$0x76C0]  }
0xe1: {  	v14 =	vsub.f32 v4, v8;
	_ =	sdelay $0x1  }
0xe2: {  	v4 =	vmul.f32 v13, v13;
	v5 =	vmul.f32 v14, v14;
	_ =	sdelay $0x1  }
0xe3: {  	v5 =	vadd.f32 v5, v4;
	v12 =	vadd.f32 v3, v6;
	v10 =	vmul.f32 v7, v15  }
0xe4: {  	v4 =	vmul.f32 $4.000000000e+00, v6;
	v11 =	vadd.f32 v6, v6  }
0xe5: {  	v8 =	vshrl.u32 v5, $0x1;
	v7 =	vmul.f32 $5.000000000e-01, v5  }
0xe6: {  	v8 =	vsub.s32 $0x5F3759DF, v8  }
0xe7: {  	v9 =	vmul.f32 v8, v7;
	_ =	sdelay $0x1  }
0xe8: {  	v9 =	vmul.f32 v8, v9;
	_ =	sdelay $0x1  }
0xe9: {  	v9 =	vsub.f32 $1.500000000e+00, v9;
	_ =	sdelay $0x1  }
0xea: {  	v8 =	vmul.f32 v8, v9;
	_ =	sdelay $0x1  }
0xeb: {  	v9 =	vmul.f32 v8, v7;
	_ =	sdelay $0x1  }
.Ltmp0:
0xec: {  	v9 =	vmul.f32 v9, v8;
	(pc) =	sbr.rel @p1 .LBB3_3-.Ltmp0, $3  }
0xed: {  	_ = 	snop  }
0xee: {  	v17 =	vor.u32 $0x1, v2;
	v9 =	vsub.f32 $1.500000000e+00, v9;
	_ =	sdelay $0x1  }
0xef: {  	v16 =	vmul.f32 v9, v8  }
0xf0: {  	_ = 	snop  }
0xf1: {  	v7 =	vmul.f32 v16, v7;
	_ =	sdelay $0x1  }
0xf2: {  	v8 =	vld [tilespmem:s10+$0x7D00];
	v7 =	vmul.f32 v7, v16  }
0xf3: {  	v9 =	vld.idx.msk [tilespmem:v17+s30+$0x0], $0xffff  }
0xf4: {  	v17 =	vld.idx.msk [tilespmem:v17+s29+$0x0], $0xffff;
	v7 =	vsub.f32 $1.500000000e+00, v7  }
0xf5: {  	v18 =	vld.idx.msk [tilespmem:v2+s29+$0x0], $0xffff  }
0xf6: {  	v2 =	vld.idx.msk [tilespmem:v2+s30+$0x0], $0xffff;
	v7 =	vmul.f32 v7, v16  }
0xf7: {  	v8 =	vmul.f32 v8, v15;
	v15 =	vmul.f32 $4.000000000e+00, v3  }
0xf8: {  	v13 =	vmul.f32 v7, v13;
	v14 =	vmul.f32 v7, v14  }
0xf9: {  	v16 =	vmul.f32 v7, v7;
	v19 =	vmul.f32 v7, v8  }
0xfa: {  	v20 =	vmul.f32 v13, v17;
	v21 =	vmul.f32 v14, v18  }
0xfb: {  	v22 =	vmul.f32 v13, v9;
	v23 =	vmul.f32 v14, v2  }
0xfc: {  	v5 =	vmul.f32 v7, v5;
	v8 =	vmul.f32 v16, v8  }
0xfd: {  	v18 =	vmul.f32 v13, v18;
	v20 =	vsub.f32 v20, v21;
	v63 =	vsub.f32 v22, v23  }
0xfe: {  	[tilespmem:s10+$0x13EC0] =	vst v3;
	v3 =	vadd.f32 v3, v3;
	v2 =	vmul.f32 v13, v2;
	v9 =	vmul.f32 v14, v9  }
0xff: {  	[tilespmem:s10+$0x12C00] =	vst v6;
	v17 =	vmul.f32 v14, v17;
	v16 =	vmul.f32 v16, v19;
	v22 =	vsub.f32 v20, v63  }
0x100: {  	v7 =	vmul.f32 v7, v10;
	[tilespmem:s10+$0x15E00] =	vst v14;
	v2 =	vadd.f32 v9, v2;
	v9 =	vadd.f32 v15, v11  }
0x101: {  	[tilespmem:s10+$0x157C0] =	vst v13;
	v12 =	vmul.f32 v8, v12;
	v6 =	vadd.f32 v17, v18;
	v11 =	vmul.f32 v22, v16  }
0x102: {  	v3 =	vadd.f32 v3, v4;
	[tilespmem:s10+$0x15180] =	vst v5;
	v5 =	vmul.f32 v19, v9;
	v8 =	vmul.f32 v22, v8  }
0x103: {  	v10 =	vsub.f32 v6, v2;
	[tilespmem:s10+$0x125C0] =	vst v20;
	v4 =	vmul.f32 $6.000000000e+00, v12;
	v9 =	vmul.f32 $1.200000000e+01, v11  }
0x104: {  	[tilespmem:s10+$0x13240] =	vst v2;
	v8 =	vmul.f32 $6.000000000e+00, v8  }
0x105: {  	[tilespmem:s10+$0x13880] =	vst v63;
	v2 =	vmul.f32 v10, v7;
	v4 =	vadd.f32 v9, v4  }
0x106: {  	v3 =	vmul.f32 v19, v3;
	[tilespmem:s10+$0x11F80] =	vst v6;
	v5 =	vadd.f32 v8, v5  }
0x107: {  	v1 =	vmul.u32 $0x3, v1;
	[tilespmem:s10+$0x10680] =	vst v2;
	v6 =	vmul.f32 v2, v13;
	v7 =	vmul.f32 v4, v14  }
0x108: {  	v2 =	vmul.f32 v2, v14;
	v3 =	vadd.f32 v8, v3;
	[tilespmem:s10+$0x11940] =	vst v5;
	v8 =	vmul.f32 v4, v13  }
0x109: {  	[tilespmem:s10+$0x10CC0] =	vst v4;
	v4 =	vadd.s32 $0x1, v1;
	v6 =	vsub.f32 v6, v7  }
0x10a: {  	[tilespmem:s10+$0x11300] =	vst v3;
	v2 =	vadd.f32 v8, v2;
	v8 =	vadd.s32 $0x2, v1  }
0x10b: {  	v9 =	vadd.s32 $0x12C0, v1;
	[tilespmem:s10+$0x14500] =	vst v6  }
0x10c: {  	v10 =	vld [tilespmem:s10+$0x0];
	v11 =	vadd.s32 $0x12C1, v1;
	[tilespmem:s10+$0x14B40] =	vst v2  }
0x10d: {  	v12 =	vadd.s32 $0x12C2, v1;
	v7 =	vld [tilespmem:s10+$0x640];
	[tilespmem:v1+s5+$0x0] =	vst.idx.msk $0xffff, v6  }
0x10e: {  	v6 =	vsub.f32 $0.0e+00, v6;
	[tilespmem:v4+s5+$0x0] =	vst.idx.msk $0xffff, v2  }
0x10f: {  	v2 =	vsub.f32 $0.0e+00, v2;
	[tilespmem:v8+s5+$0x0] =	vst.idx.msk $0xffff, v3  }
0x110: {  	[tilespmem:v9+s5+$0x0] =	vst.idx.msk $0xffff, v6  }
0x111: {  	v3 =	vmul.u32 $0x3, v10;
	[tilespmem:v11+s5+$0x0] =	vst.idx.msk $0xffff, v2  }
0x112: {  	[tilespmem:v12+s5+$0x0] =	vst.idx.msk $0xffff, v5  }
0x113: {  	[tilespmem:v1+s7+$0x0] =	vst.idx.msk $0xffff, v3;
	v1 =	vadd.s32 $0x1, v3  }
0x114: {  	v2 =	vmul.u32 $0x3, v7;
	[tilespmem:v4+s7+$0x0] =	vst.idx.msk $0xffff, v1;
	v1 =	vadd.s32 $0x2, v3  }
0x115: {  	s12 =	rddreg [dreg:$0xf];
	[tilespmem:v8+s7+$0x0] =	vst.idx.msk $0xffff, v1  }
0x116: {  	s10 =	sadd.s32 s12, s9;
	v1 =	vadd.s32 $0x1, v2;
	[tilespmem:v9+s7+$0x0] =	vst.idx.msk $0xffff, v2  }
0x117: {  	s11 =	sshrl.u32 s10, $0x3;
	[tilespmem:v11+s7+$0x0] =	vst.idx.msk $0xffff, v1;
	v1 =	vadd.s32 $0x2, v2  }
0x118: {  	s19 =	simm.s32 $0x10680;
	s10 =	simm.s32 $0x0;
	s12 =	sadd.s32 s16, s11;
	[tilespmem:v12+s7+$0x0] =	vst.idx.msk $0xffff, v1  }
0x119: {  	[hbm4b:s12+s10] =	stream.linear.scatter [tilespmem:s19], [sflag:$0x2], $0x640, $0x38;
	[tilespmem:$0x1F880] =	vst v63  }
0x11a: {  	s12 =	sadd.s32 s17, s11;
	s19 =	simm.s32 $0x10CC0  }
0x11b: {  	[hbm4b:s12+s10] =	stream.linear.scatter [tilespmem:s19], [sflag:$0x2], $0x640, $0x38;
	[tilespmem:$0x1F880] =	vst v63  }
0x11c: {  	s19 =	rddreg [dreg:$0x9]  }
0x11d: {  	s12 =	sadd.s32 s19, s11;
	s19 =	simm.s32 $0x11300  }
0x11e: {  	[hbm4b:s12+s10] =	stream.linear.scatter [tilespmem:s19], [sflag:$0x2], $0x640, $0x38;
	[tilespmem:$0x1F880] =	vst v63  }
0x11f: {  	s19 =	rddreg [dreg:$0xa]  }
0x120: {  	s12 =	sadd.s32 s19, s11;
	s19 =	simm.s32 $0x11940  }
0x121: {  	[hbm4b:s12+s10] =	stream.linear.scatter [tilespmem:s19], [sflag:$0x2], $0x640, $0x38;
	[tilespmem:$0x1F880] =	vst v63  }
0x122: {  	s12 =	sadd.s32 s18, s11;
	s19 =	simm.s32 $0x11F80  }
0x123: {  	[hbm4b:s12+s10] =	stream.linear.scatter [tilespmem:s19], [sflag:$0x2], $0x640, $0x38;
	[tilespmem:$0x1F880] =	vst v63  }
0x124: {  	s12 =	sadd.s32 s21, s11;
	s19 =	simm.s32 $0x125C0  }
0x125: {  	[hbm4b:s12+s10] =	stream.linear.scatter [tilespmem:s19], [sflag:$0x2], $0x640, $0x38;
	[tilespmem:$0x1F880] =	vst v63  }
0x126: {  	s12 =	sadd.s32 s22, s11;
	s19 =	simm.s32 $0x12C00  }
0x127: {  	[hbm4b:s12+s10] =	stream.linear.scatter [tilespmem:s19], [sflag:$0x2], $0x640, $0x38;
	[tilespmem:$0x1F880] =	vst v63  }
0x128: {  	s12 =	sadd.s32 s23, s11;
	s19 =	simm.s32 $0x13240  }
0x129: {  	[hbm4b:s12+s10] =	stream.linear.scatter [tilespmem:s19], [sflag:$0x2], $0x640, $0x38;
	[tilespmem:$0x1F880] =	vst v63  }
0x12a: {  	s12 =	sadd.s32 s24, s11;
	s19 =	simm.s32 $0x13880  }
0x12b: {  	[hbm4b:s12+s10] =	stream.linear.scatter [tilespmem:s19], [sflag:$0x2], $0x640, $0x38;
	[tilespmem:$0x1F880] =	vst v63  }
0x12c: {  	s12 =	sadd.s32 s25, s11;
	s19 =	simm.s32 $0x13EC0  }
0x12d: {  	[hbm4b:s12+s10] =	stream.linear.scatter [tilespmem:s19], [sflag:$0x2], $0x640, $0x38;
	[tilespmem:$0x1F880] =	vst v63  }
0x12e: {  	s12 =	sadd.s32 s26, s11;
	s19 =	simm.s32 $0x14500  }
0x12f: {  	[hbm4b:s12+s10] =	stream.linear.scatter [tilespmem:s19], [sflag:$0x2], $0x640, $0x38;
	[tilespmem:$0x1F880] =	vst v63  }
0x130: {  	s12 =	sadd.s32 s28, s11;
	s19 =	simm.s32 $0x14B40  }
0x131: {  	[hbm4b:s12+s10] =	stream.linear.scatter [tilespmem:s19], [sflag:$0x2], $0x640, $0x38;
	[tilespmem:$0x1F880] =	vst v63  }
0x132: {  	s19 =	rddreg [dreg:$0xb]  }
0x133: {  	s12 =	sadd.s32 s19, s11;
	s19 =	simm.s32 $0x15180  }
0x134: {  	[hbm4b:s12+s10] =	stream.linear.scatter [tilespmem:s19], [sflag:$0x2], $0x640, $0x38;
	[tilespmem:$0x1F880] =	vst v63  }
0x135: {  	s19 =	rddreg [dreg:$0xc]  }
0x136: {  	s12 =	sadd.s32 s19, s11;
	s19 =	simm.s32 $0x157C0  }
0x137: {  	[hbm4b:s12+s10] =	stream.linear.scatter [tilespmem:s19], [sflag:$0x2], $0x640, $0x38;
	[tilespmem:$0x1F880] =	vst v63  }
0x138: {  	s19 =	rddreg [dreg:$0xd]  }
0x139: {  	s11 =	sadd.s32 s19, s11;
	s19 =	simm.s32 $0x15E00  }
0x13a: {  	[hbm4b:s11+s10] =	stream.linear.scatter [tilespmem:s19], [sflag:$0x2], $0x640, $0x38;
	[tilespmem:$0x1F880] =	vst v63  }
0x13b: {  	s12 =	simm.s32 $0x2580  }
0x13c: {  	[spmem:s15] =	stream.indirect.scatter.add.f32 [tilespmem:s5], [sflag:$0x3], $0x1, s7, s12, $0xb8;
	[tilespmem:$0x1F880] =	vst v63  }
0x13d: {  	_ =	swait.ge [sflag:s6], $0x2580  }
0x13e: {  	[sflag:s6] =	ssyncset.done $0x0  }
0x13f: {  	[sflag:s6] =	ssyncadd.s32 $0xFFFFDA80  }
0x140: {  	_ =	swait.ge [sflag:s1], $0x640  }
0x141: {  	[sflag:s1] =	ssyncset.done $0x0  }
0x142: {  	[sflag:s1] =	ssyncadd.s32 $0xFFFFF9C0  }
0x143: {  	_ =	swait.ge [sflag:s1], $0x640  }
0x144: {  	[sflag:s1] =	ssyncset.done $0x0  }
0x145: {  	[sflag:s1] =	ssyncadd.s32 $0xFFFFF9C0  }
0x146: {  	_ =	swait.ge [sflag:s1], $0x640  }
0x147: {  	[sflag:s1] =	ssyncset.done $0x0  }
0x148: {  	[sflag:s1] =	ssyncadd.s32 $0xFFFFF9C0  }
0x149: {  	_ =	swait.ge [sflag:s1], $0x640  }
0x14a: {  	[sflag:s1] =	ssyncset.done $0x0  }
0x14b: {  	[sflag:s1] =	ssyncadd.s32 $0xFFFFF9C0  }
0x14c: {  	_ =	swait.ge [sflag:s1], $0x640  }
0x14d: {  	[sflag:s1] =	ssyncset.done $0x0  }
0x14e: {  	[sflag:s1] =	ssyncadd.s32 $0xFFFFF9C0  }
0x14f: {  	_ =	swait.ge [sflag:s1], $0x640  }
0x150: {  	[sflag:s1] =	ssyncset.done $0x0  }
0x151: {  	[sflag:s1] =	ssyncadd.s32 $0xFFFFF9C0  }
0x152: {  	_ =	swait.ge [sflag:s1], $0x640  }
0x153: {  	[sflag:s1] =	ssyncset.done $0x0  }
0x154: {  	[sflag:s1] =	ssyncadd.s32 $0xFFFFF9C0  }
0x155: {  	_ =	swait.ge [sflag:s1], $0x640  }
0x156: {  	[sflag:s1] =	ssyncset.done $0x0  }
0x157: {  	[sflag:s1] =	ssyncadd.s32 $0xFFFFF9C0  }
0x158: {  	_ =	swait.ge [sflag:s1], $0x640  }
0x159: {  	[sflag:s1] =	ssyncset.done $0x0  }
0x15a: {  	[sflag:s1] =	ssyncadd.s32 $0xFFFFF9C0  }
0x15b: {  	_ =	swait.ge [sflag:s1], $0x640  }
0x15c: {  	[sflag:s1] =	ssyncset.done $0x0  }
0x15d: {  	[sflag:s1] =	ssyncadd.s32 $0xFFFFF9C0  }
0x15e: {  	_ =	swait.ge [sflag:s1], $0x640  }
0x15f: {  	[sflag:s1] =	ssyncset.done $0x0  }
0x160: {  	[sflag:s1] =	ssyncadd.s32 $0xFFFFF9C0  }
0x161: {  	_ =	swait.ge [sflag:s1], $0x640  }
0x162: {  	[sflag:s1] =	ssyncset.done $0x0  }
0x163: {  	[sflag:s1] =	ssyncadd.s32 $0xFFFFF9C0  }
0x164: {  	_ =	swait.ge [sflag:s1], $0x640  }
0x165: {  	[sflag:s1] =	ssyncset.done $0x0  }
0x166: {  	[sflag:s1] =	ssyncadd.s32 $0xFFFFF9C0  }
0x167: {  	_ =	swait.ge [sflag:s1], $0x640  }
0x168: {  	[sflag:s1] =	ssyncset.done $0x0  }
0x169: {  	[sflag:s1] =	ssyncadd.s32 $0xFFFFF9C0  }
0x16a: {  	_ =	swait.ge [sflag:s1], $0x640  }
0x16b: {  	[sflag:s1] =	ssyncset.done $0x0  }
0x16c: {  	[sflag:s1] =	ssyncadd.s32 $0xFFFFF9C0  }
0x16d: {  	_ =	swait.ge [sflag:s31], $0x3200  }
0x16e: {  	[sflag:s31] =	ssyncset.done $0x0  }
0x16f: {  	[sflag:s31] =	ssyncadd.s32 $0xFFFFCE00  }
0x170: {  	_ =	swait.ge [sflag:s31], $0x3200  }
0x171: {  	[sflag:s31] =	ssyncset.done $0x0  }
0x172: {  	[sflag:s31] =	ssyncadd.s32 $0xFFFFCE00  }
0x173: {  	_ =	swait.ge [sflag:s31], $0x640  }
0x174: {  	[sflag:s31] =	ssyncset.done $0x0  }
0x175: {  	[sflag:s31] =	ssyncadd.s32 $0xFFFFF9C0  }
0x176: {  	_ =	swait.ge [sflag:s31], $0x640  }
0x177: {  	[sflag:s31] =	ssyncset.done $0x0  }
0x178: {  	[sflag:s31] =	ssyncadd.s32 $0xFFFFF9C0  }
0x179: {  	_ =	swait.ge [sflag:s31], $0x640  }
0x17a: {  	s19 =	sld [smem:$0x7FD];
	_ =	sdelay $0x2  }
0x17b: {  	s11 =	sadd.s32 s9, s19  }
0x17c: {  	[sflag:s31] =	ssyncset.done $0x0;
	s9 =	sshrl.u32 s11, $0x3  }
0x17d: {  	[sflag:s31] =	ssyncadd.s32 $0xFFFFF9C0;
	s12 =	sadd.s32 s13, s9  }
0x17e: {  	[tilespmem:s10], [sflag:$0x3] =	stream.linear.gather [hbm4b:s12+s10], $0x640, $0x38;
	[tilespmem:$0x1F880] =	vst v63  }
0x17f: {  	_ =	swait.ge [sflag:s6], $0x640  }
0x180: {  	[sflag:s6] =	ssyncset.done $0x0  }
0x181: {  	[sflag:s6] =	ssyncadd.s32 $0xFFFFF9C0  }
0x182: {  	s19 =	smov.u32 s13;
	s13 =	rddreg [dreg:$0x2]  }
0x183: {  	s11 =	sadd.s32 s13, s9  }
0x184: {  	[tilespmem:s20], [sflag:$0x3] =	stream.linear.gather [hbm4b:s11+s10], $0x640, $0x38;
	[tilespmem:$0x1F880] =	vst v63  }
0x185: {  	_ =	swait.ge [sflag:s6], $0x640  }
0x186: {  	[sflag:s6] =	ssyncset.done $0x0  }
0x187: {  	[sflag:s6] =	ssyncadd.s32 $0xFFFFF9C0  }
0x188: {  	[tilespmem:s29], [sflag:$0x1] =	stream.indirect.gather [hbm4b:s0+s20], $0x8, s10, s20, $0xb8;
	[tilespmem:$0x1F880] =	vst v63  }
0x189: {  	s12 =	rddreg [dreg:$0x3]  }
0x18a: {  	v1 =	vor.u32 s10, v0;
	[tilespmem:s30], [sflag:$0x1] =	stream.indirect.gather [hbm4b:s0+s20], $0x8, s20, s20, $0xb8;
	[tilespmem:$0x1F880] =	vst v63  }
0x18b: {  	v2 =	vshll.u32 v1, $0x3;
	s13 =	simm.s32 $0x7080;
	s11 =	sadd.s32 s12, s9;
	s12 =	rddreg [dreg:$0x4]  }
0x18c: {  	v3 =	vor.u32 $0x4, v2;
	[tilespmem:s13], [sflag:$0x1] =	stream.linear.gather [hbm4b:s11+s10], $0x640, $0x38;
	[tilespmem:$0x1F880] =	vst v63  }
0x18d: {  	v4 =	vor.u32 $0x3, v2;
	s11 =	sadd.s32 s12, s9;
	s13 =	simm.s32 $0x76C0;
	s12 =	rddreg [dreg:$0x5]  }
0x18e: {  	[tilespmem:s13], [sflag:$0x1] =	stream.linear.gather [hbm4b:s11+s10], $0x640, $0x38;
	[tilespmem:$0x1F880] =	vst v63  }
0x18f: {  	s9 =	sadd.s32 s12, s9;
	s13 =	simm.s32 $0x7D00  }
0x190: {  	[tilespmem:s13], [sflag:$0x1] =	stream.linear.gather [hbm4b:s9+s10], $0x640, $0x38;
	[tilespmem:$0x1F880] =	vst v63  }
0x191: {  	v5 =	vld.idx.msk [tilespmem:v3+s4+$0x0], $0xffff  }
0x192: {  	v6 =	vld.idx.msk [tilespmem:v4+s3+$0x0], $0xffff  }
0x193: {  	v4 =	vld.idx.msk [tilespmem:v4+s4+$0x0], $0xffff  }
0x194: {  	v3 =	vld.idx.msk [tilespmem:v3+s3+$0x0], $0xffff;
	_ =	sdelay $0x4  }
0x195: {  	v13 =	vsub.f32 v4, v6;
	v14 =	vsub.f32 v5, v3;
	_ =	sdelay $0x1  }
0x196: {  	v3 =	vmul.f32 v13, v13;
	v4 =	vmul.f32 v14, v14;
	_ =	sdelay $0x1  }
0x197: {  	v5 =	vadd.f32 v4, v3;
	_ =	sdelay $0x1  }
0x198: {  	v3 =	vshrl.u32 v5, $0x1;
	v7 =	vmul.f32 $5.000000000e-01, v5  }
0x199: {  	v4 =	vsub.s32 $0x5F3759DF, v3  }
0x19a: {  	v3 =	vmul.f32 v4, v7  }
0x19b: {  	v6 =	vor.u32 $0x2, v2  }
0x19c: {  	v3 =	vmul.f32 v4, v3;
	_ =	sdelay $0x1  }
0x19d: {  	s9 =	simm.s32 $0x0;
	v8 =	vsub.f32 $1.500000000e+00, v3  }
0x19e: {  	v15 =	vld [tilespmem:s9+$0xF3C0]  }
0x19f: {  	v3 =	vld.idx.msk [tilespmem:v6+s4+$0x0], $0xffff;
	v8 =	vmul.f32 v4, v8  }
0x1a0: {  	v6 =	vld.idx.msk [tilespmem:v6+s3+$0x0], $0xffff  }
0x1a1: {  	v4 =	vld [tilespmem:s9+$0xFA00];
	v9 =	vmul.f32 v8, v7;
	_ =	sdelay $0x1  }
0x1a2: {  	v9 =	vmul.f32 v9, v8;
	_ =	sdelay $0x1  }
0x1a3: {  	v9 =	vsub.f32 $1.500000000e+00, v9  }
0x1a4: {  	v17 =	vor.u32 $0x1, v2;
	v12 =	vadd.f32 v3, v6;
	v10 =	vmul.f32 v4, v15  }
0x1a5: {  	s12 =	simm.s32 $0x40;
	v11 =	vadd.f32 v6, v6;
	v4 =	vmul.f32 $4.000000000e+00, v6;
	v16 =	vmul.f32 v9, v8  }
.LBB3_5:
0x1a6: {  	p1 =	sne.s32 s12, $0x18C0  }
0x1a7: {  	s10 =	sadd.s32 $0x10, s10;
	s11 =	smov.u32 s12;
	s12 =	sadd.s32 $0x40, s12  }
0x1a8: {  	v18 =	vor.u32 s10, v0;
	v7 =	vmul.f32 v16, v7  }
0x1a9: {  	v19 =	vshll.u32 v18, $0x3;
	v20 =	vld.idx.msk [tilespmem:v17+s4+$0x0], $0xffff  }
0x1aa: {  	v9 =	vor.u32 $0x3, v19;
	v8 =	vor.u32 $0x4, v19;
	v21 =	vld [tilespmem:s9+$0x10040];
	v22 =	vmul.f32 v7, v16  }
0x1ab: {  	v7 =	vor.u32 $0x2, v19;
	v17 =	vld.idx.msk [tilespmem:v17+s3+$0x0], $0xffff  }
0x1ac: {  	v23 =	vld.idx.msk [tilespmem:v2+s3+$0x0], $0xffff;
	v22 =	vsub.f32 $1.500000000e+00, v22  }
0x1ad: {  	v24 =	vld.idx.msk [tilespmem:v2+s4+$0x0], $0xffff;
	v2 =	vmov v19  }
0x1ae: {  	v16 =	vmul.f32 v22, v16  }
0x1af: {  	v19 =	vmul.f32 $4.000000000e+00, v3;
	v15 =	vmul.f32 v21, v15  }
0x1b0: {  	v13 =	vmul.f32 v16, v13;
	v14 =	vmul.f32 v16, v14  }
0x1b1: {  	v21 =	vmul.f32 v16, v16;
	v22 =	vmul.f32 v16, v15  }
0x1b2: {  	v25 =	vmul.f32 v13, v17;
	v26 =	vmul.f32 v14, v23  }
0x1b3: {  	v27 =	vmul.f32 v13, v20;
	v28 =	vmul.f32 v14, v24  }
0x1b4: {  	v15 =	vmul.f32 v21, v15;
	v23 =	vmul.f32 v13, v23;
	v25 =	vsub.f32 v25, v26  }
0x1b5: {  	v17 =	vmul.f32 v14, v17;
	v24 =	vmul.f32 v13, v24;
	v26 =	vsub.f32 v27, v28  }
0x1b6: {  	v11 =	vadd.f32 v19, v11;
	v20 =	vmul.f32 v14, v20;
	v12 =	vmul.f32 v15, v12;
	[tilespmem:s9+$0x13EC0] =	vst v3  }
0x1b7: {  	v19 =	vmul.f32 v21, v22;
	v17 =	vadd.f32 v17, v23;
	v21 =	vsub.f32 v25, v26;
	[tilespmem:s9+$0x12C00] =	vst v6  }
0x1b8: {  	v5 =	vmul.f32 v16, v5;
	v6 =	vmul.f32 v16, v10;
	v10 =	vadd.f32 v20, v24;
	[tilespmem:s9+$0x15E00] =	vst v14  }
0x1b9: {  	v3 =	vadd.f32 v3, v3;
	v16 =	vmul.f32 v21, v19;
	v15 =	vmul.f32 v21, v15;
	[tilespmem:s9+$0x157C0] =	vst v13  }
0x1ba: {  	v11 =	vmul.f32 v22, v11;
	v19 =	vsub.f32 v17, v10;
	[tilespmem:s9+$0x15180] =	vst v5  }
0x1bb: {  	v12 =	vmul.f32 $6.000000000e+00, v12;
	v3 =	vadd.f32 v3, v4;
	v5 =	vmul.f32 $1.200000000e+01, v16;
	[tilespmem:s9+$0x125C0] =	vst v25  }
0x1bc: {  	v4 =	vmul.f32 v19, v6;
	v6 =	vmul.f32 $6.000000000e+00, v15;
	[tilespmem:s9+$0x13240] =	vst v10  }
0x1bd: {  	v3 =	vmul.f32 v22, v3;
	v10 =	vmul.u32 $0x3, v1;
	v5 =	vadd.f32 v5, v12;
	v1 =	vmovc v18;
	[tilespmem:s9+$0x13880] =	vst v26  }
0x1be: {  	v11 =	vadd.f32 v6, v11;
	v12 =	vmul.f32 v4, v13;
	v15 =	vmul.f32 v4, v14;
	[tilespmem:s9+$0x11F80] =	vst v17  }
0x1bf: {  	v3 =	vadd.f32 v6, v3;
	v6 =	vmul.f32 v5, v14;
	v13 =	vmul.f32 v5, v13;
	[tilespmem:s9+$0x10680] =	vst v4  }
0x1c0: {  	[tilespmem:s9+$0x11940] =	vst v11  }
0x1c1: {  	v4 =	vsub.f32 v12, v6;
	v6 =	vadd.f32 v13, v15;
	v12 =	vadd.s32 $0x1, v10;
	[tilespmem:s9+$0x11300] =	vst v3  }
0x1c2: {  	[tilespmem:s9+$0x10CC0] =	vst v5;
	v5 =	vadd.s32 $0x2, v10  }
0x1c3: {  	v14 =	vadd.s32 $0x12C0, v10;
	v13 =	vld [tilespmem:s9+$0x8980];
	[tilespmem:s9+$0x14500] =	vst v4  }
0x1c4: {  	v16 =	vadd.s32 $0x12C1, v10;
	v15 =	vld [tilespmem:s9+$0x8340];
	[tilespmem:s9+$0x14B40] =	vst v6  }
0x1c5: {  	v17 =	vadd.s32 $0x12C2, v10;
	[tilespmem:v10+s5+$0x0] =	vst.idx.msk $0xffff, v4  }
0x1c6: {  	v4 =	vsub.f32 $0.0e+00, v4;
	[tilespmem:v12+s5+$0x0] =	vst.idx.msk $0xffff, v6  }
0x1c7: {  	[tilespmem:v5+s5+$0x0] =	vst.idx.msk $0xffff, v3;
	v3 =	vsub.f32 $0.0e+00, v6  }
0x1c8: {  	[tilespmem:v14+s5+$0x0] =	vst.idx.msk $0xffff, v4  }
0x1c9: {  	v4 =	vmul.u32 $0x3, v15;
	[tilespmem:v16+s5+$0x0] =	vst.idx.msk $0xffff, v3  }
0x1ca: {  	[tilespmem:v17+s5+$0x0] =	vst.idx.msk $0xffff, v11  }
0x1cb: {  	[tilespmem:v10+s7+$0x0] =	vst.idx.msk $0xffff, v4;
	v3 =	vadd.s32 $0x1, v4  }
0x1cc: {  	v6 =	vmul.u32 $0x3, v13;
	[tilespmem:v12+s7+$0x0] =	vst.idx.msk $0xffff, v3;
	v3 =	vadd.s32 $0x2, v4  }
0x1cd: {  	[tilespmem:v5+s7+$0x0] =	vst.idx.msk $0xffff, v3  }
0x1ce: {  	v3 =	vadd.s32 $0x1, v6;
	[tilespmem:v14+s7+$0x0] =	vst.idx.msk $0xffff, v6  }
0x1cf: {  	[tilespmem:v16+s7+$0x0] =	vst.idx.msk $0xffff, v3;
	v3 =	vadd.s32 $0x2, v6  }
0x1d0: {  	s9 =	sshra.s32 s11, $0x2;
	[tilespmem:v17+s7+$0x0] =	vst.idx.msk $0xffff, v3;
	_ =	sdelay $0x2  }
0x1d1: {  	v4 =	vld.idx.msk [tilespmem:v8+s4+$0x0], $0xffff  }
0x1d2: {  	v5 =	vld.idx.msk [tilespmem:v9+s3+$0x0], $0xffff  }
0x1d3: {  	v9 =	vld.idx.msk [tilespmem:v9+s4+$0x0], $0xffff  }
0x1d4: {  	v8 =	vld.idx.msk [tilespmem:v8+s3+$0x0], $0xffff;
	_ =	sdelay $0x1  }
0x1d5: {  	v15 =	vld [tilespmem:s9+$0xF3C0]  }
0x1d6: {  	v3 =	vld.idx.msk [tilespmem:v7+s4+$0x0], $0xffff  }
0x1d7: {  	v6 =	vld.idx.msk [tilespmem:v7+s3+$0x0], $0xffff  }
0x1d8: {  	v13 =	vsub.f32 v9, v5;
	v7 =	vld [tilespmem:s9+$0xFA00]  }
0x1d9: {  	v14 =	vsub.f32 v4, v8;
	_ =	sdelay $0x1  }
0x1da: {  	v4 =	vmul.f32 v13, v13;
	v5 =	vmul.f32 v14, v14;
	_ =	sdelay $0x1  }
0x1db: {  	v5 =	vadd.f32 v5, v4;
	v12 =	vadd.f32 v3, v6;
	v10 =	vmul.f32 v7, v15  }
0x1dc: {  	v4 =	vmul.f32 $4.000000000e+00, v6;
	v11 =	vadd.f32 v6, v6  }
0x1dd: {  	v8 =	vshrl.u32 v5, $0x1;
	v7 =	vmul.f32 $5.000000000e-01, v5  }
0x1de: {  	v8 =	vsub.s32 $0x5F3759DF, v8  }
0x1df: {  	v9 =	vmul.f32 v8, v7;
	_ =	sdelay $0x1  }
0x1e0: {  	v9 =	vmul.f32 v8, v9;
	_ =	sdelay $0x1  }
0x1e1: {  	v9 =	vsub.f32 $1.500000000e+00, v9;
	_ =	sdelay $0x1  }
0x1e2: {  	v8 =	vmul.f32 v8, v9;
	_ =	sdelay $0x1  }
0x1e3: {  	v9 =	vmul.f32 v8, v7;
	_ =	sdelay $0x1  }
.Ltmp1:
0x1e4: {  	v9 =	vmul.f32 v9, v8;
	(pc) =	sbr.rel @p1 .LBB3_5-.Ltmp1, $3  }
0x1e5: {  	_ = 	snop  }
0x1e6: {  	v17 =	vor.u32 $0x1, v2;
	v9 =	vsub.f32 $1.500000000e+00, v9;
	_ =	sdelay $0x1  }
0x1e7: {  	v16 =	vmul.f32 v9, v8  }
0x1e8: {  	_ = 	snop  }
0x1e9: {  	v7 =	vmul.f32 v16, v7;
	_ =	sdelay $0x1  }
0x1ea: {  	v8 =	vld [tilespmem:s9+$0x10040];
	v7 =	vmul.f32 v7, v16  }
0x1eb: {  	v9 =	vld.idx.msk [tilespmem:v17+s4+$0x0], $0xffff  }
0x1ec: {  	v44 =	vld.idx.msk [tilespmem:v17+s3+$0x0], $0xffff;
	v7 =	vsub.f32 $1.500000000e+00, v7  }
0x1ed: {  	v18 =	vld.idx.msk [tilespmem:v2+s3+$0x0], $0xffff  }
0x1ee: {  	v2 =	vld.idx.msk [tilespmem:v2+s4+$0x0], $0xffff;
	v7 =	vmul.f32 v7, v16  }
0x1ef: {  	v45 =	vmul.f32 $4.000000000e+00, v3  }
0x1f0: {  	v13 =	vmul.f32 v7, v13;
	v14 =	vmul.f32 v7, v14  }
0x1f1: {  	v8 =	vmul.f32 v8, v15;
	v16 =	vmul.f32 v7, v7  }
0x1f2: {  	v20 =	vmul.f32 v13, v44;
	v21 =	vmul.f32 v14, v18  }
0x1f3: {  	v22 =	vmul.f32 v13, v9;
	v23 =	vmul.f32 v14, v2  }
0x1f4: {  	v19 =	vmul.f32 v7, v8;
	v8 =	vmul.f32 v16, v8  }
0x1f5: {  	v18 =	vmul.f32 v13, v18;
	v20 =	vsub.f32 v20, v21;
	v46 =	vsub.f32 v22, v23  }
0x1f6: {  	[tilespmem:s9+$0x13EC0] =	vst v3;
	v3 =	vadd.f32 v3, v3;
	v17 =	vmul.f32 v14, v44;
	v2 =	vmul.f32 v13, v2  }
0x1f7: {  	[tilespmem:s9+$0x12C00] =	vst v6;
	v9 =	vmul.f32 v14, v9;
	v16 =	vmul.f32 v16, v19;
	v22 =	vsub.f32 v20, v46  }
0x1f8: {  	v48 =	vadd.f32 v45, v11;
	v5 =	vmul.f32 v7, v5;
	[tilespmem:s9+$0x15E00] =	vst v14;
	v12 =	vmul.f32 v8, v12  }
0x1f9: {  	[tilespmem:s9+$0x157C0] =	vst v13;
	v47 =	vadd.f32 v17, v18;
	v2 =	vadd.f32 v9, v2;
	v49 =	vmul.f32 v22, v16  }
0x1fa: {  	v3 =	vadd.f32 v3, v4;
	v7 =	vmul.f32 v7, v10;
	[tilespmem:s9+$0x15180] =	vst v5;
	v8 =	vmul.f32 v22, v8  }
0x1fb: {  	v50 =	vsub.f32 v47, v2;
	[tilespmem:s9+$0x125C0] =	vst v20;
	v53 =	vmul.f32 $6.000000000e+00, v12;
	v52 =	vmul.f32 $1.200000000e+01, v49  }
0x1fc: {  	v51 =	vmul.f32 v19, v48;
	[tilespmem:s9+$0x13240] =	vst v2;
	v8 =	vmul.f32 $6.000000000e+00, v8  }
0x1fd: {  	v3 =	vmul.f32 v19, v3;
	[tilespmem:s9+$0x13880] =	vst v46;
	v2 =	vmul.f32 v50, v7;
	v4 =	vadd.f32 v52, v53  }
0x1fe: {  	v1 =	vmul.u32 $0x3, v1;
	[tilespmem:s9+$0x11F80] =	vst v47;
	v5 =	vadd.f32 v8, v51  }
0x1ff: {  	[tilespmem:s9+$0x10680] =	vst v2;
	v54 =	vmul.f32 v2, v13;
	v3 =	vadd.f32 v8, v3;
	v55 =	vmul.f32 v4, v14  }
0x200: {  	v2 =	vmul.f32 v2, v14;
	[tilespmem:s9+$0x11940] =	vst v5;
	v56 =	vmul.f32 v4, v13  }
0x201: {  	v57 =	vadd.s32 $0x1, v1;
	[tilespmem:s9+$0x11300] =	vst v3;
	v6 =	vsub.f32 v54, v55  }
0x202: {  	v59 =	vadd.s32 $0x2, v1;
	[tilespmem:s9+$0x10CC0] =	vst v4;
	v2 =	vadd.f32 v56, v2  }
0x203: {  	v60 =	vadd.s32 $0x12C0, v1;
	[tilespmem:s9+$0x14500] =	vst v6  }
0x204: {  	v61 =	vld [tilespmem:s9+$0x8340];
	v62 =	vadd.s32 $0x12C1, v1;
	[tilespmem:s9+$0x14B40] =	vst v2  }
0x205: {  	v58 =	vld [tilespmem:s9+$0x8980];
	v63 =	vadd.s32 $0x12C2, v1;
	[tilespmem:v1+s5+$0x0] =	vst.idx.msk $0xffff, v6  }
0x206: {  	v6 =	vsub.f32 $0.0e+00, v6;
	[tilespmem:v57+s5+$0x0] =	vst.idx.msk $0xffff, v2  }
0x207: {  	v2 =	vsub.f32 $0.0e+00, v2;
	[tilespmem:v59+s5+$0x0] =	vst.idx.msk $0xffff, v3  }
0x208: {  	[tilespmem:v60+s5+$0x0] =	vst.idx.msk $0xffff, v6  }
0x209: {  	v3 =	vmul.u32 $0x3, v61;
	[tilespmem:v62+s5+$0x0] =	vst.idx.msk $0xffff, v2  }
0x20a: {  	[tilespmem:v63+s5+$0x0] =	vst.idx.msk $0xffff, v5  }
0x20b: {  	[tilespmem:v1+s7+$0x0] =	vst.idx.msk $0xffff, v3;
	v1 =	vadd.s32 $0x1, v3  }
0x20c: {  	v2 =	vmul.u32 $0x3, v58;
	[tilespmem:v57+s7+$0x0] =	vst.idx.msk $0xffff, v1;
	v1 =	vadd.s32 $0x2, v3  }
0x20d: {  	[tilespmem:v59+s7+$0x0] =	vst.idx.msk $0xffff, v1  }
0x20e: {  	v1 =	vadd.s32 $0x1, v2;
	[tilespmem:v60+s7+$0x0] =	vst.idx.msk $0xffff, v2  }
0x20f: {  	[tilespmem:v62+s7+$0x0] =	vst.idx.msk $0xffff, v1;
	v1 =	vadd.s32 $0x2, v2  }
0x210: {  	s11 =	sadd.s32 s16, s8;
	s10 =	simm.s32 $0x10680;
	[tilespmem:v63+s7+$0x0] =	vst.idx.msk $0xffff, v1  }
0x211: {  	[hbm4b:s11+s14] =	stream.linear.scatter [tilespmem:s10], [sflag:$0x2], $0x640, $0x38;
	[tilespmem:$0x1F880] =	vst v63  }
0x212: {  	s12 =	sadd.s32 s17, s8;
	s13 =	simm.s32 $0x10CC0;
	s10 =	rddreg [dreg:$0x9]  }
0x213: {  	[hbm4b:s12+s14] =	stream.linear.scatter [tilespmem:s13], [sflag:$0x2], $0x640, $0x38;
	[tilespmem:$0x1F880] =	vst v63  }
0x214: {  	s11 =	simm.s32 $0x11300;
	s9 =	sadd.s32 s10, s8;
	s12 =	rddreg [dreg:$0xa]  }
0x215: {  	[hbm4b:s9+s14] =	stream.linear.scatter [tilespmem:s11], [sflag:$0x2], $0x640, $0x38;
	[tilespmem:$0x1F880] =	vst v63  }
0x216: {  	s13 =	simm.s32 $0x11940;
	s9 =	sadd.s32 s12, s8  }
0x217: {  	[hbm4b:s9+s14] =	stream.linear.scatter [tilespmem:s13], [sflag:$0x2], $0x640, $0x38;
	[tilespmem:$0x1F880] =	vst v63  }
0x218: {  	s10 =	sadd.s32 s18, s8;
	s11 =	simm.s32 $0x11F80  }
0x219: {  	[hbm4b:s10+s14] =	stream.linear.scatter [tilespmem:s11], [sflag:$0x2], $0x640, $0x38;
	[tilespmem:$0x1F880] =	vst v63  }
0x21a: {  	s12 =	sadd.s32 s21, s8;
	s13 =	simm.s32 $0x125C0  }
0x21b: {  	[hbm4b:s12+s14] =	stream.linear.scatter [tilespmem:s13], [sflag:$0x2], $0x640, $0x38;
	[tilespmem:$0x1F880] =	vst v63  }
0x21c: {  	s10 =	sadd.s32 s22, s8;
	s11 =	simm.s32 $0x12C00  }
0x21d: {  	[hbm4b:s10+s14] =	stream.linear.scatter [tilespmem:s11], [sflag:$0x2], $0x640, $0x38;
	[tilespmem:$0x1F880] =	vst v63  }
0x21e: {  	s12 =	sadd.s32 s23, s8;
	s13 =	simm.s32 $0x13240  }
0x21f: {  	[hbm4b:s12+s14] =	stream.linear.scatter [tilespmem:s13], [sflag:$0x2], $0x640, $0x38;
	[tilespmem:$0x1F880] =	vst v63  }
0x220: {  	s10 =	sadd.s32 s24, s8;
	s11 =	simm.s32 $0x13880  }
0x221: {  	[hbm4b:s10+s14] =	stream.linear.scatter [tilespmem:s11], [sflag:$0x2], $0x640, $0x38;
	[tilespmem:$0x1F880] =	vst v63  }
0x222: {  	s12 =	sadd.s32 s25, s8;
	s13 =	simm.s32 $0x13EC0  }
0x223: {  	[hbm4b:s12+s14] =	stream.linear.scatter [tilespmem:s13], [sflag:$0x2], $0x640, $0x38;
	[tilespmem:$0x1F880] =	vst v63  }
0x224: {  	s10 =	sadd.s32 s26, s8;
	s11 =	simm.s32 $0x14500  }
0x225: {  	[hbm4b:s10+s14] =	stream.linear.scatter [tilespmem:s11], [sflag:$0x2], $0x640, $0x38;
	[tilespmem:$0x1F880] =	vst v63  }
0x226: {  	s12 =	sadd.s32 s28, s8;
	s13 =	simm.s32 $0x14B40;
	s10 =	rddreg [dreg:$0xb]  }
0x227: {  	[hbm4b:s12+s14] =	stream.linear.scatter [tilespmem:s13], [sflag:$0x2], $0x640, $0x38;
	[tilespmem:$0x1F880] =	vst v63  }
0x228: {  	s11 =	simm.s32 $0x15180;
	s9 =	sadd.s32 s10, s8;
	s12 =	rddreg [dreg:$0xc]  }
0x229: {  	[hbm4b:s9+s14] =	stream.linear.scatter [tilespmem:s11], [sflag:$0x2], $0x640, $0x38;
	[tilespmem:$0x1F880] =	vst v63  }
0x22a: {  	s10 =	rddreg [dreg:$0xd];
	s13 =	simm.s32 $0x157C0;
	s9 =	sadd.s32 s12, s8  }
0x22b: {  	[hbm4b:s9+s14] =	stream.linear.scatter [tilespmem:s13], [sflag:$0x2], $0x640, $0x38;
	[tilespmem:$0x1F880] =	vst v63  }
0x22c: {  	s11 =	sadd.s32 s10, s8;
	s12 =	simm.s32 $0x15E00  }
0x22d: {  	[hbm4b:s11+s14] =	stream.linear.scatter [tilespmem:s12], [sflag:$0x2], $0x640, $0x38;
	[tilespmem:$0x1F880] =	vst v63  }
0x22e: {  	s13 =	simm.s32 $0x2580  }
0x22f: {  	[spmem:s15] =	stream.indirect.scatter.add.f32 [tilespmem:s5], [sflag:$0x3], $0x1, s7, s13, $0xb8;
	[tilespmem:$0x1F880] =	vst v63  }
0x230: {  	_ =	swait.ge [sflag:s6], $0x2580  }
0x231: {  	[sflag:s6] =	ssyncset.done $0x0  }
0x232: {  	[sflag:s6] =	ssyncadd.s32 $0xFFFFDA80  }
0x233: {  	_ =	swait.ge [sflag:s1], $0x640  }
0x234: {  	[sflag:s1] =	ssyncset.done $0x0  }
0x235: {  	[sflag:s1] =	ssyncadd.s32 $0xFFFFF9C0  }
0x236: {  	_ =	swait.ge [sflag:s1], $0x640  }
0x237: {  	[sflag:s1] =	ssyncset.done $0x0  }
0x238: {  	[sflag:s1] =	ssyncadd.s32 $0xFFFFF9C0  }
0x239: {  	_ =	swait.ge [sflag:s1], $0x640  }
0x23a: {  	[sflag:s1] =	ssyncset.done $0x0  }
0x23b: {  	[sflag:s1] =	ssyncadd.s32 $0xFFFFF9C0  }
0x23c: {  	_ =	swait.ge [sflag:s1], $0x640  }
0x23d: {  	[sflag:s1] =	ssyncset.done $0x0  }
0x23e: {  	[sflag:s1] =	ssyncadd.s32 $0xFFFFF9C0  }
0x23f: {  	_ =	swait.ge [sflag:s1], $0x640  }
0x240: {  	[sflag:s1] =	ssyncset.done $0x0  }
0x241: {  	[sflag:s1] =	ssyncadd.s32 $0xFFFFF9C0  }
0x242: {  	_ =	swait.ge [sflag:s1], $0x640  }
0x243: {  	[sflag:s1] =	ssyncset.done $0x0  }
0x244: {  	[sflag:s1] =	ssyncadd.s32 $0xFFFFF9C0  }
0x245: {  	_ =	swait.ge [sflag:s1], $0x640  }
0x246: {  	[sflag:s1] =	ssyncset.done $0x0  }
0x247: {  	[sflag:s1] =	ssyncadd.s32 $0xFFFFF9C0  }
0x248: {  	_ =	swait.ge [sflag:s1], $0x640  }
0x249: {  	[sflag:s1] =	ssyncset.done $0x0  }
0x24a: {  	[sflag:s1] =	ssyncadd.s32 $0xFFFFF9C0  }
0x24b: {  	_ =	swait.ge [sflag:s1], $0x640  }
0x24c: {  	[sflag:s1] =	ssyncset.done $0x0  }
0x24d: {  	[sflag:s1] =	ssyncadd.s32 $0xFFFFF9C0  }
0x24e: {  	_ =	swait.ge [sflag:s1], $0x640  }
0x24f: {  	[sflag:s1] =	ssyncset.done $0x0  }
0x250: {  	[sflag:s1] =	ssyncadd.s32 $0xFFFFF9C0  }
0x251: {  	_ =	swait.ge [sflag:s1], $0x640  }
0x252: {  	[sflag:s1] =	ssyncset.done $0x0  }
0x253: {  	[sflag:s1] =	ssyncadd.s32 $0xFFFFF9C0  }
0x254: {  	_ =	swait.ge [sflag:s1], $0x640  }
0x255: {  	[sflag:s1] =	ssyncset.done $0x0  }
0x256: {  	[sflag:s1] =	ssyncadd.s32 $0xFFFFF9C0  }
0x257: {  	_ =	swait.ge [sflag:s1], $0x640  }
0x258: {  	[sflag:s1] =	ssyncset.done $0x0  }
0x259: {  	s2 =	sadd.s32 $0x1, s2;
	[sflag:s1] =	ssyncadd.s32 $0xFFFFF9C0  }
0x25a: {  	p1 =	sne.s32 s2, $0x3E;
	_ =	swait.ge [sflag:s1], $0x640  }
.Ltmp2:
0x25b: {  	[sflag:s1] =	ssyncset.done $0x0;
	(pc) =	sbr.rel @p1 .LBB3_2-.Ltmp2, $4  }
0x25c: {  	[sflag:s1] =	ssyncadd.s32 $0xFFFFF9C0  }
0x25d: {  	_ =	swait.ge [sflag:s1], $0x640  }
0x25e: {  	[sflag:s1] =	ssyncset.done $0x0  }
0x25f: {  	[sflag:s1] =	ssyncadd.s32 $0xFFFFF9C0  }
0x260: {  	_ =	swait.ge [sflag:s31], $0x3200  }
0x261: {  	[sflag:s31] =	ssyncset.done $0x0  }
0x262: {  	[sflag:s31] =	ssyncadd.s32 $0xFFFFCE00  }
0x263: {  	_ =	swait.ge [sflag:s31], $0x3200  }
0x264: {  	[sflag:s31] =	ssyncset.done $0x0  }
0x265: {  	[sflag:s31] =	ssyncadd.s32 $0xFFFFCE00  }
0x266: {  	_ =	swait.ge [sflag:s31], $0x640  }
0x267: {  	s8 =	simm.s32 $0x0;
	[sflag:s31] =	ssyncset.done $0x0  }
0x268: {  	v1 =	vor.u32 s8, v0;
	[sflag:s31] =	ssyncadd.s32 $0xFFFFF9C0  }
0x269: {  	v2 =	vshll.u32 v1, $0x3;
	_ =	swait.ge [sflag:s31], $0x640  }
0x26a: {  	v3 =	vor.u32 $0x4, v2;
	[sflag:s31] =	ssyncset.done $0x0  }
0x26b: {  	v4 =	vor.u32 $0x3, v2;
	[sflag:s31] =	ssyncadd.s32 $0xFFFFF9C0  }
0x26c: {  	_ =	swait.ge [sflag:s31], $0x640  }
0x26d: {  	[sflag:s31] =	ssyncset.done $0x0  }
0x26e: {  	[sflag:s31] =	ssyncadd.s32 $0xFFFFF9C0  }
0x26f: {  	v5 =	vld.idx.msk [tilespmem:v3+s30+$0x0], $0xffff  }
0x270: {  	v6 =	vld.idx.msk [tilespmem:v4+s29+$0x0], $0xffff  }
0x271: {  	v4 =	vld.idx.msk [tilespmem:v4+s30+$0x0], $0xffff  }
0x272: {  	v3 =	vld.idx.msk [tilespmem:v3+s29+$0x0], $0xffff;
	_ =	sdelay $0x4  }
0x273: {  	v13 =	vsub.f32 v4, v6;
	v14 =	vsub.f32 v5, v3;
	_ =	sdelay $0x1  }
0x274: {  	v3 =	vmul.f32 v13, v13;
	v4 =	vmul.f32 v14, v14;
	_ =	sdelay $0x1  }
0x275: {  	v5 =	vadd.f32 v4, v3;
	_ =	sdelay $0x1  }
0x276: {  	v3 =	vshrl.u32 v5, $0x1;
	v7 =	vmul.f32 $5.000000000e-01, v5  }
0x277: {  	v4 =	vsub.s32 $0x5F3759DF, v3  }
0x278: {  	v3 =	vmul.f32 v4, v7  }
0x279: {  	v6 =	vor.u32 $0x2, v2  }
0x27a: {  	v3 =	vmul.f32 v4, v3;
	_ =	sdelay $0x1  }
0x27b: {  	s2 =	simm.s32 $0x0;
	v8 =	vsub.f32 $1.500000000e+00, v3  }
0x27c: {  	v15 =	vld [tilespmem:s2+$0x7080]  }
0x27d: {  	v3 =	vld.idx.msk [tilespmem:v6+s30+$0x0], $0xffff;
	v8 =	vmul.f32 v4, v8  }
0x27e: {  	v6 =	vld.idx.msk [tilespmem:v6+s29+$0x0], $0xffff  }
0x27f: {  	v4 =	vld [tilespmem:s2+$0x76C0];
	v9 =	vmul.f32 v8, v7;
	_ =	sdelay $0x1  }
0x280: {  	v9 =	vmul.f32 v9, v8;
	_ =	sdelay $0x1  }
0x281: {  	v9 =	vsub.f32 $1.500000000e+00, v9  }
0x282: {  	v17 =	vor.u32 $0x1, v2;
	v12 =	vadd.f32 v3, v6;
	v10 =	vmul.f32 v4, v15  }
0x283: {  	s9 =	simm.s32 $0x40;
	v11 =	vadd.f32 v6, v6;
	v4 =	vmul.f32 $4.000000000e+00, v6;
	v16 =	vmul.f32 v9, v8  }
.LBB3_8:
0x284: {  	p1 =	sne.s32 s9, $0x18C0  }
0x285: {  	s8 =	sadd.s32 $0x10, s8;
	s10 =	smov.u32 s9;
	s9 =	sadd.s32 $0x40, s9  }
0x286: {  	v18 =	vor.u32 s8, v0;
	v7 =	vmul.f32 v16, v7  }
0x287: {  	v19 =	vshll.u32 v18, $0x3;
	v20 =	vld.idx.msk [tilespmem:v17+s30+$0x0], $0xffff  }
0x288: {  	v9 =	vor.u32 $0x3, v19;
	v8 =	vor.u32 $0x4, v19;
	v21 =	vld [tilespmem:s2+$0x7D00];
	v22 =	vmul.f32 v7, v16  }
0x289: {  	v7 =	vor.u32 $0x2, v19;
	v17 =	vld.idx.msk [tilespmem:v17+s29+$0x0], $0xffff  }
0x28a: {  	v23 =	vld.idx.msk [tilespmem:v2+s29+$0x0], $0xffff;
	v22 =	vsub.f32 $1.500000000e+00, v22  }
0x28b: {  	v24 =	vld.idx.msk [tilespmem:v2+s30+$0x0], $0xffff;
	v2 =	vmov v19  }
0x28c: {  	v16 =	vmul.f32 v22, v16  }
0x28d: {  	v19 =	vmul.f32 $4.000000000e+00, v3;
	v15 =	vmul.f32 v21, v15  }
0x28e: {  	v13 =	vmul.f32 v16, v13;
	v14 =	vmul.f32 v16, v14  }
0x28f: {  	v21 =	vmul.f32 v16, v16;
	v22 =	vmul.f32 v16, v15  }
0x290: {  	v25 =	vmul.f32 v13, v17;
	v26 =	vmul.f32 v14, v23  }
0x291: {  	v27 =	vmul.f32 v13, v20;
	v28 =	vmul.f32 v14, v24  }
0x292: {  	v15 =	vmul.f32 v21, v15;
	v23 =	vmul.f32 v13, v23;
	v25 =	vsub.f32 v25, v26  }
0x293: {  	v17 =	vmul.f32 v14, v17;
	v24 =	vmul.f32 v13, v24;
	v26 =	vsub.f32 v27, v28  }
0x294: {  	v11 =	vadd.f32 v19, v11;
	v20 =	vmul.f32 v14, v20;
	v12 =	vmul.f32 v15, v12;
	[tilespmem:s2+$0x13EC0] =	vst v3  }
0x295: {  	v19 =	vmul.f32 v21, v22;
	v17 =	vadd.f32 v17, v23;
	v21 =	vsub.f32 v25, v26;
	[tilespmem:s2+$0x12C00] =	vst v6  }
0x296: {  	v5 =	vmul.f32 v16, v5;
	v6 =	vmul.f32 v16, v10;
	v10 =	vadd.f32 v20, v24;
	[tilespmem:s2+$0x15E00] =	vst v14  }
0x297: {  	v3 =	vadd.f32 v3, v3;
	v16 =	vmul.f32 v21, v19;
	v15 =	vmul.f32 v21, v15;
	[tilespmem:s2+$0x157C0] =	vst v13  }
0x298: {  	v11 =	vmul.f32 v22, v11;
	v19 =	vsub.f32 v17, v10;
	[tilespmem:s2+$0x15180] =	vst v5  }
0x299: {  	v12 =	vmul.f32 $6.000000000e+00, v12;
	v3 =	vadd.f32 v3, v4;
	v5 =	vmul.f32 $1.200000000e+01, v16;
	[tilespmem:s2+$0x125C0] =	vst v25  }
0x29a: {  	v4 =	vmul.f32 v19, v6;
	v6 =	vmul.f32 $6.000000000e+00, v15;
	[tilespmem:s2+$0x13240] =	vst v10  }
0x29b: {  	v3 =	vmul.f32 v22, v3;
	v10 =	vmul.u32 $0x3, v1;
	v5 =	vadd.f32 v5, v12;
	v1 =	vmovc v18;
	[tilespmem:s2+$0x13880] =	vst v26  }
0x29c: {  	v11 =	vadd.f32 v6, v11;
	v12 =	vmul.f32 v4, v13;
	v15 =	vmul.f32 v4, v14;
	[tilespmem:s2+$0x11F80] =	vst v17  }
0x29d: {  	v3 =	vadd.f32 v6, v3;
	v6 =	vmul.f32 v5, v14;
	v13 =	vmul.f32 v5, v13;
	[tilespmem:s2+$0x10680] =	vst v4  }
0x29e: {  	[tilespmem:s2+$0x11940] =	vst v11  }
0x29f: {  	v4 =	vsub.f32 v12, v6;
	v6 =	vadd.f32 v13, v15;
	v12 =	vadd.s32 $0x1, v10;
	[tilespmem:s2+$0x11300] =	vst v3  }
0x2a0: {  	[tilespmem:s2+$0x10CC0] =	vst v5;
	v5 =	vadd.s32 $0x2, v10  }
0x2a1: {  	v14 =	vadd.s32 $0x12C0, v10;
	v13 =	vld [tilespmem:s2+$0x640];
	[tilespmem:s2+$0x14500] =	vst v4  }
0x2a2: {  	v16 =	vadd.s32 $0x12C1, v10;
	v15 =	vld [tilespmem:s2+$0x0];
	[tilespmem:s2+$0x14B40] =	vst v6  }
0x2a3: {  	v17 =	vadd.s32 $0x12C2, v10;
	[tilespmem:v10+s5+$0x0] =	vst.idx.msk $0xffff, v4  }
0x2a4: {  	v4 =	vsub.f32 $0.0e+00, v4;
	[tilespmem:v12+s5+$0x0] =	vst.idx.msk $0xffff, v6  }
0x2a5: {  	[tilespmem:v5+s5+$0x0] =	vst.idx.msk $0xffff, v3;
	v3 =	vsub.f32 $0.0e+00, v6  }
0x2a6: {  	[tilespmem:v14+s5+$0x0] =	vst.idx.msk $0xffff, v4  }
0x2a7: {  	v4 =	vmul.u32 $0x3, v15;
	[tilespmem:v16+s5+$0x0] =	vst.idx.msk $0xffff, v3  }
0x2a8: {  	[tilespmem:v17+s5+$0x0] =	vst.idx.msk $0xffff, v11  }
0x2a9: {  	[tilespmem:v10+s7+$0x0] =	vst.idx.msk $0xffff, v4;
	v3 =	vadd.s32 $0x1, v4  }
0x2aa: {  	v6 =	vmul.u32 $0x3, v13;
	[tilespmem:v12+s7+$0x0] =	vst.idx.msk $0xffff, v3;
	v3 =	vadd.s32 $0x2, v4  }
0x2ab: {  	[tilespmem:v5+s7+$0x0] =	vst.idx.msk $0xffff, v3  }
0x2ac: {  	v3 =	vadd.s32 $0x1, v6;
	[tilespmem:v14+s7+$0x0] =	vst.idx.msk $0xffff, v6  }
0x2ad: {  	[tilespmem:v16+s7+$0x0] =	vst.idx.msk $0xffff, v3;
	v3 =	vadd.s32 $0x2, v6  }
0x2ae: {  	s2 =	sshra.s32 s10, $0x2;
	[tilespmem:v17+s7+$0x0] =	vst.idx.msk $0xffff, v3;
	_ =	sdelay $0x2  }
0x2af: {  	v4 =	vld.idx.msk [tilespmem:v8+s30+$0x0], $0xffff  }
0x2b0: {  	v5 =	vld.idx.msk [tilespmem:v9+s29+$0x0], $0xffff  }
0x2b1: {  	v9 =	vld.idx.msk [tilespmem:v9+s30+$0x0], $0xffff  }
0x2b2: {  	v8 =	vld.idx.msk [tilespmem:v8+s29+$0x0], $0xffff;
	_ =	sdelay $0x1  }
0x2b3: {  	v15 =	vld [tilespmem:s2+$0x7080]  }
0x2b4: {  	v3 =	vld.idx.msk [tilespmem:v7+s30+$0x0], $0xffff  }
0x2b5: {  	v6 =	vld.idx.msk [tilespmem:v7+s29+$0x0], $0xffff  }
0x2b6: {  	v13 =	vsub.f32 v9, v5;
	v7 =	vld [tilespmem:s2+$0x76C0]  }
0x2b7: {  	v14 =	vsub.f32 v4, v8;
	_ =	sdelay $0x1  }
0x2b8: {  	v4 =	vmul.f32 v13, v13;
	v5 =	vmul.f32 v14, v14;
	_ =	sdelay $0x1  }
0x2b9: {  	v5 =	vadd.f32 v5, v4;
	v12 =	vadd.f32 v3, v6;
	v10 =	vmul.f32 v7, v15  }
0x2ba: {  	v4 =	vmul.f32 $4.000000000e+00, v6;
	v11 =	vadd.f32 v6, v6  }
0x2bb: {  	v8 =	vshrl.u32 v5, $0x1;
	v7 =	vmul.f32 $5.000000000e-01, v5  }
0x2bc: {  	v8 =	vsub.s32 $0x5F3759DF, v8  }
0x2bd: {  	v9 =	vmul.f32 v8, v7;
	_ =	sdelay $0x1  }
0x2be: {  	v9 =	vmul.f32 v8, v9;
	_ =	sdelay $0x1  }
0x2bf: {  	v9 =	vsub.f32 $1.500000000e+00, v9;
	_ =	sdelay $0x1  }
0x2c0: {  	v8 =	vmul.f32 v8, v9;
	_ =	sdelay $0x1  }
0x2c1: {  	v9 =	vmul.f32 v8, v7;
	_ =	sdelay $0x1  }
.Ltmp3:
0x2c2: {  	v9 =	vmul.f32 v9, v8;
	(pc) =	sbr.rel @p1 .LBB3_8-.Ltmp3, $3  }
0x2c3: {  	_ = 	snop  }
0x2c4: {  	v17 =	vor.u32 $0x1, v2;
	v9 =	vsub.f32 $1.500000000e+00, v9;
	_ =	sdelay $0x1  }
0x2c5: {  	v16 =	vmul.f32 v9, v8  }
0x2c6: {  	_ = 	snop  }
0x2c7: {  	v7 =	vmul.f32 v16, v7;
	_ =	sdelay $0x1  }
0x2c8: {  	v8 =	vld [tilespmem:s2+$0x7D00];
	v7 =	vmul.f32 v7, v16  }
0x2c9: {  	v9 =	vld.idx.msk [tilespmem:v17+s30+$0x0], $0xffff  }
0x2ca: {  	v44 =	vld.idx.msk [tilespmem:v17+s29+$0x0], $0xffff;
	v7 =	vsub.f32 $1.500000000e+00, v7  }
0x2cb: {  	v18 =	vld.idx.msk [tilespmem:v2+s29+$0x0], $0xffff  }
0x2cc: {  	v2 =	vld.idx.msk [tilespmem:v2+s30+$0x0], $0xffff;
	v7 =	vmul.f32 v7, v16  }
0x2cd: {  	v45 =	vmul.f32 $4.000000000e+00, v3  }
0x2ce: {  	v13 =	vmul.f32 v7, v13;
	v14 =	vmul.f32 v7, v14  }
0x2cf: {  	v8 =	vmul.f32 v8, v15;
	v16 =	vmul.f32 v7, v7  }
0x2d0: {  	v20 =	vmul.f32 v13, v44;
	v21 =	vmul.f32 v14, v18  }
0x2d1: {  	v22 =	vmul.f32 v13, v9;
	v23 =	vmul.f32 v14, v2  }
0x2d2: {  	v19 =	vmul.f32 v7, v8;
	v8 =	vmul.f32 v16, v8  }
0x2d3: {  	v18 =	vmul.f32 v13, v18;
	v20 =	vsub.f32 v20, v21;
	v46 =	vsub.f32 v22, v23  }
0x2d4: {  	[tilespmem:s2+$0x13EC0] =	vst v3;
	v3 =	vadd.f32 v3, v3;
	v17 =	vmul.f32 v14, v44;
	v2 =	vmul.f32 v13, v2  }
0x2d5: {  	[tilespmem:s2+$0x12C00] =	vst v6;
	v9 =	vmul.f32 v14, v9;
	v16 =	vmul.f32 v16, v19;
	v22 =	vsub.f32 v20, v46  }
0x2d6: {  	v48 =	vadd.f32 v45, v11;
	v5 =	vmul.f32 v7, v5;
	[tilespmem:s2+$0x15E00] =	vst v14;
	v12 =	vmul.f32 v8, v12  }
0x2d7: {  	[tilespmem:s2+$0x157C0] =	vst v13;
	v47 =	vadd.f32 v17, v18;
	v2 =	vadd.f32 v9, v2;
	v49 =	vmul.f32 v22, v16  }
0x2d8: {  	v3 =	vadd.f32 v3, v4;
	v7 =	vmul.f32 v7, v10;
	[tilespmem:s2+$0x15180] =	vst v5;
	v8 =	vmul.f32 v22, v8  }
0x2d9: {  	v50 =	vsub.f32 v47, v2;
	[tilespmem:s2+$0x125C0] =	vst v20;
	v53 =	vmul.f32 $6.000000000e+00, v12;
	v52 =	vmul.f32 $1.200000000e+01, v49  }
0x2da: {  	v51 =	vmul.f32 v19, v48;
	[tilespmem:s2+$0x13240] =	vst v2;
	v8 =	vmul.f32 $6.000000000e+00, v8  }
0x2db: {  	v3 =	vmul.f32 v19, v3;
	[tilespmem:s2+$0x13880] =	vst v46;
	v2 =	vmul.f32 v50, v7;
	v4 =	vadd.f32 v52, v53  }
0x2dc: {  	v1 =	vmul.u32 $0x3, v1;
	[tilespmem:s2+$0x11F80] =	vst v47;
	v5 =	vadd.f32 v8, v51  }
0x2dd: {  	[tilespmem:s2+$0x10680] =	vst v2;
	v54 =	vmul.f32 v2, v13;
	v3 =	vadd.f32 v8, v3;
	v55 =	vmul.f32 v4, v14  }
0x2de: {  	v2 =	vmul.f32 v2, v14;
	[tilespmem:s2+$0x11940] =	vst v5;
	v56 =	vmul.f32 v4, v13  }
0x2df: {  	v57 =	vadd.s32 $0x1, v1;
	[tilespmem:s2+$0x11300] =	vst v3;
	v6 =	vsub.f32 v54, v55  }
0x2e0: {  	v59 =	vadd.s32 $0x2, v1;
	[tilespmem:s2+$0x10CC0] =	vst v4;
	v2 =	vadd.f32 v56, v2  }
0x2e1: {  	v60 =	vadd.s32 $0x12C0, v1;
	[tilespmem:s2+$0x14500] =	vst v6  }
0x2e2: {  	v61 =	vld [tilespmem:s2+$0x0];
	v62 =	vadd.s32 $0x12C1, v1;
	[tilespmem:s2+$0x14B40] =	vst v2  }
0x2e3: {  	v58 =	vld [tilespmem:s2+$0x640];
	v63 =	vadd.s32 $0x12C2, v1;
	[tilespmem:v1+s5+$0x0] =	vst.idx.msk $0xffff, v6  }
0x2e4: {  	v6 =	vsub.f32 $0.0e+00, v6;
	[tilespmem:v57+s5+$0x0] =	vst.idx.msk $0xffff, v2  }
0x2e5: {  	v2 =	vsub.f32 $0.0e+00, v2;
	[tilespmem:v59+s5+$0x0] =	vst.idx.msk $0xffff, v3  }
0x2e6: {  	[tilespmem:v60+s5+$0x0] =	vst.idx.msk $0xffff, v6  }
0x2e7: {  	v3 =	vmul.u32 $0x3, v61;
	[tilespmem:v62+s5+$0x0] =	vst.idx.msk $0xffff, v2  }
0x2e8: {  	[tilespmem:v63+s5+$0x0] =	vst.idx.msk $0xffff, v5  }
0x2e9: {  	[tilespmem:v1+s7+$0x0] =	vst.idx.msk $0xffff, v3;
	v1 =	vadd.s32 $0x1, v3  }
0x2ea: {  	v2 =	vmul.u32 $0x3, v58;
	[tilespmem:v57+s7+$0x0] =	vst.idx.msk $0xffff, v1;
	v1 =	vadd.s32 $0x2, v3  }
0x2eb: {  	[tilespmem:v59+s7+$0x0] =	vst.idx.msk $0xffff, v1  }
0x2ec: {  	v1 =	vadd.s32 $0x1, v2;
	[tilespmem:v60+s7+$0x0] =	vst.idx.msk $0xffff, v2  }
0x2ed: {  	s11 =	rddreg [dreg:$0x17];
	[tilespmem:v62+s7+$0x0] =	vst.idx.msk $0xffff, v1;
	v1 =	vadd.s32 $0x2, v2  }
0x2ee: {  	s8 =	simm.s32 $0x10680;
	s12 =	rddreg [dreg:$0x18];
	[tilespmem:v63+s7+$0x0] =	vst.idx.msk $0xffff, v1  }
0x2ef: {  	[hbm4b:s11+s14] =	stream.linear.scatter [tilespmem:s8], [sflag:$0x2], $0x640, $0x38;
	[tilespmem:$0x1F880] =	vst v63  }
0x2f0: {  	s13 =	simm.s32 $0x10CC0;
	s10 =	rddreg [dreg:$0x1a]  }
0x2f1: {  	[hbm4b:s12+s14] =	stream.linear.scatter [tilespmem:s13], [sflag:$0x2], $0x640, $0x38;
	[tilespmem:$0x1F880] =	vst v63  }
0x2f2: {  	s9 =	simm.s32 $0x11300;
	s8 =	rddreg [dreg:$0x19]  }
0x2f3: {  	[hbm4b:s8+s14] =	stream.linear.scatter [tilespmem:s9], [sflag:$0x2], $0x640, $0x38;
	[tilespmem:$0x1F880] =	vst v63  }
0x2f4: {  	s11 =	simm.s32 $0x11940;
	s12 =	rddreg [dreg:$0x1b]  }
0x2f5: {  	[hbm4b:s10+s14] =	stream.linear.scatter [tilespmem:s11], [sflag:$0x2], $0x640, $0x38;
	[tilespmem:$0x1F880] =	vst v63  }
0x2f6: {  	s13 =	simm.s32 $0x11F80;
	s8 =	rddreg [dreg:$0x1c]  }
0x2f7: {  	[hbm4b:s12+s14] =	stream.linear.scatter [tilespmem:s13], [sflag:$0x2], $0x640, $0x38;
	[tilespmem:$0x1F880] =	vst v63  }
0x2f8: {  	s9 =	simm.s32 $0x125C0;
	s10 =	rddreg [dreg:$0x1d]  }
0x2f9: {  	[hbm4b:s8+s14] =	stream.linear.scatter [tilespmem:s9], [sflag:$0x2], $0x640, $0x38;
	[tilespmem:$0x1F880] =	vst v63  }
0x2fa: {  	s11 =	simm.s32 $0x12C00;
	s12 =	rddreg [dreg:$0x1e]  }
0x2fb: {  	[hbm4b:s10+s14] =	stream.linear.scatter [tilespmem:s11], [sflag:$0x2], $0x640, $0x38;
	[tilespmem:$0x1F880] =	vst v63  }
0x2fc: {  	s13 =	simm.s32 $0x13240;
	s8 =	rddreg [dreg:$0x1f]  }
0x2fd: {  	[hbm4b:s12+s14] =	stream.linear.scatter [tilespmem:s13], [sflag:$0x2], $0x640, $0x38;
	[tilespmem:$0x1F880] =	vst v63  }
0x2fe: {  	s9 =	simm.s32 $0x13880;
	s10 =	sld [smem:$0x7F3]  }
0x2ff: {  	[hbm4b:s8+s14] =	stream.linear.scatter [tilespmem:s9], [sflag:$0x2], $0x640, $0x38;
	[tilespmem:$0x1F880] =	vst v63  }
0x300: {  	s11 =	simm.s32 $0x13EC0;
	s12 =	sld [smem:$0x7F4]  }
0x301: {  	[hbm4b:s10+s14] =	stream.linear.scatter [tilespmem:s11], [sflag:$0x2], $0x640, $0x38;
	[tilespmem:$0x1F880] =	vst v63  }
0x302: {  	s13 =	simm.s32 $0x14500;
	s8 =	sld [smem:$0x7F5]  }
0x303: {  	[hbm4b:s12+s14] =	stream.linear.scatter [tilespmem:s13], [sflag:$0x2], $0x640, $0x38;
	[tilespmem:$0x1F880] =	vst v63  }
0x304: {  	s9 =	simm.s32 $0x14B40;
	s10 =	sld [smem:$0x7F6]  }
0x305: {  	[hbm4b:s8+s14] =	stream.linear.scatter [tilespmem:s9], [sflag:$0x2], $0x640, $0x38;
	[tilespmem:$0x1F880] =	vst v63  }
0x306: {  	s11 =	simm.s32 $0x15180;
	s12 =	sld [smem:$0x7F7]  }
0x307: {  	[hbm4b:s10+s14] =	stream.linear.scatter [tilespmem:s11], [sflag:$0x2], $0x640, $0x38;
	[tilespmem:$0x1F880] =	vst v63  }
0x308: {  	s13 =	simm.s32 $0x157C0;
	s9 =	sld [smem:$0x7F8]  }
0x309: {  	[hbm4b:s12+s14] =	stream.linear.scatter [tilespmem:s13], [sflag:$0x2], $0x640, $0x38;
	[tilespmem:$0x1F880] =	vst v63  }
0x30a: {  	s10 =	simm.s32 $0x15E00  }
0x30b: {  	[hbm4b:s9+s14] =	stream.linear.scatter [tilespmem:s10], [sflag:$0x2], $0x640, $0x38;
	[tilespmem:$0x1F880] =	vst v63  }
0x30c: {  	s11 =	simm.s32 $0x2580  }
0x30d: {  	[spmem:s15] =	stream.indirect.scatter.add.f32 [tilespmem:s5], [sflag:$0x3], $0x1, s7, s11, $0xb8;
	[tilespmem:$0x1F880] =	vst v63  }
0x30e: {  	_ =	swait.ge [sflag:s6], $0x2580  }
0x30f: {  	[sflag:s6] =	ssyncset.done $0x0  }
0x310: {  	[sflag:s6] =	ssyncadd.s32 $0xFFFFDA80  }
0x311: {  	_ =	swait.ge [sflag:s1], $0x640  }
0x312: {  	[sflag:s1] =	ssyncset.done $0x0  }
0x313: {  	[sflag:s1] =	ssyncadd.s32 $0xFFFFF9C0  }
0x314: {  	_ =	swait.ge [sflag:s1], $0x640  }
0x315: {  	[sflag:s1] =	ssyncset.done $0x0  }
0x316: {  	[sflag:s1] =	ssyncadd.s32 $0xFFFFF9C0  }
0x317: {  	_ =	swait.ge [sflag:s1], $0x640  }
0x318: {  	[sflag:s1] =	ssyncset.done $0x0  }
0x319: {  	[sflag:s1] =	ssyncadd.s32 $0xFFFFF9C0  }
0x31a: {  	_ =	swait.ge [sflag:s1], $0x640  }
0x31b: {  	[sflag:s1] =	ssyncset.done $0x0  }
0x31c: {  	[sflag:s1] =	ssyncadd.s32 $0xFFFFF9C0  }
0x31d: {  	_ =	swait.ge [sflag:s1], $0x640  }
0x31e: {  	[sflag:s1] =	ssyncset.done $0x0  }
0x31f: {  	[sflag:s1] =	ssyncadd.s32 $0xFFFFF9C0  }
0x320: {  	_ =	swait.ge [sflag:s1], $0x640  }
0x321: {  	[sflag:s1] =	ssyncset.done $0x0  }
0x322: {  	[sflag:s1] =	ssyncadd.s32 $0xFFFFF9C0  }
0x323: {  	_ =	swait.ge [sflag:s1], $0x640  }
0x324: {  	[sflag:s1] =	ssyncset.done $0x0  }
0x325: {  	[sflag:s1] =	ssyncadd.s32 $0xFFFFF9C0  }
0x326: {  	_ =	swait.ge [sflag:s1], $0x640  }
0x327: {  	[sflag:s1] =	ssyncset.done $0x0  }
0x328: {  	[sflag:s1] =	ssyncadd.s32 $0xFFFFF9C0  }
0x329: {  	_ =	swait.ge [sflag:s1], $0x640  }
0x32a: {  	[sflag:s1] =	ssyncset.done $0x0  }
0x32b: {  	[sflag:s1] =	ssyncadd.s32 $0xFFFFF9C0  }
0x32c: {  	_ =	swait.ge [sflag:s1], $0x640  }
0x32d: {  	[sflag:s1] =	ssyncset.done $0x0  }
0x32e: {  	[sflag:s1] =	ssyncadd.s32 $0xFFFFF9C0  }
0x32f: {  	_ =	swait.ge [sflag:s1], $0x640  }
0x330: {  	[sflag:s1] =	ssyncset.done $0x0  }
0x331: {  	[sflag:s1] =	ssyncadd.s32 $0xFFFFF9C0  }
0x332: {  	_ =	swait.ge [sflag:s1], $0x640  }
0x333: {  	[sflag:s1] =	ssyncset.done $0x0  }
0x334: {  	[sflag:s1] =	ssyncadd.s32 $0xFFFFF9C0  }
0x335: {  	_ =	swait.ge [sflag:s1], $0x640  }
0x336: {  	[sflag:s1] =	ssyncset.done $0x0  }
0x337: {  	[sflag:s1] =	ssyncadd.s32 $0xFFFFF9C0  }
0x338: {  	_ =	swait.ge [sflag:s1], $0x640  }
0x339: {  	[sflag:s1] =	ssyncset.done $0x0  }
0x33a: {  	[sflag:s1] =	ssyncadd.s32 $0xFFFFF9C0  }
0x33b: {  	_ =	swait.ge [sflag:s1], $0x640  }
0x33c: {  	[sflag:s1] =	ssyncset.done $0x0  }
0x33d: {  	[sflag:s1] =	ssyncadd.s32 $0xFFFFF9C0  }
0x33e: {  	[bflag:$0x0] =	sbarrier.arrive $0xFFFF  }
0x33f: {  	s8 =	sld [smem:$0x7F9]  }
0x340: {  	s9 =	sld [smem:$0x7F0];
	_ =	sdelay $0x1  }
0x341: {  	s2 =	simm.s32 @p0 $0x1FC3  }
0x342: {  	[hbm:s8], [sflag:s2] =	dma.local @p0 [spmem:s9], $0x906  }
0x343: {  	s2 =	simm.s32 @p0 $0x3  }
0x344: {  	_ =	swait.ge @p0 [sflag:s2], $0x906  }
0x345: {  	s8 =	sld [smem:$0x7F1]  }
0x346: {  	s9 =	sld [smem:$0x7F2]  }
0x347: {  	[sflag:s2] =	ssyncset.done @p0 $0x0  }
0x348: {  	[sflag:s2] =	ssyncadd.s32 @p0 $0xFFFFF6FA;
	s2 =	rddreg [dreg:$0x10]  }
0x349: {  	[hbm:s2], [sflag:s8] =	dma.local @!p0 [spmem:s9], $0x92A  }
0x34a: {  	s2 =	simm.s32 @!p0 $0x3  }
0x34b: {  	_ =	swait.ge @!p0 [sflag:s2], $0x92A  }
0x34c: {  	s12 =	sld [smem:$0x7EF]  }
0x34d: {  	s13 =	sld [smem:$0x7FA];
	_ =	sdelay $0x1  }
0x34e: {  	s9 =	sadd.s32 $0x1, s12  }
0x34f: {  	p1 =	sne.s32 s9, s13  }
.Ltmp4:
0x350: {  	_ = 	snop;
	(pc) =	sbr.rel @p1 .LBB3_1-.Ltmp4, $3  }
0x351: {  	_ =	sdelay $0x1  }
0x352: {  	[sflag:s2] =	ssyncset.done @!p0 $0x0  }
0x353: {  	[sflag:s2] =	ssyncadd.s32 @!p0 $0xFFFFF6D6  }
0x354: {  	_ =	sfence.sel $0x180000  }
0x355: {  	[bflag:$0x0] =	sbarrier.arrive $0xFFFF  }
0x356: {  	_ =	strace $0x90000047  }
0x357: {  	s0 =	stileid.u32;
	[bflag:$0x2] =	sbarrier.arrive $0xFFFF  }
0x358: {  	p0 =	sne.s32 s0, $0x0;
	s0 =	rddreg [dreg:$0xe]  }
0x359: {  	s0 =	sadd.s32 @!p0 $0x100000, s0  }
0x35a: {  	[sflag:s0] =	ssyncadd.tile.s32 @!p0 $0x1;
	_ =	shalt  }
.Lfunc_end3:
_tile_overlayer_lowered:
.L_overlay_start_3:
0x35b: {  	(tag) =	ssettag $0x3  }
0x35c: {  	s0 =	rddreg [dreg:$0x0];
	s2 =	stileid.u32  }
0x35d: {  	s1 =	rddreg [dreg:$0x1];
	p0 =	sne.s32 s2, $0x0  }
0x35e: {  	s3 =	rddreg [dreg:$0x2];
	[bflag:$0x3] =	sbarrier.arrive $0xFFFF;
	s2 =	simm.s32 @!p0 $0x1C03  }
0x35f: {  	[timem:s3], [sflag:s2] =	dma.local @!p0 [hbm:s0], s1  }
0x360: {  	s0 =	simm.s32 @!p0 $0x3  }
0x361: {  	_ =	swait.ge @!p0 [sflag:s0], s1  }
0x362: {  	s1 =	ssub.s32 @!p0 $0x0, s1;
	[sflag:s0] =	ssyncset.done @!p0 $0x0  }
0x363: {  	[sflag:s0] =	ssyncadd.s32 @!p0 s1  }
0x364: {  	[bflag:$0x3] =	sbarrier.arrive $0xFFFF  }
0x365: {  	_ =	shalt  }

</sc_bundles>
